<compile_context>
chip_gen: v7x
topology: tpu7x:2x2x1
jax: 0.10.2.dev20260603
libtpu: 0.0.44.dev20260713+nightly
codegen_flags: <defaults>
</compile_context>

<pallas_src>
import functools

import jax
import jax.numpy as jnp
from jax import lax
from jax.experimental import pallas as pl
from jax.experimental.pallas import tpu as pltpu
from jax.experimental.pallas import tpu_sc as plsc

F32 = jnp.float32
NC = 2
NS = 16
CHUNK = 128
HG = 64


def _mesh():
    return plsc.VectorSubcoreMesh(
        core_axis_name="c", subcore_axis_name="s", num_cores=NC, num_subcores=NS
    )


def _make_deg_kernel(nrows, nchunks):
    rpt = nrows // NS

    def body(dst_hbm, out_hbm, idx_v, obuf, acc):
        c = lax.axis_index("c")
        s = lax.axis_index("s")

        def fill(i, _):
            obuf[i, :] = jnp.ones((16,), F32)
            return 0

        lax.fori_loop(0, CHUNK, fill, 0)
        pltpu.sync_copy(dst_hbm.at[c, s], idx_v)
        base = s * rpt
        done = 0
        while done < rpt:
            step = min(CHUNK, rpt - done)
            pltpu.sync_copy(obuf.at[pl.ds(0, step)], acc.at[pl.ds(base + done, step)])
            done += step
        plsc.subcore_barrier()

        def scat(j, _):
            pltpu.sync_copy(obuf, acc.at[idx_v.at[j]], add=True)
            return 0

        lax.fori_loop(0, nchunks, scat, 0)
        plsc.subcore_barrier()
        pltpu.sync_copy(acc.at[pl.ds(base, rpt)], out_hbm.at[c, pl.ds(base, rpt)])

    return pl.kernel(
        body,
        out_type=jax.ShapeDtypeStruct((NC, nrows, 16), F32),
        mesh=_mesh(),
        scratch_types=[
            pltpu.VMEM((nchunks, CHUNK), jnp.int32),
            pltpu.VMEM((CHUNK, 16), F32),
            pltpu.VMEM_SHARED((nrows, 16), F32),
        ],
    )


def _make_scatter_kernel(nrows, nchunks, grp, tbase_mult):
    rpt = nrows // NS
    ngroups = nchunks // grp
    npairs = grp // 2

    def body(table, src_hbm, dst_hbm, out_hbm, srcv, dstv, rb0, rb1, acc,
             sg0, sg1):
        c = lax.axis_index("c")
        s = lax.axis_index("s")
        base = s * rpt
        tb = c * tbase_mult + base
        pltpu.sync_copy(table.at[pl.ds(tb, rpt)], acc.at[pl.ds(base, rpt)])
        plsc.subcore_barrier()

        def gather(j, rb, sg):
            for o in range(0, CHUNK, HG):
                pltpu.async_copy(
                    table.at[srcv.at[j, pl.ds(o, HG)]], rb.at[pl.ds(o, HG)],
                    sg)

        def wait_gather(j, rb, sg):
            for o in range(0, CHUNK, HG):
                pltpu.make_async_copy(
                    table.at[srcv.at[j, pl.ds(o, HG)]], rb.at[pl.ds(o, HG)],
                    sg).wait()

        def group(g, _):
            gb = pl.multiple_of(g * grp, grp)
            pltpu.sync_copy(src_hbm.at[c, s, pl.ds(gb, grp)], srcv)
            pltpu.sync_copy(dst_hbm.at[c, s, pl.ds(gb, grp)], dstv)
            gather(0, rb0, sg0)
            gather(1, rb1, sg1)

            def pair(p, _):
                j0 = 2 * p
                wait_gather(j0, rb0, sg0)

                @pl.when(j0 + 2 < grp)
                def _():
                    gather(j0 + 2, rb0, sg0)

                pltpu.sync_copy(rb0, acc.at[dstv.at[j0]], add=True)
                wait_gather(j0 + 1, rb1, sg1)

                @pl.when(j0 + 3 < grp)
                def _():
                    gather(j0 + 3, rb1, sg1)

                pltpu.sync_copy(rb1, acc.at[dstv.at[j0 + 1]], add=True)
                return 0

            lax.fori_loop(0, npairs, pair, 0)
            return 0

        lax.fori_loop(0, ngroups, group, 0)
        plsc.subcore_barrier()
        pltpu.sync_copy(acc.at[pl.ds(base, rpt)], out_hbm.at[c, pl.ds(base, rpt)])

    return pl.kernel(
        body,
        out_type=jax.ShapeDtypeStruct((NC, nrows, 128), F32),
        mesh=_mesh(),
        scratch_types=[
            pltpu.VMEM((grp, CHUNK), jnp.int32),
            pltpu.VMEM((grp, CHUNK), jnp.int32),
            pltpu.VMEM((CHUNK, 128), F32),
            pltpu.VMEM((CHUNK, 128), F32),
            pltpu.VMEM_SHARED((nrows, 128), F32),
            pltpu.SemaphoreType.DMA,
            pltpu.SemaphoreType.DMA,
        ],
    )


def _dis_of(dg):
    d = dg[...]
    return lax.rsqrt(d[0, :, 0:1] + d[1, :, 0:1] - 1.0)


def _stack_halves(xv, out_ref):
    w = out_ref.shape[-1]
    out_ref[...] = jnp.stack([xv[:, i * w:(i + 1) * w]
                              for i in range(xv.shape[1] // w)])


def _pre_body(degT, xpad, xp_out):
    xp_out[...] = xpad[...] * _dis_of(degT)


def _acc_stats(h, sum_out, sq_out):
    @pl.when(pl.program_id(0) == 0)
    def _():
        sum_out[...] = jnp.zeros_like(sum_out)
        sq_out[...] = jnp.zeros_like(sq_out)

    sum_out[...] += jnp.sum(h, axis=0, keepdims=True)
    sq_out[...] += jnp.sum(h * h, axis=0, keepdims=True)


def _a1_body(P, degT, xb, w, b, wres, bres, h_out, id1_out, sum_out, sq_out):
    dis = _dis_of(degT)
    x = xb[...]
    agg = dis * (P[0] + P[1] - dis * x)
    h = jnp.dot(agg, w[...], preferred_element_type=F32) + b[...]
    h_out[...] = h
    id1_out[...] = jnp.dot(x, wres[...], preferred_element_type=F32) + bres[...]
    _acc_stats(h, sum_out, sq_out)


def _a23_body(P, degT, w, b, h_out, sum_out, sq_out):
    Pv = P[...]
    agg = _dis_of(degT) * jnp.concatenate([Pv[0], Pv[1]], axis=1)
    h = jnp.dot(agg, w[...], preferred_element_type=F32) + b[...]
    h_out[...] = h
    _acc_stats(h, sum_out, sq_out)


def _b_body(h_ref, res_ref, degT, sum_ref, sq_ref, g, be, x_out, hv_out, *,
            n, emit_halves):
    h = h_ref[...]
    mu = sum_ref[...] * (1.0 / n)
    var = sq_ref[...] * (1.0 / n) - mu * mu
    xn = (
        jax.nn.relu(g[...] * (h - mu) * lax.rsqrt(var + 1e-5) + be[...])
        + res_ref[...]
    )
    x_out[...] = xn
    if emit_halves:
        _stack_halves(xn * _dis_of(degT), hv_out)


def kernel(x, edge_index, W1, b1, g1, be1, Wres, bres, W2, b2, g2, be2,
           W3, b3, g3, be3):
    n, din = x.shape
    dh = W1.shape[1]
    e = edge_index.shape[1]
    nrows = -(-(n + 1) // 128) * 128
    gr = n

    src = edge_index[0]
    dst = edge_index[1]

    def lay(idx, per_tile_groups, ntiles, padval):
        tot = per_tile_groups * CHUNK * ntiles
        p = jnp.pad(idx, (0, tot - e), constant_values=padval)
        return p.reshape(ntiles, per_tile_groups, CHUNK)

    ch32 = -(-(-(-e // (NC * NS * CHUNK))) // 40) * 40
    ch16 = -(-(-(-e // (NS * CHUNK))) // 40) * 40
    src32 = lay(src, ch32, NC * NS, 0).reshape(NC, NS, ch32, CHUNK)
    dst32 = lay(dst, ch32, NC * NS, gr).reshape(NC, NS, ch32, CHUNK)
    s16 = lay(src, ch16, NS, 0)
    src16 = jnp.stack([s16, s16 + nrows])
    d16 = lay(dst, ch16, NS, gr)
    dst16 = jnp.stack([d16, d16])

    xpad = jnp.pad(x, ((0, nrows - n), (0, 0)))

    deg_call = _make_deg_kernel(nrows, ch32)
    scat1 = _make_scatter_kernel(nrows, ch32, 40, 0)
    scat23 = _make_scatter_kernel(nrows, ch16, 40, nrows)

    degT = deg_call(dst32)

    R = 2000
    RP = nrows // 8
    gsteps = n // R

    def rows(bs, im=None):
        return pl.BlockSpec(bs, im if im is not None else (lambda i: (i, 0)))

    wspec = lambda shp: pl.BlockSpec(shp, lambda i: (0, 0))
    vec = lambda d: pl.BlockSpec((d,), lambda i: (0,))
    stat = pl.BlockSpec((1, dh), lambda i: (0, 0))
    p_spec = pl.BlockSpec((NC, R, 128), lambda i: (0, i, 0))
    degT_spec = pl.BlockSpec((NC, R, 16), lambda i: (0, i, 0))

    pre = pl.pallas_call(
        _pre_body,
        grid=(nrows // RP,),
        in_specs=[pl.BlockSpec((NC, RP, 16), lambda i: (0, i, 0)), rows((RP, din))],
        out_specs=rows((RP, din)),
        out_shape=jax.ShapeDtypeStruct((nrows, din), F32),
    )
    xp = pre(degT, xpad)

    P1 = scat1(xp, src32, dst32)

    a1 = pl.pallas_call(
        _a1_body,
        grid=(gsteps,),
        in_specs=[p_spec, degT_spec, rows((R, din)),
                  wspec((din, dh)), vec(dh), wspec((din, dh)), vec(dh)],
        out_specs=(rows((R, dh)), rows((R, dh)), stat, stat),
        out_shape=(
            jax.ShapeDtypeStruct((n, dh), F32),
            jax.ShapeDtypeStruct((n, dh), F32),
            jax.ShapeDtypeStruct((1, dh), F32),
            jax.ShapeDtypeStruct((1, dh), F32),
        ),
    )

    a23 = pl.pallas_call(
        _a23_body,
        grid=(gsteps,),
        in_specs=[p_spec, degT_spec, wspec((dh, dh)), vec(dh)],
        out_specs=(rows((R, dh)), stat, stat),
        out_shape=(
            jax.ShapeDtypeStruct((n, dh), F32),
            jax.ShapeDtypeStruct((1, dh), F32),
            jax.ShapeDtypeStruct((1, dh), F32),
        ),
    )

    hv_spec = pl.BlockSpec((NC, R, 128), lambda i: (0, i, 0))

    def make_b(emit_halves):
        outs = [jax.ShapeDtypeStruct((n, dh), F32)]
        ospecs = [rows((R, dh))]
        if emit_halves:
            outs.append(jax.ShapeDtypeStruct((NC, nrows, 128), F32))
            ospecs.append(hv_spec)
        if emit_halves:
            body = functools.partial(_b_body, n=n, emit_halves=True)
        else:
            def body(h, r, dg, sm, sq, g, be, xo):
                _b_body(h, r, dg, sm, sq, g, be, xo, None,
                        n=n, emit_halves=False)
        return pl.pallas_call(
            body,
            grid=(gsteps,),
            in_specs=[rows((R, dh)), rows((R, dh)), degT_spec, stat, stat,
                      vec(dh), vec(dh)],
            out_specs=tuple(ospecs) if emit_halves else ospecs[0],
            out_shape=tuple(outs) if emit_halves else outs[0],
        )

    b_mid = make_b(True)
    b_last = make_b(False)

    h1, id1, s1, q1 = a1(P1, degT, x, W1, b1, Wres, bres)
    x1, h1v = b_mid(h1, id1, degT, s1, q1, g1, be1)

    P2 = scat23(h1v.reshape(NC * nrows, 128), src16, dst16)
    h2, s2, q2 = a23(P2, degT, W2, b2)
    x2, h2v = b_mid(h2, x1, degT, s2, q2, g2, be2)

    P3 = scat23(h2v.reshape(NC * nrows, 128), src16, dst16)
    h3, s3, q3 = a23(P3, degT, W3, b3)
    x3 = b_last(h3, x2, degT, s3, q3, g3, be3)
    return (x1, x2, x3)

# --- scband reference (transcript-rebuilt; emitter-appended) ---
"""Pipeline reference for scband-encoder-28767690948636 (READ-ONLY COPY).

The authoritative reference and input builder live on the scoring server;
editing this copy changes nothing except your own understanding.
"""

import jax, jax.numpy as jnp
import numpy as np

N = 10000
E = 320000
DIN = 128
DH = 256


def setup_inputs(seed: int = 0):
    key = jax.random.key(seed)
    ks = jax.random.split(key, 20)
    x = jax.random.normal(ks[0], (N, DIN), dtype=jnp.float32)
    edge_index = jax.random.randint(ks[1], (2, E), 0, N, dtype=jnp.int32)
    s1 = 1.0 / np.sqrt(DIN)
    s2 = 1.0 / np.sqrt(DH)
    inp = {
        'x': x,
        'edge_index': edge_index,
        'W1': jax.random.normal(ks[2], (DIN, DH), jnp.float32) * s1,
        'b1': jnp.zeros((DH,), jnp.float32),
        'g1': jnp.ones((DH,), jnp.float32),
        'be1': jnp.zeros((DH,), jnp.float32),
        'Wres': jax.random.normal(ks[3], (DIN, DH), jnp.float32) * s1,
        'bres': jnp.zeros((DH,), jnp.float32),
        'W2': jax.random.normal(ks[4], (DH, DH), jnp.float32) * s2,
        'b2': jnp.zeros((DH,), jnp.float32),
        'g2': jnp.ones((DH,), jnp.float32),
        'be2': jnp.zeros((DH,), jnp.float32),
        'W3': jax.random.normal(ks[5], (DH, DH), jnp.float32) * s2,
        'b3': jnp.zeros((DH,), jnp.float32),
        'g3': jnp.ones((DH,), jnp.float32),
        'be3': jnp.zeros((DH,), jnp.float32),
    }
    return inp


def _gcn_conv(x, src, dst, W, b):
    # PyG GCNConv: add self loops, symmetric normalization D^-1/2 (A+I) D^-1/2 X W + b
    n = x.shape[0]
    deg = jnp.zeros((n,), x.dtype).at[dst].add(1.0) + 1.0  # +1 for self loop
    dis = jax.lax.rsqrt(deg)
    xw = x @ W
    coef = dis[src] * dis[dst]
    agg = jnp.zeros((n, W.shape[1]), x.dtype).at[dst].add(xw[src] * coef[:, None])
    agg = agg + xw * (dis * dis)[:, None]  # self-loop messages
    return agg + b


def _batchnorm(h, g, be):
    # BatchNorm1d in training mode: batch statistics, biased variance, eps=1e-5
    mu = jnp.mean(h, axis=0)
    var = jnp.var(h, axis=0)
    return g * (h - mu) * jax.lax.rsqrt(var + 1e-5) + be


def _block(x, src, dst, W, b, g, be, identity):
    h = _gcn_conv(x, src, dst, W, b)
    h = _batchnorm(h, g, be)
    h = jax.nn.relu(h)
    return h + identity


def reference(x, edge_index, W1, b1, g1, be1, Wres, bres, W2, b2, g2, be2, W3, b3, g3, be3):
    src = edge_index[0]
    dst = edge_index[1]
    id1 = x @ Wres + bres  # in_channels != out_channels -> Linear residual
    x1 = _block(x, src, dst, W1, b1, g1, be1, id1)
    x2 = _block(x1, src, dst, W2, b2, g2, be2, x1)  # Identity residual
    x3 = _block(x2, src, dst, W3, b3, g3, be3, x2)  # Identity residual
    return (x1, x2, x3)

if __name__ == "__main__":
    import jax
    _d = setup_inputs()
    print(jax.jit(kernel)(*tuple(_d.values())))

</pallas_src>

<mosaic_0001>
#map = affine_map<(d0, d1) -> (0, 0, 0, 0)>
#map1 = affine_map<(d0, d1) -> (0, 0, 0)>
module attributes {stable_mosaic.version = 14 : i64} {
  func.func @body(%arg0: i32, %arg1: i32, %arg2: memref<2x16x80x128xi32, #tpu.memory_space<hbm>>, %arg3: memref<2x10112x16xf32, #tpu.memory_space<hbm>>, %arg4: memref<80x128xi32, #tpu.memory_space<vmem>>, %arg5: memref<128x16xf32, #tpu.memory_space<vmem>>, %arg6: memref<10112x16xf32, #tpu.memory_space<vmem_shared>>) attributes {dimension_semantics = [#tpu.dimension_semantics<core_parallel>, #tpu.dimension_semantics<subcore_parallel>], iteration_bounds = array<i64: 2, 16>, scalar_prefetch = 0 : i64, scratch_operands = 3 : i64, tpu.core_type = #tpu.core_type<sc_vector_subcore>, window_params = [{transform_indices = #map}, {transform_indices = #map1}]} {
    %scan3A = arith.constant 0 : i32
    %scan3A_0 = arith.constant 0 : i32
    %scan3A_1 = arith.constant 128 : i32
    %scan3A_2 = arith.addi %scan3A_0, %scan3A_1 : i32
    %scan3A_3 = arith.constant 1 : i32
    %scan3A_4 = scf.for %scan3A_24 = %scan3A_0 to %scan3A_2 step %scan3A_3 iter_args(%scan3A_25 = %scan3A) -> (i32)  : i32 {
      %broadcast_in_dim3A = arith.constant 1.000000e+00 : f32
      %broadcast_in_dim3A_26 = vector.broadcast %broadcast_in_dim3A : f32 to vector<16xf32>
      %swap3A = arith.index_cast %scan3A_24 : i32 to index
      %swap3A_27 = arith.constant 0 : index
      %swap3A_28 = tpu.vector_load %arg5[%swap3A, %swap3A_27] {strides = array<i32>} : memref<128x16xf32, #tpu.memory_space<vmem>>, vector<1x16xf32>,
      %swap3A_29 = vector.shape_cast %swap3A_28 : vector<1x16xf32> to vector<16xf32>
      %swap3A_30 = vector.shape_cast %broadcast_in_dim3A_26 : vector<16xf32> to vector<1x16xf32>
      tpu.vector_store %arg5[%swap3A, %swap3A_27], %swap3A_30 {strides = array<i32>} : memref<128x16xf32, #tpu.memory_space<vmem>>, vector<1x16xf32>,
      %scan3A_31 = arith.constant 0 : i32
      scf.yield %scan3A_31 : i32
    }
    %scan3A_5 = arith.constant 128 : i32
    "tpu.region"() ({
      %run_scoped3A = tpu.sem_alloc : memref<!tpu.dma_semaphore, #tpu.memory_space<semaphore_mem>>
      %dma_start3A = arith.constant 0 : i32
      %dma_start3A_24 = arith.constant 0 : i32
      %dma_start3A_25 = tpu.memref_slice %arg2[%arg0, %arg1, %dma_start3A, %dma_start3A_24] : memref<2x16x80x128xi32, #tpu.memory_space<hbm>> -> memref<1x1x80x128xi32, #tpu.memory_space<hbm>>
      %dma_start3A_26 = tpu.memref_squeeze %dma_start3A_25 : memref<1x1x80x128xi32, #tpu.memory_space<hbm>> -> memref<80x128xi32, #tpu.memory_space<hbm>>
      %dma_start3A_27 = arith.constant 0 : i32
      %dma_start3A_28 = arith.constant 0 : i32
      %dma_start3A_29 = tpu.memref_slice %arg2[%arg0, %arg1, %dma_start3A_27, %dma_start3A_28] : memref<2x16x80x128xi32, #tpu.memory_space<hbm>> -> memref<1x1x80x128xi32, #tpu.memory_space<hbm>>
      %dma_start3A_30 = tpu.memref_squeeze %dma_start3A_29 : memref<1x1x80x128xi32, #tpu.memory_space<hbm>> -> memref<80x128xi32, #tpu.memory_space<hbm>>
      tpu.enqueue_dma source(%dma_start3A_30 : memref<80x128xi32, #tpu.memory_space<hbm>>) target(%arg4 : memref<80x128xi32, #tpu.memory_space<vmem>>) target_semaphore(%run_scoped3A : memref<!tpu.dma_semaphore, #tpu.memory_space<semaphore_mem>>)
      %dma_wait3A = arith.constant 0 : i32
      %dma_wait3A_31 = arith.constant 0 : i32
      %dma_wait3A_32 = tpu.memref_slice %arg2[%arg0, %arg1, %dma_wait3A, %dma_wait3A_31] : memref<2x16x80x128xi32, #tpu.memory_space<hbm>> -> memref<1x1x80x128xi32, #tpu.memory_space<hbm>>
      %dma_wait3A_33 = tpu.memref_squeeze %dma_wait3A_32 : memref<1x1x80x128xi32, #tpu.memory_space<hbm>> -> memref<80x128xi32, #tpu.memory_space<hbm>>
      %dma_wait3A_34 = arith.constant 0 : i32
      %dma_wait3A_35 = arith.constant 0 : i32
      %dma_wait3A_36 = tpu.memref_slice %arg2[%arg0, %arg1, %dma_wait3A_34, %dma_wait3A_35] : memref<2x16x80x128xi32, #tpu.memory_space<hbm>> -> memref<1x1x80x128xi32, #tpu.memory_space<hbm>>
      %dma_wait3A_37 = tpu.memref_squeeze %dma_wait3A_36 : memref<1x1x80x128xi32, #tpu.memory_space<hbm>> -> memref<80x128xi32, #tpu.memory_space<hbm>>
      tpu.wait_dma2 semaphore(%run_scoped3A : memref<!tpu.dma_semaphore, #tpu.memory_space<semaphore_mem>>) src(%dma_wait3A_37 : memref<80x128xi32, #tpu.memory_space<hbm>>) dst(%arg4 : memref<80x128xi32, #tpu.memory_space<vmem>>)
      tpu.yield
    }) : () -> ()
    %mul3A = arith.constant 632 : i32
    %mul3A_6 = arith.muli %arg1, %mul3A : i32
    %add3A = arith.constant 0 : i32
    %add3A_7 = arith.addi %mul3A_6, %add3A : i32
    "tpu.region"() ({
      %run_scoped3A = tpu.sem_alloc : memref<!tpu.dma_semaphore, #tpu.memory_space<semaphore_mem>>
      %dma_start3A = arith.constant 0 : i32
      %dma_start3A_24 = arith.constant 0 : i32
      %dma_start3A_25 = tpu.memref_slice %arg5[%dma_start3A, %dma_start3A_24] : memref<128x16xf32, #tpu.memory_space<vmem>> -> memref<128x16xf32, #tpu.memory_space<vmem>>
      %dma_start3A_26 = arith.constant 0 : i32
      %dma_start3A_27 = tpu.memref_slice %arg6[%add3A_7, %dma_start3A_26] : memref<10112x16xf32, #tpu.memory_space<vmem_shared>> -> memref<128x16xf32, #tpu.memory_space<vmem_shared>>
      %dma_start3A_28 = arith.constant 0 : i32
      %dma_start3A_29 = tpu.memref_slice %arg6[%add3A_7, %dma_start3A_28] : memref<10112x16xf32, #tpu.memory_space<vmem_shared>> -> memref<128x16xf32, #tpu.memory_space<vmem_shared>>
      %dma_start3A_30 = arith.constant 0 : i32
      %dma_start3A_31 = arith.constant 0 : i32
      %dma_start3A_32 = tpu.memref_slice %arg5[%dma_start3A_30, %dma_start3A_31] : memref<128x16xf32, #tpu.memory_space<vmem>> -> memref<128x16xf32, #tpu.memory_space<vmem>>
      tpu.enqueue_dma source(%dma_start3A_32 : memref<128x16xf32, #tpu.memory_space<vmem>>) target(%dma_start3A_29 : memref<128x16xf32, #tpu.memory_space<vmem_shared>>) target_semaphore(%run_scoped3A : memref<!tpu.dma_semaphore, #tpu.memory_space<semaphore_mem>>)
      %dma_wait3A = arith.constant 0 : i32
      %dma_wait3A_33 = arith.constant 0 : i32
      %dma_wait3A_34 = tpu.memref_slice %arg5[%dma_wait3A, %dma_wait3A_33] : memref<128x16xf32, #tpu.memory_space<vmem>> -> memref<128x16xf32, #tpu.memory_space<vmem>>
      %dma_wait3A_35 = arith.constant 0 : i32
      %dma_wait3A_36 = tpu.memref_slice %arg6[%add3A_7, %dma_wait3A_35] : memref<10112x16xf32, #tpu.memory_space<vmem_shared>> -> memref<128x16xf32, #tpu.memory_space<vmem_shared>>
      %dma_wait3A_37 = arith.constant 0 : i32
      %dma_wait3A_38 = tpu.memref_slice %arg6[%add3A_7, %dma_wait3A_37] : memref<10112x16xf32, #tpu.memory_space<vmem_shared>> -> memref<128x16xf32, #tpu.memory_space<vmem_shared>>
      %dma_wait3A_39 = arith.constant 0 : i32
      %dma_wait3A_40 = arith.constant 0 : i32
      %dma_wait3A_41 = tpu.memref_slice %arg5[%dma_wait3A_39, %dma_wait3A_40] : memref<128x16xf32, #tpu.memory_space<vmem>> -> memref<128x16xf32, #tpu.memory_space<vmem>>
      tpu.wait_dma2 semaphore(%run_scoped3A : memref<!tpu.dma_semaphore, #tpu.memory_space<semaphore_mem>>) src(%dma_wait3A_41 : memref<128x16xf32, #tpu.memory_space<vmem>>) dst(%dma_wait3A_38 : memref<128x16xf32, #tpu.memory_space<vmem_shared>>)
      tpu.yield
    }) : () -> ()
    %add3A_8 = arith.constant 128 : i32
    %add3A_9 = arith.addi %mul3A_6, %add3A_8 : i32
    "tpu.region"() ({
      %run_scoped3A = tpu.sem_alloc : memref<!tpu.dma_semaphore, #tpu.memory_space<semaphore_mem>>
      %dma_start3A = arith.constant 0 : i32
      %dma_start3A_24 = arith.constant 0 : i32
      %dma_start3A_25 = tpu.memref_slice %arg5[%dma_start3A, %dma_start3A_24] : memref<128x16xf32, #tpu.memory_space<vmem>> -> memref<128x16xf32, #tpu.memory_space<vmem>>
      %dma_start3A_26 = arith.constant 0 : i32
      %dma_start3A_27 = tpu.memref_slice %arg6[%add3A_9, %dma_start3A_26] : memref<10112x16xf32, #tpu.memory_space<vmem_shared>> -> memref<128x16xf32, #tpu.memory_space<vmem_shared>>
      %dma_start3A_28 = arith.constant 0 : i32
      %dma_start3A_29 = tpu.memref_slice %arg6[%add3A_9, %dma_start3A_28] : memref<10112x16xf32, #tpu.memory_space<vmem_shared>> -> memref<128x16xf32, #tpu.memory_space<vmem_shared>>
      %dma_start3A_30 = arith.constant 0 : i32
      %dma_start3A_31 = arith.constant 0 : i32
      %dma_start3A_32 = tpu.memref_slice %arg5[%dma_start3A_30, %dma_start3A_31] : memref<128x16xf32, #tpu.memory_space<vmem>> -> memref<128x16xf32, #tpu.memory_space<vmem>>
      tpu.enqueue_dma source(%dma_start3A_32 : memref<128x16xf32, #tpu.memory_space<vmem>>) target(%dma_start3A_29 : memref<128x16xf32, #tpu.memory_space<vmem_shared>>) target_semaphore(%run_scoped3A : memref<!tpu.dma_semaphore, #tpu.memory_space<semaphore_mem>>)
      %dma_wait3A = arith.constant 0 : i32
      %dma_wait3A_33 = arith.constant 0 : i32
      %dma_wait3A_34 = tpu.memref_slice %arg5[%dma_wait3A, %dma_wait3A_33] : memref<128x16xf32, #tpu.memory_space<vmem>> -> memref<128x16xf32, #tpu.memory_space<vmem>>
      %dma_wait3A_35 = arith.constant 0 : i32
      %dma_wait3A_36 = tpu.memref_slice %arg6[%add3A_9, %dma_wait3A_35] : memref<10112x16xf32, #tpu.memory_space<vmem_shared>> -> memref<128x16xf32, #tpu.memory_space<vmem_shared>>
      %dma_wait3A_37 = arith.constant 0 : i32
      %dma_wait3A_38 = tpu.memref_slice %arg6[%add3A_9, %dma_wait3A_37] : memref<10112x16xf32, #tpu.memory_space<vmem_shared>> -> memref<128x16xf32, #tpu.memory_space<vmem_shared>>
      %dma_wait3A_39 = arith.constant 0 : i32
      %dma_wait3A_40 = arith.constant 0 : i32
      %dma_wait3A_41 = tpu.memref_slice %arg5[%dma_wait3A_39, %dma_wait3A_40] : memref<128x16xf32, #tpu.memory_space<vmem>> -> memref<128x16xf32, #tpu.memory_space<vmem>>
      tpu.wait_dma2 semaphore(%run_scoped3A : memref<!tpu.dma_semaphore, #tpu.memory_space<semaphore_mem>>) src(%dma_wait3A_41 : memref<128x16xf32, #tpu.memory_space<vmem>>) dst(%dma_wait3A_38 : memref<128x16xf32, #tpu.memory_space<vmem_shared>>)
      tpu.yield
    }) : () -> ()
    %add3A_10 = arith.constant 256 : i32
    %add3A_11 = arith.addi %mul3A_6, %add3A_10 : i32
    "tpu.region"() ({
      %run_scoped3A = tpu.sem_alloc : memref<!tpu.dma_semaphore, #tpu.memory_space<semaphore_mem>>
      %dma_start3A = arith.constant 0 : i32
      %dma_start3A_24 = arith.constant 0 : i32
      %dma_start3A_25 = tpu.memref_slice %arg5[%dma_start3A, %dma_start3A_24] : memref<128x16xf32, #tpu.memory_space<vmem>> -> memref<128x16xf32, #tpu.memory_space<vmem>>
      %dma_start3A_26 = arith.constant 0 : i32
      %dma_start3A_27 = tpu.memref_slice %arg6[%add3A_11, %dma_start3A_26] : memref<10112x16xf32, #tpu.memory_space<vmem_shared>> -> memref<128x16xf32, #tpu.memory_space<vmem_shared>>
      %dma_start3A_28 = arith.constant 0 : i32
      %dma_start3A_29 = tpu.memref_slice %arg6[%add3A_11, %dma_start3A_28] : memref<10112x16xf32, #tpu.memory_space<vmem_shared>> -> memref<128x16xf32, #tpu.memory_space<vmem_shared>>
      %dma_start3A_30 = arith.constant 0 : i32
      %dma_start3A_31 = arith.constant 0 : i32
      %dma_start3A_32 = tpu.memref_slice %arg5[%dma_start3A_30, %dma_start3A_31] : memref<128x16xf32, #tpu.memory_space<vmem>> -> memref<128x16xf32, #tpu.memory_space<vmem>>
      tpu.enqueue_dma source(%dma_start3A_32 : memref<128x16xf32, #tpu.memory_space<vmem>>) target(%dma_start3A_29 : memref<128x16xf32, #tpu.memory_space<vmem_shared>>) target_semaphore(%run_scoped3A : memref<!tpu.dma_semaphore, #tpu.memory_space<semaphore_mem>>)
      %dma_wait3A = arith.constant 0 : i32
      %dma_wait3A_33 = arith.constant 0 : i32
      %dma_wait3A_34 = tpu.memref_slice %arg5[%dma_wait3A, %dma_wait3A_33] : memref<128x16xf32, #tpu.memory_space<vmem>> -> memref<128x16xf32, #tpu.memory_space<vmem>>
      %dma_wait3A_35 = arith.constant 0 : i32
      %dma_wait3A_36 = tpu.memref_slice %arg6[%add3A_11, %dma_wait3A_35] : memref<10112x16xf32, #tpu.memory_space<vmem_shared>> -> memref<128x16xf32, #tpu.memory_space<vmem_shared>>
      %dma_wait3A_37 = arith.constant 0 : i32
      %dma_wait3A_38 = tpu.memref_slice %arg6[%add3A_11, %dma_wait3A_37] : memref<10112x16xf32, #tpu.memory_space<vmem_shared>> -> memref<128x16xf32, #tpu.memory_space<vmem_shared>>
      %dma_wait3A_39 = arith.constant 0 : i32
      %dma_wait3A_40 = arith.constant 0 : i32
      %dma_wait3A_41 = tpu.memref_slice %arg5[%dma_wait3A_39, %dma_wait3A_40] : memref<128x16xf32, #tpu.memory_space<vmem>> -> memref<128x16xf32, #tpu.memory_space<vmem>>
      tpu.wait_dma2 semaphore(%run_scoped3A : memref<!tpu.dma_semaphore, #tpu.memory_space<semaphore_mem>>) src(%dma_wait3A_41 : memref<128x16xf32, #tpu.memory_space<vmem>>) dst(%dma_wait3A_38 : memref<128x16xf32, #tpu.memory_space<vmem_shared>>)
      tpu.yield
    }) : () -> ()
    %add3A_12 = arith.constant 384 : i32
    %add3A_13 = arith.addi %mul3A_6, %add3A_12 : i32
    "tpu.region"() ({
      %run_scoped3A = tpu.sem_alloc : memref<!tpu.dma_semaphore, #tpu.memory_space<semaphore_mem>>
      %dma_start3A = arith.constant 0 : i32
      %dma_start3A_24 = arith.constant 0 : i32
      %dma_start3A_25 = tpu.memref_slice %arg5[%dma_start3A, %dma_start3A_24] : memref<128x16xf32, #tpu.memory_space<vmem>> -> memref<128x16xf32, #tpu.memory_space<vmem>>
      %dma_start3A_26 = arith.constant 0 : i32
      %dma_start3A_27 = tpu.memref_slice %arg6[%add3A_13, %dma_start3A_26] : memref<10112x16xf32, #tpu.memory_space<vmem_shared>> -> memref<128x16xf32, #tpu.memory_space<vmem_shared>>
      %dma_start3A_28 = arith.constant 0 : i32
      %dma_start3A_29 = tpu.memref_slice %arg6[%add3A_13, %dma_start3A_28] : memref<10112x16xf32, #tpu.memory_space<vmem_shared>> -> memref<128x16xf32, #tpu.memory_space<vmem_shared>>
      %dma_start3A_30 = arith.constant 0 : i32
      %dma_start3A_31 = arith.constant 0 : i32
      %dma_start3A_32 = tpu.memref_slice %arg5[%dma_start3A_30, %dma_start3A_31] : memref<128x16xf32, #tpu.memory_space<vmem>> -> memref<128x16xf32, #tpu.memory_space<vmem>>
      tpu.enqueue_dma source(%dma_start3A_32 : memref<128x16xf32, #tpu.memory_space<vmem>>) target(%dma_start3A_29 : memref<128x16xf32, #tpu.memory_space<vmem_shared>>) target_semaphore(%run_scoped3A : memref<!tpu.dma_semaphore, #tpu.memory_space<semaphore_mem>>)
      %dma_wait3A = arith.constant 0 : i32
      %dma_wait3A_33 = arith.constant 0 : i32
      %dma_wait3A_34 = tpu.memref_slice %arg5[%dma_wait3A, %dma_wait3A_33] : memref<128x16xf32, #tpu.memory_space<vmem>> -> memref<128x16xf32, #tpu.memory_space<vmem>>
      %dma_wait3A_35 = arith.constant 0 : i32
      %dma_wait3A_36 = tpu.memref_slice %arg6[%add3A_13, %dma_wait3A_35] : memref<10112x16xf32, #tpu.memory_space<vmem_shared>> -> memref<128x16xf32, #tpu.memory_space<vmem_shared>>
      %dma_wait3A_37 = arith.constant 0 : i32
      %dma_wait3A_38 = tpu.memref_slice %arg6[%add3A_13, %dma_wait3A_37] : memref<10112x16xf32, #tpu.memory_space<vmem_shared>> -> memref<128x16xf32, #tpu.memory_space<vmem_shared>>
      %dma_wait3A_39 = arith.constant 0 : i32
      %dma_wait3A_40 = arith.constant 0 : i32
      %dma_wait3A_41 = tpu.memref_slice %arg5[%dma_wait3A_39, %dma_wait3A_40] : memref<128x16xf32, #tpu.memory_space<vmem>> -> memref<128x16xf32, #tpu.memory_space<vmem>>
      tpu.wait_dma2 semaphore(%run_scoped3A : memref<!tpu.dma_semaphore, #tpu.memory_space<semaphore_mem>>) src(%dma_wait3A_41 : memref<128x16xf32, #tpu.memory_space<vmem>>) dst(%dma_wait3A_38 : memref<128x16xf32, #tpu.memory_space<vmem_shared>>)
      tpu.yield
    }) : () -> ()
    %add3A_14 = arith.constant 512 : i32
    %add3A_15 = arith.addi %mul3A_6, %add3A_14 : i32
    "tpu.region"() ({
      %run_scoped3A = tpu.sem_alloc : memref<!tpu.dma_semaphore, #tpu.memory_space<semaphore_mem>>
      %dma_start3A = arith.constant 0 : i32
      %dma_start3A_24 = arith.constant 0 : i32
      %dma_start3A_25 = tpu.memref_slice %arg5[%dma_start3A, %dma_start3A_24] : memref<128x16xf32, #tpu.memory_space<vmem>> -> memref<120x16xf32, #tpu.memory_space<vmem>>
      %dma_start3A_26 = arith.constant 0 : i32
      %dma_start3A_27 = tpu.memref_slice %arg6[%add3A_15, %dma_start3A_26] : memref<10112x16xf32, #tpu.memory_space<vmem_shared>> -> memref<120x16xf32, #tpu.memory_space<vmem_shared>>
      %dma_start3A_28 = arith.constant 0 : i32
      %dma_start3A_29 = tpu.memref_slice %arg6[%add3A_15, %dma_start3A_28] : memref<10112x16xf32, #tpu.memory_space<vmem_shared>> -> memref<120x16xf32, #tpu.memory_space<vmem_shared>>
      %dma_start3A_30 = arith.constant 0 : i32
      %dma_start3A_31 = arith.constant 0 : i32
      %dma_start3A_32 = tpu.memref_slice %arg5[%dma_start3A_30, %dma_start3A_31] : memref<128x16xf32, #tpu.memory_space<vmem>> -> memref<120x16xf32, #tpu.memory_space<vmem>>
      tpu.enqueue_dma source(%dma_start3A_32 : memref<120x16xf32, #tpu.memory_space<vmem>>) target(%dma_start3A_29 : memref<120x16xf32, #tpu.memory_space<vmem_shared>>) target_semaphore(%run_scoped3A : memref<!tpu.dma_semaphore, #tpu.memory_space<semaphore_mem>>)
      %dma_wait3A = arith.constant 0 : i32
      %dma_wait3A_33 = arith.constant 0 : i32
      %dma_wait3A_34 = tpu.memref_slice %arg5[%dma_wait3A, %dma_wait3A_33] : memref<128x16xf32, #tpu.memory_space<vmem>> -> memref<120x16xf32, #tpu.memory_space<vmem>>
      %dma_wait3A_35 = arith.constant 0 : i32
      %dma_wait3A_36 = tpu.memref_slice %arg6[%add3A_15, %dma_wait3A_35] : memref<10112x16xf32, #tpu.memory_space<vmem_shared>> -> memref<120x16xf32, #tpu.memory_space<vmem_shared>>
      %dma_wait3A_37 = arith.constant 0 : i32
      %dma_wait3A_38 = tpu.memref_slice %arg6[%add3A_15, %dma_wait3A_37] : memref<10112x16xf32, #tpu.memory_space<vmem_shared>> -> memref<120x16xf32, #tpu.memory_space<vmem_shared>>
      %dma_wait3A_39 = arith.constant 0 : i32
      %dma_wait3A_40 = arith.constant 0 : i32
      %dma_wait3A_41 = tpu.memref_slice %arg5[%dma_wait3A_39, %dma_wait3A_40] : memref<128x16xf32, #tpu.memory_space<vmem>> -> memref<120x16xf32, #tpu.memory_space<vmem>>
      tpu.wait_dma2 semaphore(%run_scoped3A : memref<!tpu.dma_semaphore, #tpu.memory_space<semaphore_mem>>) src(%dma_wait3A_41 : memref<120x16xf32, #tpu.memory_space<vmem>>) dst(%dma_wait3A_38 : memref<120x16xf32, #tpu.memory_space<vmem_shared>>)
      tpu.yield
    }) : () -> ()
    %barrier3A = arith.constant 0 : index
    tpu.barrier barrier_id(%barrier3A)
    %scan3A_16 = arith.constant 0 : i32
    %scan3A_17 = arith.constant 0 : i32
    %scan3A_18 = arith.constant 80 : i32
    %scan3A_19 = arith.addi %scan3A_17, %scan3A_18 : i32
    %scan3A_20 = arith.constant 1 : i32
    %scan3A_21 = scf.for %scan3A_24 = %scan3A_17 to %scan3A_19 step %scan3A_20 iter_args(%scan3A_25 = %scan3A_16) -> (i32)  : i32 {
      "tpu.region"() ({
        %run_scoped3A = tpu.sem_alloc : memref<!tpu.dma_semaphore, #tpu.memory_space<semaphore_mem>>
        %dma_start3A = arith.constant 0 : i32
        %dma_start3A_27 = tpu.memref_slice %arg4[%scan3A_24, %dma_start3A] : memref<80x128xi32, #tpu.memory_space<vmem>> -> memref<1x128xi32, #tpu.memory_space<vmem>>
        %dma_start3A_28 = tpu.memref_squeeze %dma_start3A_27 : memref<1x128xi32, #tpu.memory_space<vmem>> -> memref<128xi32, #tpu.memory_space<vmem>>
        %dma_start3A_29 = arith.constant 0 : i32
        %dma_start3A_30 = arith.constant 0 : i32
        %dma_start3A_31 = tpu.memref_slice %arg6[%dma_start3A_29, %dma_start3A_30] : memref<10112x16xf32, #tpu.memory_space<vmem_shared>> -> memref<10112x16xf32, #tpu.memory_space<vmem_shared>>
        tpu.enqueue_indirect_dma source(%arg5 : memref<128x16xf32, #tpu.memory_space<vmem>>) target(%dma_start3A_31 : memref<10112x16xf32, #tpu.memory_space<vmem_shared>>) offsets(%dma_start3A_28 : memref<128xi32, #tpu.memory_space<vmem>>) semaphore(%run_scoped3A : memref<!tpu.dma_semaphore, #tpu.memory_space<semaphore_mem>>) {add = true}
        %dma_wait3A = arith.constant 0 : i32
        %dma_wait3A_32 = tpu.memref_slice %arg4[%scan3A_24, %dma_wait3A] : memref<80x128xi32, #tpu.memory_space<vmem>> -> memref<1x128xi32, #tpu.memory_space<vmem>>
        %dma_wait3A_33 = tpu.memref_squeeze %dma_wait3A_32 : memref<1x128xi32, #tpu.memory_space<vmem>> -> memref<128xi32, #tpu.memory_space<vmem>>
        %dma_wait3A_34 = arith.constant 0 : i32
        %dma_wait3A_35 = arith.constant 0 : i32
        %dma_wait3A_36 = tpu.memref_slice %arg6[%dma_wait3A_34, %dma_wait3A_35] : memref<10112x16xf32, #tpu.memory_space<vmem_shared>> -> memref<10112x16xf32, #tpu.memory_space<vmem_shared>>
        tpu.wait_indirect_dma semaphore(%run_scoped3A : memref<!tpu.dma_semaphore, #tpu.memory_space<semaphore_mem>>) src(%arg5 : memref<128x16xf32, #tpu.memory_space<vmem>>) dst(%dma_wait3A_36 : memref<10112x16xf32, #tpu.memory_space<vmem_shared>>)
        tpu.yield
      }) : () -> ()
      %scan3A_26 = arith.constant 0 : i32
      scf.yield %scan3A_26 : i32
    }
    %scan3A_22 = arith.constant 80 : i32
    %barrier3A_23 = arith.constant 0 : index
    tpu.barrier barrier_id(%barrier3A_23)
    "tpu.region"() ({
      %run_scoped3A = tpu.sem_alloc : memref<!tpu.dma_semaphore, #tpu.memory_space<semaphore_mem>>
      %dma_start3A = arith.constant 0 : i32
      %dma_start3A_24 = tpu.memref_slice %arg3[%arg0, %mul3A_6, %dma_start3A] : memref<2x10112x16xf32, #tpu.memory_space<hbm>> -> memref<1x632x16xf32, #tpu.memory_space<hbm>>
      %dma_start3A_25 = tpu.memref_squeeze %dma_start3A_24 : memref<1x632x16xf32, #tpu.memory_space<hbm>> -> memref<632x16xf32, #tpu.memory_space<hbm>>
      %dma_start3A_26 = arith.constant 0 : i32
      %dma_start3A_27 = tpu.memref_slice %arg6[%mul3A_6, %dma_start3A_26] : memref<10112x16xf32, #tpu.memory_space<vmem_shared>> -> memref<632x16xf32, #tpu.memory_space<vmem_shared>>
      tpu.enqueue_dma source(%dma_start3A_27 : memref<632x16xf32, #tpu.memory_space<vmem_shared>>) target(%dma_start3A_25 : memref<632x16xf32, #tpu.memory_space<hbm>>) target_semaphore(%run_scoped3A : memref<!tpu.dma_semaphore, #tpu.memory_space<semaphore_mem>>)
      %dma_wait3A = arith.constant 0 : i32
      %dma_wait3A_28 = tpu.memref_slice %arg3[%arg0, %mul3A_6, %dma_wait3A] : memref<2x10112x16xf32, #tpu.memory_space<hbm>> -> memref<1x632x16xf32, #tpu.memory_space<hbm>>
      %dma_wait3A_29 = tpu.memref_squeeze %dma_wait3A_28 : memref<1x632x16xf32, #tpu.memory_space<hbm>> -> memref<632x16xf32, #tpu.memory_space<hbm>>
      %dma_wait3A_30 = arith.constant 0 : i32
      %dma_wait3A_31 = tpu.memref_slice %arg6[%mul3A_6, %dma_wait3A_30] : memref<10112x16xf32, #tpu.memory_space<vmem_shared>> -> memref<632x16xf32, #tpu.memory_space<vmem_shared>>
      tpu.wait_dma2 semaphore(%run_scoped3A : memref<!tpu.dma_semaphore, #tpu.memory_space<semaphore_mem>>) src(%dma_wait3A_31 : memref<632x16xf32, #tpu.memory_space<vmem_shared>>) dst(%dma_wait3A_29 : memref<632x16xf32, #tpu.memory_space<hbm>>)
      tpu.yield
    }) : () -> ()
    return
  }
}

#map = affine_map<(d0, d1) -> (0, 0)>
#map1 = affine_map<(d0, d1) -> (0, 0, 0, 0)>
#map2 = affine_map<(d0, d1) -> (0, 0, 0)>
module attributes {stable_mosaic.version = 14 : i64} {
  func.func @body(%arg0: i32, %arg1: i32, %arg2: memref<20224x128xf32, #tpu.memory_space<hbm>>, %arg3: memref<2x16x160x128xi32, #tpu.memory_space<hbm>>, %arg4: memref<2x16x160x128xi32, #tpu.memory_space<hbm>>, %arg5: memref<2x10112x128xf32, #tpu.memory_space<hbm>>, %arg6: memref<40x128xi32, #tpu.memory_space<vmem>>, %arg7: memref<40x128xi32, #tpu.memory_space<vmem>>, %arg8: memref<128x128xf32, #tpu.memory_space<vmem>>, %arg9: memref<128x128xf32, #tpu.memory_space<vmem>>, %arg10: memref<10112x128xf32, #tpu.memory_space<vmem_shared>>, %arg11: memref<!tpu.dma_semaphore, #tpu.memory_space<semaphore_mem>>, %arg12: memref<!tpu.dma_semaphore, #tpu.memory_space<semaphore_mem>>) attributes {dimension_semantics = [#tpu.dimension_semantics<core_parallel>, #tpu.dimension_semantics<subcore_parallel>], iteration_bounds = array<i64: 2, 16>, scalar_prefetch = 0 : i64, scratch_operands = 7 : i64, tpu.core_type = #tpu.core_type<sc_vector_subcore>, window_params = [{transform_indices = #map}, {transform_indices = #map1}, {transform_indices = #map1}, {transform_indices = #map2}]} {
    %mul3A = arith.constant 632 : i32
    %mul3A_0 = arith.muli %arg1, %mul3A : i32
    %mul3A_1 = arith.constant 10112 : i32
    %mul3A_2 = arith.muli %arg0, %mul3A_1 : i32
    %add3A = arith.addi %mul3A_2, %mul3A_0 : i32
    "tpu.region"() ({
      %run_scoped3A = tpu.sem_alloc : memref<!tpu.dma_semaphore, #tpu.memory_space<semaphore_mem>>
      %dma_start3A = arith.constant 0 : i32
      %dma_start3A_10 = tpu.memref_slice %arg10[%mul3A_0, %dma_start3A] : memref<10112x128xf32, #tpu.memory_space<vmem_shared>> -> memref<632x128xf32, #tpu.memory_space<vmem_shared>>
      %dma_start3A_11 = arith.constant 0 : i32
      %dma_start3A_12 = tpu.memref_slice %arg2[%add3A, %dma_start3A_11] : memref<20224x128xf32, #tpu.memory_space<hbm>> -> memref<632x128xf32, #tpu.memory_space<hbm>>
      tpu.enqueue_dma source(%dma_start3A_12 : memref<632x128xf32, #tpu.memory_space<hbm>>) target(%dma_start3A_10 : memref<632x128xf32, #tpu.memory_space<vmem_shared>>) target_semaphore(%run_scoped3A : memref<!tpu.dma_semaphore, #tpu.memory_space<semaphore_mem>>)
      %dma_wait3A = arith.constant 0 : i32
      %dma_wait3A_13 = tpu.memref_slice %arg10[%mul3A_0, %dma_wait3A] : memref<10112x128xf32, #tpu.memory_space<vmem_shared>> -> memref<632x128xf32, #tpu.memory_space<vmem_shared>>
      %dma_wait3A_14 = arith.constant 0 : i32
      %dma_wait3A_15 = tpu.memref_slice %arg2[%add3A, %dma_wait3A_14] : memref<20224x128xf32, #tpu.memory_space<hbm>> -> memref<632x128xf32, #tpu.memory_space<hbm>>
      tpu.wait_dma2 semaphore(%run_scoped3A : memref<!tpu.dma_semaphore, #tpu.memory_space<semaphore_mem>>) src(%dma_wait3A_15 : memref<632x128xf32, #tpu.memory_space<hbm>>) dst(%dma_wait3A_13 : memref<632x128xf32, #tpu.memory_space<vmem_shared>>)
      tpu.yield
    }) : () -> ()
    %barrier3A = arith.constant 0 : index
    tpu.barrier barrier_id(%barrier3A)
    %scan3A = arith.constant 0 : i32
    %scan3A_3 = arith.constant 0 : i32
    %scan3A_4 = arith.constant 4 : i32
    %scan3A_5 = arith.addi %scan3A_3, %scan3A_4 : i32
    %scan3A_6 = arith.constant 1 : i32
    %scan3A_7 = scf.for %scan3A_10 = %scan3A_3 to %scan3A_5 step %scan3A_6 iter_args(%scan3A_11 = %scan3A) -> (i32)  : i32 {
      %mul3A_12 = arith.constant 40 : i32
      %mul3A_13 = arith.muli %scan3A_10, %mul3A_12 : i32
      %multiple_of3A = tpu.assume_multiple %mul3A_13, 40 : i32
      "tpu.region"() ({
        %run_scoped3A = tpu.sem_alloc : memref<!tpu.dma_semaphore, #tpu.memory_space<semaphore_mem>>
        %dma_start3A_61 = arith.constant 0 : i32
        %dma_start3A_62 = tpu.memref_slice %arg3[%arg0, %arg1, %multiple_of3A, %dma_start3A_61] : memref<2x16x160x128xi32, #tpu.memory_space<hbm>> -> memref<1x1x40x128xi32, #tpu.memory_space<hbm>>
        %dma_start3A_63 = tpu.memref_squeeze %dma_start3A_62 : memref<1x1x40x128xi32, #tpu.memory_space<hbm>> -> memref<40x128xi32, #tpu.memory_space<hbm>>
        %dma_start3A_64 = arith.constant 0 : i32
        %dma_start3A_65 = tpu.memref_slice %arg3[%arg0, %arg1, %multiple_of3A, %dma_start3A_64] : memref<2x16x160x128xi32, #tpu.memory_space<hbm>> -> memref<1x1x40x128xi32, #tpu.memory_space<hbm>>
        %dma_start3A_66 = tpu.memref_squeeze %dma_start3A_65 : memref<1x1x40x128xi32, #tpu.memory_space<hbm>> -> memref<40x128xi32, #tpu.memory_space<hbm>>
        tpu.enqueue_dma source(%dma_start3A_66 : memref<40x128xi32, #tpu.memory_space<hbm>>) target(%arg6 : memref<40x128xi32, #tpu.memory_space<vmem>>) target_semaphore(%run_scoped3A : memref<!tpu.dma_semaphore, #tpu.memory_space<semaphore_mem>>)
        %dma_wait3A = arith.constant 0 : i32
        %dma_wait3A_67 = tpu.memref_slice %arg3[%arg0, %arg1, %multiple_of3A, %dma_wait3A] : memref<2x16x160x128xi32, #tpu.memory_space<hbm>> -> memref<1x1x40x128xi32, #tpu.memory_space<hbm>>
        %dma_wait3A_68 = tpu.memref_squeeze %dma_wait3A_67 : memref<1x1x40x128xi32, #tpu.memory_space<hbm>> -> memref<40x128xi32, #tpu.memory_space<hbm>>
        %dma_wait3A_69 = arith.constant 0 : i32
        %dma_wait3A_70 = tpu.memref_slice %arg3[%arg0, %arg1, %multiple_of3A, %dma_wait3A_69] : memref<2x16x160x128xi32, #tpu.memory_space<hbm>> -> memref<1x1x40x128xi32, #tpu.memory_space<hbm>>
        %dma_wait3A_71 = tpu.memref_squeeze %dma_wait3A_70 : memref<1x1x40x128xi32, #tpu.memory_space<hbm>> -> memref<40x128xi32, #tpu.memory_space<hbm>>
        tpu.wait_dma2 semaphore(%run_scoped3A : memref<!tpu.dma_semaphore, #tpu.memory_space<semaphore_mem>>) src(%dma_wait3A_71 : memref<40x128xi32, #tpu.memory_space<hbm>>) dst(%arg6 : memref<40x128xi32, #tpu.memory_space<vmem>>)
        tpu.yield
      }) : () -> ()
      "tpu.region"() ({
        %run_scoped3A = tpu.sem_alloc : memref<!tpu.dma_semaphore, #tpu.memory_space<semaphore_mem>>
        %dma_start3A_61 = arith.constant 0 : i32
        %dma_start3A_62 = tpu.memref_slice %arg4[%arg0, %arg1, %multiple_of3A, %dma_start3A_61] : memref<2x16x160x128xi32, #tpu.memory_space<hbm>> -> memref<1x1x40x128xi32, #tpu.memory_space<hbm>>
        %dma_start3A_63 = tpu.memref_squeeze %dma_start3A_62 : memref<1x1x40x128xi32, #tpu.memory_space<hbm>> -> memref<40x128xi32, #tpu.memory_space<hbm>>
        %dma_start3A_64 = arith.constant 0 : i32
        %dma_start3A_65 = tpu.memref_slice %arg4[%arg0, %arg1, %multiple_of3A, %dma_start3A_64] : memref<2x16x160x128xi32, #tpu.memory_space<hbm>> -> memref<1x1x40x128xi32, #tpu.memory_space<hbm>>
        %dma_start3A_66 = tpu.memref_squeeze %dma_start3A_65 : memref<1x1x40x128xi32, #tpu.memory_space<hbm>> -> memref<40x128xi32, #tpu.memory_space<hbm>>
        tpu.enqueue_dma source(%dma_start3A_66 : memref<40x128xi32, #tpu.memory_space<hbm>>) target(%arg7 : memref<40x128xi32, #tpu.memory_space<vmem>>) target_semaphore(%run_scoped3A : memref<!tpu.dma_semaphore, #tpu.memory_space<semaphore_mem>>)
        %dma_wait3A = arith.constant 0 : i32
        %dma_wait3A_67 = tpu.memref_slice %arg4[%arg0, %arg1, %multiple_of3A, %dma_wait3A] : memref<2x16x160x128xi32, #tpu.memory_space<hbm>> -> memref<1x1x40x128xi32, #tpu.memory_space<hbm>>
        %dma_wait3A_68 = tpu.memref_squeeze %dma_wait3A_67 : memref<1x1x40x128xi32, #tpu.memory_space<hbm>> -> memref<40x128xi32, #tpu.memory_space<hbm>>
        %dma_wait3A_69 = arith.constant 0 : i32
        %dma_wait3A_70 = tpu.memref_slice %arg4[%arg0, %arg1, %multiple_of3A, %dma_wait3A_69] : memref<2x16x160x128xi32, #tpu.memory_space<hbm>> -> memref<1x1x40x128xi32, #tpu.memory_space<hbm>>
        %dma_wait3A_71 = tpu.memref_squeeze %dma_wait3A_70 : memref<1x1x40x128xi32, #tpu.memory_space<hbm>> -> memref<40x128xi32, #tpu.memory_space<hbm>>
        tpu.wait_dma2 semaphore(%run_scoped3A : memref<!tpu.dma_semaphore, #tpu.memory_space<semaphore_mem>>) src(%dma_wait3A_71 : memref<40x128xi32, #tpu.memory_space<hbm>>) dst(%arg7 : memref<40x128xi32, #tpu.memory_space<vmem>>)
        tpu.yield
      }) : () -> ()
      %dma_start3A = arith.constant 0 : i32
      %dma_start3A_14 = arith.constant 0 : i32
      %dma_start3A_15 = arith.constant 0 : i32
      %dma_start3A_16 = tpu.memref_slice %arg8[%dma_start3A_14, %dma_start3A_15] : memref<128x128xf32, #tpu.memory_space<vmem>> -> memref<64x128xf32, #tpu.memory_space<vmem>>
      %dma_start3A_17 = arith.constant 0 : i32
      %dma_start3A_18 = tpu.memref_slice %arg6[%dma_start3A, %dma_start3A_17] : memref<40x128xi32, #tpu.memory_space<vmem>> -> memref<1x64xi32, #tpu.memory_space<vmem>>
      %dma_start3A_19 = tpu.memref_squeeze %dma_start3A_18 : memref<1x64xi32, #tpu.memory_space<vmem>> -> memref<64xi32, #tpu.memory_space<vmem>>
      %dma_start3A_20 = arith.constant 0 : i32
      %dma_start3A_21 = arith.constant 0 : i32
      %dma_start3A_22 = tpu.memref_slice %arg2[%dma_start3A_20, %dma_start3A_21] : memref<20224x128xf32, #tpu.memory_space<hbm>> -> memref<20224x128xf32, #tpu.memory_space<hbm>>
      tpu.enqueue_indirect_dma source(%dma_start3A_22 : memref<20224x128xf32, #tpu.memory_space<hbm>>) target(%dma_start3A_16 : memref<64x128xf32, #tpu.memory_space<vmem>>) offsets(%dma_start3A_19 : memref<64xi32, #tpu.memory_space<vmem>>) semaphore(%arg11 : memref<!tpu.dma_semaphore, #tpu.memory_space<semaphore_mem>>)
      %dma_start3A_23 = arith.constant 0 : i32
      %dma_start3A_24 = arith.constant 64 : i32
      %dma_start3A_25 = arith.constant 0 : i32
      %dma_start3A_26 = tpu.memref_slice %arg8[%dma_start3A_24, %dma_start3A_25] : memref<128x128xf32, #tpu.memory_space<vmem>> -> memref<64x128xf32, #tpu.memory_space<vmem>>
      %dma_start3A_27 = arith.constant 64 : i32
      %dma_start3A_28 = tpu.memref_slice %arg6[%dma_start3A_23, %dma_start3A_27] : memref<40x128xi32, #tpu.memory_space<vmem>> -> memref<1x64xi32, #tpu.memory_space<vmem>>
      %dma_start3A_29 = tpu.memref_squeeze %dma_start3A_28 : memref<1x64xi32, #tpu.memory_space<vmem>> -> memref<64xi32, #tpu.memory_space<vmem>>
      %dma_start3A_30 = arith.constant 0 : i32
      %dma_start3A_31 = arith.constant 0 : i32
      %dma_start3A_32 = tpu.memref_slice %arg2[%dma_start3A_30, %dma_start3A_31] : memref<20224x128xf32, #tpu.memory_space<hbm>> -> memref<20224x128xf32, #tpu.memory_space<hbm>>
      tpu.enqueue_indirect_dma source(%dma_start3A_32 : memref<20224x128xf32, #tpu.memory_space<hbm>>) target(%dma_start3A_26 : memref<64x128xf32, #tpu.memory_space<vmem>>) offsets(%dma_start3A_29 : memref<64xi32, #tpu.memory_space<vmem>>) semaphore(%arg11 : memref<!tpu.dma_semaphore, #tpu.memory_space<semaphore_mem>>)
      %dma_start3A_33 = arith.constant 1 : i32
      %dma_start3A_34 = arith.constant 0 : i32
      %dma_start3A_35 = arith.constant 0 : i32
      %dma_start3A_36 = tpu.memref_slice %arg9[%dma_start3A_34, %dma_start3A_35] : memref<128x128xf32, #tpu.memory_space<vmem>> -> memref<64x128xf32, #tpu.memory_space<vmem>>
      %dma_start3A_37 = arith.constant 0 : i32
      %dma_start3A_38 = tpu.memref_slice %arg6[%dma_start3A_33, %dma_start3A_37] : memref<40x128xi32, #tpu.memory_space<vmem>> -> memref<1x64xi32, #tpu.memory_space<vmem>>
      %dma_start3A_39 = tpu.memref_squeeze %dma_start3A_38 : memref<1x64xi32, #tpu.memory_space<vmem>> -> memref<64xi32, #tpu.memory_space<vmem>>
      %dma_start3A_40 = arith.constant 0 : i32
      %dma_start3A_41 = arith.constant 0 : i32
      %dma_start3A_42 = tpu.memref_slice %arg2[%dma_start3A_40, %dma_start3A_41] : memref<20224x128xf32, #tpu.memory_space<hbm>> -> memref<20224x128xf32, #tpu.memory_space<hbm>>
      tpu.enqueue_indirect_dma source(%dma_start3A_42 : memref<20224x128xf32, #tpu.memory_space<hbm>>) target(%dma_start3A_36 : memref<64x128xf32, #tpu.memory_space<vmem>>) offsets(%dma_start3A_39 : memref<64xi32, #tpu.memory_space<vmem>>) semaphore(%arg12 : memref<!tpu.dma_semaphore, #tpu.memory_space<semaphore_mem>>)
      %dma_start3A_43 = arith.constant 1 : i32
      %dma_start3A_44 = arith.constant 64 : i32
      %dma_start3A_45 = arith.constant 0 : i32
      %dma_start3A_46 = tpu.memref_slice %arg9[%dma_start3A_44, %dma_start3A_45] : memref<128x128xf32, #tpu.memory_space<vmem>> -> memref<64x128xf32, #tpu.memory_space<vmem>>
      %dma_start3A_47 = arith.constant 64 : i32
      %dma_start3A_48 = tpu.memref_slice %arg6[%dma_start3A_43, %dma_start3A_47] : memref<40x128xi32, #tpu.memory_space<vmem>> -> memref<1x64xi32, #tpu.memory_space<vmem>>
      %dma_start3A_49 = tpu.memref_squeeze %dma_start3A_48 : memref<1x64xi32, #tpu.memory_space<vmem>> -> memref<64xi32, #tpu.memory_space<vmem>>
      %dma_start3A_50 = arith.constant 0 : i32
      %dma_start3A_51 = arith.constant 0 : i32
      %dma_start3A_52 = tpu.memref_slice %arg2[%dma_start3A_50, %dma_start3A_51] : memref<20224x128xf32, #tpu.memory_space<hbm>> -> memref<20224x128xf32, #tpu.memory_space<hbm>>
      tpu.enqueue_indirect_dma source(%dma_start3A_52 : memref<20224x128xf32, #tpu.memory_space<hbm>>) target(%dma_start3A_46 : memref<64x128xf32, #tpu.memory_space<vmem>>) offsets(%dma_start3A_49 : memref<64xi32, #tpu.memory_space<vmem>>) semaphore(%arg12 : memref<!tpu.dma_semaphore, #tpu.memory_space<semaphore_mem>>)
      %scan3A_53 = arith.constant 0 : i32
      %scan3A_54 = arith.constant 0 : i32
      %scan3A_55 = arith.constant 20 : i32
      %scan3A_56 = arith.addi %scan3A_54, %scan3A_55 : i32
      %scan3A_57 = arith.constant 1 : i32
      %scan3A_58 = scf.for %scan3A_61 = %scan3A_54 to %scan3A_56 step %scan3A_57 iter_args(%scan3A_62 = %scan3A_53) -> (i32)  : i32 {
        %mul3A_63 = arith.constant 2 : i32
        %mul3A_64 = arith.muli %mul3A_63, %scan3A_61 : i32
        %dma_wait3A = arith.constant 0 : i32
        %dma_wait3A_65 = arith.constant 0 : i32
        %dma_wait3A_66 = tpu.memref_slice %arg8[%dma_wait3A, %dma_wait3A_65] : memref<128x128xf32, #tpu.memory_space<vmem>> -> memref<64x128xf32, #tpu.memory_space<vmem>>
        %dma_wait3A_67 = arith.constant 0 : i32
        %dma_wait3A_68 = tpu.memref_slice %arg6[%mul3A_64, %dma_wait3A_67] : memref<40x128xi32, #tpu.memory_space<vmem>> -> memref<1x64xi32, #tpu.memory_space<vmem>>
        %dma_wait3A_69 = tpu.memref_squeeze %dma_wait3A_68 : memref<1x64xi32, #tpu.memory_space<vmem>> -> memref<64xi32, #tpu.memory_space<vmem>>
        %dma_wait3A_70 = arith.constant 0 : i32
        %dma_wait3A_71 = arith.constant 0 : i32
        %dma_wait3A_72 = tpu.memref_slice %arg2[%dma_wait3A_70, %dma_wait3A_71] : memref<20224x128xf32, #tpu.memory_space<hbm>> -> memref<20224x128xf32, #tpu.memory_space<hbm>>
        tpu.wait_indirect_dma semaphore(%arg11 : memref<!tpu.dma_semaphore, #tpu.memory_space<semaphore_mem>>) src(%dma_wait3A_72 : memref<20224x128xf32, #tpu.memory_space<hbm>>) dst(%dma_wait3A_66 : memref<64x128xf32, #tpu.memory_space<vmem>>)
        %dma_wait3A_73 = arith.constant 64 : i32
        %dma_wait3A_74 = arith.constant 0 : i32
        %dma_wait3A_75 = tpu.memref_slice %arg8[%dma_wait3A_73, %dma_wait3A_74] : memref<128x128xf32, #tpu.memory_space<vmem>> -> memref<64x128xf32, #tpu.memory_space<vmem>>
        %dma_wait3A_76 = arith.constant 64 : i32
        %dma_wait3A_77 = tpu.memref_slice %arg6[%mul3A_64, %dma_wait3A_76] : memref<40x128xi32, #tpu.memory_space<vmem>> -> memref<1x64xi32, #tpu.memory_space<vmem>>
        %dma_wait3A_78 = tpu.memref_squeeze %dma_wait3A_77 : memref<1x64xi32, #tpu.memory_space<vmem>> -> memref<64xi32, #tpu.memory_space<vmem>>
        %dma_wait3A_79 = arith.constant 0 : i32
        %dma_wait3A_80 = arith.constant 0 : i32
        %dma_wait3A_81 = tpu.memref_slice %arg2[%dma_wait3A_79, %dma_wait3A_80] : memref<20224x128xf32, #tpu.memory_space<hbm>> -> memref<20224x128xf32, #tpu.memory_space<hbm>>
        tpu.wait_indirect_dma semaphore(%arg11 : memref<!tpu.dma_semaphore, #tpu.memory_space<semaphore_mem>>) src(%dma_wait3A_81 : memref<20224x128xf32, #tpu.memory_space<hbm>>) dst(%dma_wait3A_75 : memref<64x128xf32, #tpu.memory_space<vmem>>)
        %add3A_82 = arith.constant 2 : i32
        %add3A_83 = arith.addi %mul3A_64, %add3A_82 : i32
        %lt3A = arith.constant 40 : i32
        %lt3A_84 = arith.cmpi slt, %add3A_83, %lt3A : i32
        %convert_element_type3A = arith.extui %lt3A_84 : i1 to i32
        %cond3A = arith.constant 0 : i32
        %cond3A_85 = arith.cmpi ne, %convert_element_type3A, %cond3A : i32
        scf.if %cond3A_85 {
          %add3A_116 = arith.constant 2 : i32
          %add3A_117 = arith.addi %mul3A_64, %add3A_116 : i32
          %dma_start3A_118 = arith.constant 0 : i32
          %dma_start3A_119 = arith.constant 0 : i32
          %dma_start3A_120 = tpu.memref_slice %arg8[%dma_start3A_118, %dma_start3A_119] : memref<128x128xf32, #tpu.memory_space<vmem>> -> memref<64x128xf32, #tpu.memory_space<vmem>>
          %dma_start3A_121 = arith.constant 0 : i32
          %dma_start3A_122 = tpu.memref_slice %arg6[%add3A_117, %dma_start3A_121] : memref<40x128xi32, #tpu.memory_space<vmem>> -> memref<1x64xi32, #tpu.memory_space<vmem>>
          %dma_start3A_123 = tpu.memref_squeeze %dma_start3A_122 : memref<1x64xi32, #tpu.memory_space<vmem>> -> memref<64xi32, #tpu.memory_space<vmem>>
          %dma_start3A_124 = arith.constant 0 : i32
          %dma_start3A_125 = arith.constant 0 : i32
          %dma_start3A_126 = tpu.memref_slice %arg2[%dma_start3A_124, %dma_start3A_125] : memref<20224x128xf32, #tpu.memory_space<hbm>> -> memref<20224x128xf32, #tpu.memory_space<hbm>>
          tpu.enqueue_indirect_dma source(%dma_start3A_126 : memref<20224x128xf32, #tpu.memory_space<hbm>>) target(%dma_start3A_120 : memref<64x128xf32, #tpu.memory_space<vmem>>) offsets(%dma_start3A_123 : memref<64xi32, #tpu.memory_space<vmem>>) semaphore(%arg11 : memref<!tpu.dma_semaphore, #tpu.memory_space<semaphore_mem>>)
          %dma_start3A_127 = arith.constant 64 : i32
          %dma_start3A_128 = arith.constant 0 : i32
          %dma_start3A_129 = tpu.memref_slice %arg8[%dma_start3A_127, %dma_start3A_128] : memref<128x128xf32, #tpu.memory_space<vmem>> -> memref<64x128xf32, #tpu.memory_space<vmem>>
          %dma_start3A_130 = arith.constant 64 : i32
          %dma_start3A_131 = tpu.memref_slice %arg6[%add3A_117, %dma_start3A_130] : memref<40x128xi32, #tpu.memory_space<vmem>> -> memref<1x64xi32, #tpu.memory_space<vmem>>
          %dma_start3A_132 = tpu.memref_squeeze %dma_start3A_131 : memref<1x64xi32, #tpu.memory_space<vmem>> -> memref<64xi32, #tpu.memory_space<vmem>>
          %dma_start3A_133 = arith.constant 0 : i32
          %dma_start3A_134 = arith.constant 0 : i32
          %dma_start3A_135 = tpu.memref_slice %arg2[%dma_start3A_133, %dma_start3A_134] : memref<20224x128xf32, #tpu.memory_space<hbm>> -> memref<20224x128xf32, #tpu.memory_space<hbm>>
          tpu.enqueue_indirect_dma source(%dma_start3A_135 : memref<20224x128xf32, #tpu.memory_space<hbm>>) target(%dma_start3A_129 : memref<64x128xf32, #tpu.memory_space<vmem>>) offsets(%dma_start3A_132 : memref<64xi32, #tpu.memory_space<vmem>>) semaphore(%arg11 : memref<!tpu.dma_semaphore, #tpu.memory_space<semaphore_mem>>)
        } else {
        }
        "tpu.region"() ({
          %run_scoped3A = tpu.sem_alloc : memref<!tpu.dma_semaphore, #tpu.memory_space<semaphore_mem>>
          %dma_start3A_116 = arith.constant 0 : i32
          %dma_start3A_117 = tpu.memref_slice %arg7[%mul3A_64, %dma_start3A_116] : memref<40x128xi32, #tpu.memory_space<vmem>> -> memref<1x128xi32, #tpu.memory_space<vmem>>
          %dma_start3A_118 = tpu.memref_squeeze %dma_start3A_117 : memref<1x128xi32, #tpu.memory_space<vmem>> -> memref<128xi32, #tpu.memory_space<vmem>>
          %dma_start3A_119 = arith.constant 0 : i32
          %dma_start3A_120 = arith.constant 0 : i32
          %dma_start3A_121 = tpu.memref_slice %arg10[%dma_start3A_119, %dma_start3A_120] : memref<10112x128xf32, #tpu.memory_space<vmem_shared>> -> memref<10112x128xf32, #tpu.memory_space<vmem_shared>>
          tpu.enqueue_indirect_dma source(%arg8 : memref<128x128xf32, #tpu.memory_space<vmem>>) target(%dma_start3A_121 : memref<10112x128xf32, #tpu.memory_space<vmem_shared>>) offsets(%dma_start3A_118 : memref<128xi32, #tpu.memory_space<vmem>>) semaphore(%run_scoped3A : memref<!tpu.dma_semaphore, #tpu.memory_space<semaphore_mem>>) {add = true}
          %dma_wait3A_122 = arith.constant 0 : i32
          %dma_wait3A_123 = tpu.memref_slice %arg7[%mul3A_64, %dma_wait3A_122] : memref<40x128xi32, #tpu.memory_space<vmem>> -> memref<1x128xi32, #tpu.memory_space<vmem>>
          %dma_wait3A_124 = tpu.memref_squeeze %dma_wait3A_123 : memref<1x128xi32, #tpu.memory_space<vmem>> -> memref<128xi32, #tpu.memory_space<vmem>>
          %dma_wait3A_125 = arith.constant 0 : i32
          %dma_wait3A_126 = arith.constant 0 : i32
          %dma_wait3A_127 = tpu.memref_slice %arg10[%dma_wait3A_125, %dma_wait3A_126] : memref<10112x128xf32, #tpu.memory_space<vmem_shared>> -> memref<10112x128xf32, #tpu.memory_space<vmem_shared>>
          tpu.wait_indirect_dma semaphore(%run_scoped3A : memref<!tpu.dma_semaphore, #tpu.memory_space<semaphore_mem>>) src(%arg8 : memref<128x128xf32, #tpu.memory_space<vmem>>) dst(%dma_wait3A_127 : memref<10112x128xf32, #tpu.memory_space<vmem_shared>>)
          tpu.yield
        }) : () -> ()
        %add3A_86 = arith.constant 1 : i32
        %add3A_87 = arith.addi %mul3A_64, %add3A_86 : i32
        %dma_wait3A_88 = arith.constant 0 : i32
        %dma_wait3A_89 = arith.constant 0 : i32
        %dma_wait3A_90 = tpu.memref_slice %arg9[%dma_wait3A_88, %dma_wait3A_89] : memref<128x128xf32, #tpu.memory_space<vmem>> -> memref<64x128xf32, #tpu.memory_space<vmem>>
        %dma_wait3A_91 = arith.constant 0 : i32
        %dma_wait3A_92 = tpu.memref_slice %arg6[%add3A_87, %dma_wait3A_91] : memref<40x128xi32, #tpu.memory_space<vmem>> -> memref<1x64xi32, #tpu.memory_space<vmem>>
        %dma_wait3A_93 = tpu.memref_squeeze %dma_wait3A_92 : memref<1x64xi32, #tpu.memory_space<vmem>> -> memref<64xi32, #tpu.memory_space<vmem>>
        %dma_wait3A_94 = arith.constant 0 : i32
        %dma_wait3A_95 = arith.constant 0 : i32
        %dma_wait3A_96 = tpu.memref_slice %arg2[%dma_wait3A_94, %dma_wait3A_95] : memref<20224x128xf32, #tpu.memory_space<hbm>> -> memref<20224x128xf32, #tpu.memory_space<hbm>>
        tpu.wait_indirect_dma semaphore(%arg12 : memref<!tpu.dma_semaphore, #tpu.memory_space<semaphore_mem>>) src(%dma_wait3A_96 : memref<20224x128xf32, #tpu.memory_space<hbm>>) dst(%dma_wait3A_90 : memref<64x128xf32, #tpu.memory_space<vmem>>)
        %dma_wait3A_97 = arith.constant 64 : i32
        %dma_wait3A_98 = arith.constant 0 : i32
        %dma_wait3A_99 = tpu.memref_slice %arg9[%dma_wait3A_97, %dma_wait3A_98] : memref<128x128xf32, #tpu.memory_space<vmem>> -> memref<64x128xf32, #tpu.memory_space<vmem>>
        %dma_wait3A_100 = arith.constant 64 : i32
        %dma_wait3A_101 = tpu.memref_slice %arg6[%add3A_87, %dma_wait3A_100] : memref<40x128xi32, #tpu.memory_space<vmem>> -> memref<1x64xi32, #tpu.memory_space<vmem>>
        %dma_wait3A_102 = tpu.memref_squeeze %dma_wait3A_101 : memref<1x64xi32, #tpu.memory_space<vmem>> -> memref<64xi32, #tpu.memory_space<vmem>>
        %dma_wait3A_103 = arith.constant 0 : i32
        %dma_wait3A_104 = arith.constant 0 : i32
        %dma_wait3A_105 = tpu.memref_slice %arg2[%dma_wait3A_103, %dma_wait3A_104] : memref<20224x128xf32, #tpu.memory_space<hbm>> -> memref<20224x128xf32, #tpu.memory_space<hbm>>
        tpu.wait_indirect_dma semaphore(%arg12 : memref<!tpu.dma_semaphore, #tpu.memory_space<semaphore_mem>>) src(%dma_wait3A_105 : memref<20224x128xf32, #tpu.memory_space<hbm>>) dst(%dma_wait3A_99 : memref<64x128xf32, #tpu.memory_space<vmem>>)
        %add3A_106 = arith.constant 3 : i32
        %add3A_107 = arith.addi %mul3A_64, %add3A_106 : i32
        %lt3A_108 = arith.constant 40 : i32
        %lt3A_109 = arith.cmpi slt, %add3A_107, %lt3A_108 : i32
        %convert_element_type3A_110 = arith.extui %lt3A_109 : i1 to i32
        %cond3A_111 = arith.constant 0 : i32
        %cond3A_112 = arith.cmpi ne, %convert_element_type3A_110, %cond3A_111 : i32
        scf.if %cond3A_112 {
          %add3A_116 = arith.constant 3 : i32
          %add3A_117 = arith.addi %mul3A_64, %add3A_116 : i32
          %dma_start3A_118 = arith.constant 0 : i32
          %dma_start3A_119 = arith.constant 0 : i32
          %dma_start3A_120 = tpu.memref_slice %arg9[%dma_start3A_118, %dma_start3A_119] : memref<128x128xf32, #tpu.memory_space<vmem>> -> memref<64x128xf32, #tpu.memory_space<vmem>>
          %dma_start3A_121 = arith.constant 0 : i32
          %dma_start3A_122 = tpu.memref_slice %arg6[%add3A_117, %dma_start3A_121] : memref<40x128xi32, #tpu.memory_space<vmem>> -> memref<1x64xi32, #tpu.memory_space<vmem>>
          %dma_start3A_123 = tpu.memref_squeeze %dma_start3A_122 : memref<1x64xi32, #tpu.memory_space<vmem>> -> memref<64xi32, #tpu.memory_space<vmem>>
          %dma_start3A_124 = arith.constant 0 : i32
          %dma_start3A_125 = arith.constant 0 : i32
          %dma_start3A_126 = tpu.memref_slice %arg2[%dma_start3A_124, %dma_start3A_125] : memref<20224x128xf32, #tpu.memory_space<hbm>> -> memref<20224x128xf32, #tpu.memory_space<hbm>>
          tpu.enqueue_indirect_dma source(%dma_start3A_126 : memref<20224x128xf32, #tpu.memory_space<hbm>>) target(%dma_start3A_120 : memref<64x128xf32, #tpu.memory_space<vmem>>) offsets(%dma_start3A_123 : memref<64xi32, #tpu.memory_space<vmem>>) semaphore(%arg12 : memref<!tpu.dma_semaphore, #tpu.memory_space<semaphore_mem>>)
          %dma_start3A_127 = arith.constant 64 : i32
          %dma_start3A_128 = arith.constant 0 : i32
          %dma_start3A_129 = tpu.memref_slice %arg9[%dma_start3A_127, %dma_start3A_128] : memref<128x128xf32, #tpu.memory_space<vmem>> -> memref<64x128xf32, #tpu.memory_space<vmem>>
          %dma_start3A_130 = arith.constant 64 : i32
          %dma_start3A_131 = tpu.memref_slice %arg6[%add3A_117, %dma_start3A_130] : memref<40x128xi32, #tpu.memory_space<vmem>> -> memref<1x64xi32, #tpu.memory_space<vmem>>
          %dma_start3A_132 = tpu.memref_squeeze %dma_start3A_131 : memref<1x64xi32, #tpu.memory_space<vmem>> -> memref<64xi32, #tpu.memory_space<vmem>>
          %dma_start3A_133 = arith.constant 0 : i32
          %dma_start3A_134 = arith.constant 0 : i32
          %dma_start3A_135 = tpu.memref_slice %arg2[%dma_start3A_133, %dma_start3A_134] : memref<20224x128xf32, #tpu.memory_space<hbm>> -> memref<20224x128xf32, #tpu.memory_space<hbm>>
          tpu.enqueue_indirect_dma source(%dma_start3A_135 : memref<20224x128xf32, #tpu.memory_space<hbm>>) target(%dma_start3A_129 : memref<64x128xf32, #tpu.memory_space<vmem>>) offsets(%dma_start3A_132 : memref<64xi32, #tpu.memory_space<vmem>>) semaphore(%arg12 : memref<!tpu.dma_semaphore, #tpu.memory_space<semaphore_mem>>)
        } else {
        }
        %add3A_113 = arith.constant 1 : i32
        %add3A_114 = arith.addi %mul3A_64, %add3A_113 : i32
        "tpu.region"() ({
          %run_scoped3A = tpu.sem_alloc : memref<!tpu.dma_semaphore, #tpu.memory_space<semaphore_mem>>
          %dma_start3A_116 = arith.constant 0 : i32
          %dma_start3A_117 = tpu.memref_slice %arg7[%add3A_114, %dma_start3A_116] : memref<40x128xi32, #tpu.memory_space<vmem>> -> memref<1x128xi32, #tpu.memory_space<vmem>>
          %dma_start3A_118 = tpu.memref_squeeze %dma_start3A_117 : memref<1x128xi32, #tpu.memory_space<vmem>> -> memref<128xi32, #tpu.memory_space<vmem>>
          %dma_start3A_119 = arith.constant 0 : i32
          %dma_start3A_120 = arith.constant 0 : i32
          %dma_start3A_121 = tpu.memref_slice %arg10[%dma_start3A_119, %dma_start3A_120] : memref<10112x128xf32, #tpu.memory_space<vmem_shared>> -> memref<10112x128xf32, #tpu.memory_space<vmem_shared>>
          tpu.enqueue_indirect_dma source(%arg9 : memref<128x128xf32, #tpu.memory_space<vmem>>) target(%dma_start3A_121 : memref<10112x128xf32, #tpu.memory_space<vmem_shared>>) offsets(%dma_start3A_118 : memref<128xi32, #tpu.memory_space<vmem>>) semaphore(%run_scoped3A : memref<!tpu.dma_semaphore, #tpu.memory_space<semaphore_mem>>) {add = true}
          %dma_wait3A_122 = arith.constant 0 : i32
          %dma_wait3A_123 = tpu.memref_slice %arg7[%add3A_114, %dma_wait3A_122] : memref<40x128xi32, #tpu.memory_space<vmem>> -> memref<1x128xi32, #tpu.memory_space<vmem>>
          %dma_wait3A_124 = tpu.memref_squeeze %dma_wait3A_123 : memref<1x128xi32, #tpu.memory_space<vmem>> -> memref<128xi32, #tpu.memory_space<vmem>>
          %dma_wait3A_125 = arith.constant 0 : i32
          %dma_wait3A_126 = arith.constant 0 : i32
          %dma_wait3A_127 = tpu.memref_slice %arg10[%dma_wait3A_125, %dma_wait3A_126] : memref<10112x128xf32, #tpu.memory_space<vmem_shared>> -> memref<10112x128xf32, #tpu.memory_space<vmem_shared>>
          tpu.wait_indirect_dma semaphore(%run_scoped3A : memref<!tpu.dma_semaphore, #tpu.memory_space<semaphore_mem>>) src(%arg9 : memref<128x128xf32, #tpu.memory_space<vmem>>) dst(%dma_wait3A_127 : memref<10112x128xf32, #tpu.memory_space<vmem_shared>>)
          tpu.yield
        }) : () -> ()
        %scan3A_115 = arith.constant 0 : i32
        scf.yield %scan3A_115 : i32
      }
      %scan3A_59 = arith.constant 20 : i32
      %scan3A_60 = arith.constant 0 : i32
      scf.yield %scan3A_60 : i32
    }
    %scan3A_8 = arith.constant 4 : i32
    %barrier3A_9 = arith.constant 0 : index
    tpu.barrier barrier_id(%barrier3A_9)
    "tpu.region"() ({
      %run_scoped3A = tpu.sem_alloc : memref<!tpu.dma_semaphore, #tpu.memory_space<semaphore_mem>>
      %dma_start3A = arith.constant 0 : i32
      %dma_start3A_10 = tpu.memref_slice %arg5[%arg0, %mul3A_0, %dma_start3A] : memref<2x10112x128xf32, #tpu.memory_space<hbm>> -> memref<1x632x128xf32, #tpu.memory_space<hbm>>
      %dma_start3A_11 = tpu.memref_squeeze %dma_start3A_10 : memref<1x632x128xf32, #tpu.memory_space<hbm>> -> memref<632x128xf32, #tpu.memory_space<hbm>>
      %dma_start3A_12 = arith.constant 0 : i32
      %dma_start3A_13 = tpu.memref_slice %arg10[%mul3A_0, %dma_start3A_12] : memref<10112x128xf32, #tpu.memory_space<vmem_shared>> -> memref<632x128xf32, #tpu.memory_space<vmem_shared>>
      tpu.enqueue_dma source(%dma_start3A_13 : memref<632x128xf32, #tpu.memory_space<vmem_shared>>) target(%dma_start3A_11 : memref<632x128xf32, #tpu.memory_space<hbm>>) target_semaphore(%run_scoped3A : memref<!tpu.dma_semaphore, #tpu.memory_space<semaphore_mem>>)
      %dma_wait3A = arith.constant 0 : i32
      %dma_wait3A_14 = tpu.memref_slice %arg5[%arg0, %mul3A_0, %dma_wait3A] : memref<2x10112x128xf32, #tpu.memory_space<hbm>> -> memref<1x632x128xf32, #tpu.memory_space<hbm>>
      %dma_wait3A_15 = tpu.memref_squeeze %dma_wait3A_14 : memref<1x632x128xf32, #tpu.memory_space<hbm>> -> memref<632x128xf32, #tpu.memory_space<hbm>>
      %dma_wait3A_16 = arith.constant 0 : i32
      %dma_wait3A_17 = tpu.memref_slice %arg10[%mul3A_0, %dma_wait3A_16] : memref<10112x128xf32, #tpu.memory_space<vmem_shared>> -> memref<632x128xf32, #tpu.memory_space<vmem_shared>>
      tpu.wait_dma2 semaphore(%run_scoped3A : memref<!tpu.dma_semaphore, #tpu.memory_space<semaphore_mem>>) src(%dma_wait3A_17 : memref<632x128xf32, #tpu.memory_space<vmem_shared>>) dst(%dma_wait3A_15 : memref<632x128xf32, #tpu.memory_space<hbm>>)
      tpu.yield
    }) : () -> ()
    return
  }
}

#map = affine_map<(d0, d1) -> (0, 0)>
#map1 = affine_map<(d0, d1) -> (0, 0, 0, 0)>
#map2 = affine_map<(d0, d1) -> (0, 0, 0)>
module attributes {stable_mosaic.version = 14 : i64} {
  func.func @body(%arg0: i32, %arg1: i32, %arg2: memref<20224x128xf32, #tpu.memory_space<hbm>>, %arg3: memref<2x16x160x128xi32, #tpu.memory_space<hbm>>, %arg4: memref<2x16x160x128xi32, #tpu.memory_space<hbm>>, %arg5: memref<2x10112x128xf32, #tpu.memory_space<hbm>>, %arg6: memref<40x128xi32, #tpu.memory_space<vmem>>, %arg7: memref<40x128xi32, #tpu.memory_space<vmem>>, %arg8: memref<128x128xf32, #tpu.memory_space<vmem>>, %arg9: memref<128x128xf32, #tpu.memory_space<vmem>>, %arg10: memref<10112x128xf32, #tpu.memory_space<vmem_shared>>, %arg11: memref<!tpu.dma_semaphore, #tpu.memory_space<semaphore_mem>>, %arg12: memref<!tpu.dma_semaphore, #tpu.memory_space<semaphore_mem>>) attributes {dimension_semantics = [#tpu.dimension_semantics<core_parallel>, #tpu.dimension_semantics<subcore_parallel>], iteration_bounds = array<i64: 2, 16>, scalar_prefetch = 0 : i64, scratch_operands = 7 : i64, tpu.core_type = #tpu.core_type<sc_vector_subcore>, window_params = [{transform_indices = #map}, {transform_indices = #map1}, {transform_indices = #map1}, {transform_indices = #map2}]} {
    %mul3A = arith.constant 632 : i32
    %mul3A_0 = arith.muli %arg1, %mul3A : i32
    %mul3A_1 = arith.constant 10112 : i32
    %mul3A_2 = arith.muli %arg0, %mul3A_1 : i32
    %add3A = arith.addi %mul3A_2, %mul3A_0 : i32
    "tpu.region"() ({
      %run_scoped3A = tpu.sem_alloc : memref<!tpu.dma_semaphore, #tpu.memory_space<semaphore_mem>>
      %dma_start3A = arith.constant 0 : i32
      %dma_start3A_10 = tpu.memref_slice %arg10[%mul3A_0, %dma_start3A] : memref<10112x128xf32, #tpu.memory_space<vmem_shared>> -> memref<632x128xf32, #tpu.memory_space<vmem_shared>>
      %dma_start3A_11 = arith.constant 0 : i32
      %dma_start3A_12 = tpu.memref_slice %arg2[%add3A, %dma_start3A_11] : memref<20224x128xf32, #tpu.memory_space<hbm>> -> memref<632x128xf32, #tpu.memory_space<hbm>>
      tpu.enqueue_dma source(%dma_start3A_12 : memref<632x128xf32, #tpu.memory_space<hbm>>) target(%dma_start3A_10 : memref<632x128xf32, #tpu.memory_space<vmem_shared>>) target_semaphore(%run_scoped3A : memref<!tpu.dma_semaphore, #tpu.memory_space<semaphore_mem>>)
      %dma_wait3A = arith.constant 0 : i32
      %dma_wait3A_13 = tpu.memref_slice %arg10[%mul3A_0, %dma_wait3A] : memref<10112x128xf32, #tpu.memory_space<vmem_shared>> -> memref<632x128xf32, #tpu.memory_space<vmem_shared>>
      %dma_wait3A_14 = arith.constant 0 : i32
      %dma_wait3A_15 = tpu.memref_slice %arg2[%add3A, %dma_wait3A_14] : memref<20224x128xf32, #tpu.memory_space<hbm>> -> memref<632x128xf32, #tpu.memory_space<hbm>>
      tpu.wait_dma2 semaphore(%run_scoped3A : memref<!tpu.dma_semaphore, #tpu.memory_space<semaphore_mem>>) src(%dma_wait3A_15 : memref<632x128xf32, #tpu.memory_space<hbm>>) dst(%dma_wait3A_13 : memref<632x128xf32, #tpu.memory_space<vmem_shared>>)
      tpu.yield
    }) : () -> ()
    %barrier3A = arith.constant 0 : index
    tpu.barrier barrier_id(%barrier3A)
    %scan3A = arith.constant 0 : i32
    %scan3A_3 = arith.constant 0 : i32
    %scan3A_4 = arith.constant 4 : i32
    %scan3A_5 = arith.addi %scan3A_3, %scan3A_4 : i32
    %scan3A_6 = arith.constant 1 : i32
    %scan3A_7 = scf.for %scan3A_10 = %scan3A_3 to %scan3A_5 step %scan3A_6 iter_args(%scan3A_11 = %scan3A) -> (i32)  : i32 {
      %mul3A_12 = arith.constant 40 : i32
      %mul3A_13 = arith.muli %scan3A_10, %mul3A_12 : i32
      %multiple_of3A = tpu.assume_multiple %mul3A_13, 40 : i32
      "tpu.region"() ({
        %run_scoped3A = tpu.sem_alloc : memref<!tpu.dma_semaphore, #tpu.memory_space<semaphore_mem>>
        %dma_start3A_61 = arith.constant 0 : i32
        %dma_start3A_62 = tpu.memref_slice %arg3[%arg0, %arg1, %multiple_of3A, %dma_start3A_61] : memref<2x16x160x128xi32, #tpu.memory_space<hbm>> -> memref<1x1x40x128xi32, #tpu.memory_space<hbm>>
        %dma_start3A_63 = tpu.memref_squeeze %dma_start3A_62 : memref<1x1x40x128xi32, #tpu.memory_space<hbm>> -> memref<40x128xi32, #tpu.memory_space<hbm>>
        %dma_start3A_64 = arith.constant 0 : i32
        %dma_start3A_65 = tpu.memref_slice %arg3[%arg0, %arg1, %multiple_of3A, %dma_start3A_64] : memref<2x16x160x128xi32, #tpu.memory_space<hbm>> -> memref<1x1x40x128xi32, #tpu.memory_space<hbm>>
        %dma_start3A_66 = tpu.memref_squeeze %dma_start3A_65 : memref<1x1x40x128xi32, #tpu.memory_space<hbm>> -> memref<40x128xi32, #tpu.memory_space<hbm>>
        tpu.enqueue_dma source(%dma_start3A_66 : memref<40x128xi32, #tpu.memory_space<hbm>>) target(%arg6 : memref<40x128xi32, #tpu.memory_space<vmem>>) target_semaphore(%run_scoped3A : memref<!tpu.dma_semaphore, #tpu.memory_space<semaphore_mem>>)
        %dma_wait3A = arith.constant 0 : i32
        %dma_wait3A_67 = tpu.memref_slice %arg3[%arg0, %arg1, %multiple_of3A, %dma_wait3A] : memref<2x16x160x128xi32, #tpu.memory_space<hbm>> -> memref<1x1x40x128xi32, #tpu.memory_space<hbm>>
        %dma_wait3A_68 = tpu.memref_squeeze %dma_wait3A_67 : memref<1x1x40x128xi32, #tpu.memory_space<hbm>> -> memref<40x128xi32, #tpu.memory_space<hbm>>
        %dma_wait3A_69 = arith.constant 0 : i32
        %dma_wait3A_70 = tpu.memref_slice %arg3[%arg0, %arg1, %multiple_of3A, %dma_wait3A_69] : memref<2x16x160x128xi32, #tpu.memory_space<hbm>> -> memref<1x1x40x128xi32, #tpu.memory_space<hbm>>
        %dma_wait3A_71 = tpu.memref_squeeze %dma_wait3A_70 : memref<1x1x40x128xi32, #tpu.memory_space<hbm>> -> memref<40x128xi32, #tpu.memory_space<hbm>>
        tpu.wait_dma2 semaphore(%run_scoped3A : memref<!tpu.dma_semaphore, #tpu.memory_space<semaphore_mem>>) src(%dma_wait3A_71 : memref<40x128xi32, #tpu.memory_space<hbm>>) dst(%arg6 : memref<40x128xi32, #tpu.memory_space<vmem>>)
        tpu.yield
      }) : () -> ()
      "tpu.region"() ({
        %run_scoped3A = tpu.sem_alloc : memref<!tpu.dma_semaphore, #tpu.memory_space<semaphore_mem>>
        %dma_start3A_61 = arith.constant 0 : i32
        %dma_start3A_62 = tpu.memref_slice %arg4[%arg0, %arg1, %multiple_of3A, %dma_start3A_61] : memref<2x16x160x128xi32, #tpu.memory_space<hbm>> -> memref<1x1x40x128xi32, #tpu.memory_space<hbm>>
        %dma_start3A_63 = tpu.memref_squeeze %dma_start3A_62 : memref<1x1x40x128xi32, #tpu.memory_space<hbm>> -> memref<40x128xi32, #tpu.memory_space<hbm>>
        %dma_start3A_64 = arith.constant 0 : i32
        %dma_start3A_65 = tpu.memref_slice %arg4[%arg0, %arg1, %multiple_of3A, %dma_start3A_64] : memref<2x16x160x128xi32, #tpu.memory_space<hbm>> -> memref<1x1x40x128xi32, #tpu.memory_space<hbm>>
        %dma_start3A_66 = tpu.memref_squeeze %dma_start3A_65 : memref<1x1x40x128xi32, #tpu.memory_space<hbm>> -> memref<40x128xi32, #tpu.memory_space<hbm>>
        tpu.enqueue_dma source(%dma_start3A_66 : memref<40x128xi32, #tpu.memory_space<hbm>>) target(%arg7 : memref<40x128xi32, #tpu.memory_space<vmem>>) target_semaphore(%run_scoped3A : memref<!tpu.dma_semaphore, #tpu.memory_space<semaphore_mem>>)
        %dma_wait3A = arith.constant 0 : i32
        %dma_wait3A_67 = tpu.memref_slice %arg4[%arg0, %arg1, %multiple_of3A, %dma_wait3A] : memref<2x16x160x128xi32, #tpu.memory_space<hbm>> -> memref<1x1x40x128xi32, #tpu.memory_space<hbm>>
        %dma_wait3A_68 = tpu.memref_squeeze %dma_wait3A_67 : memref<1x1x40x128xi32, #tpu.memory_space<hbm>> -> memref<40x128xi32, #tpu.memory_space<hbm>>
        %dma_wait3A_69 = arith.constant 0 : i32
        %dma_wait3A_70 = tpu.memref_slice %arg4[%arg0, %arg1, %multiple_of3A, %dma_wait3A_69] : memref<2x16x160x128xi32, #tpu.memory_space<hbm>> -> memref<1x1x40x128xi32, #tpu.memory_space<hbm>>
        %dma_wait3A_71 = tpu.memref_squeeze %dma_wait3A_70 : memref<1x1x40x128xi32, #tpu.memory_space<hbm>> -> memref<40x128xi32, #tpu.memory_space<hbm>>
        tpu.wait_dma2 semaphore(%run_scoped3A : memref<!tpu.dma_semaphore, #tpu.memory_space<semaphore_mem>>) src(%dma_wait3A_71 : memref<40x128xi32, #tpu.memory_space<hbm>>) dst(%arg7 : memref<40x128xi32, #tpu.memory_space<vmem>>)
        tpu.yield
      }) : () -> ()
      %dma_start3A = arith.constant 0 : i32
      %dma_start3A_14 = arith.constant 0 : i32
      %dma_start3A_15 = arith.constant 0 : i32
      %dma_start3A_16 = tpu.memref_slice %arg8[%dma_start3A_14, %dma_start3A_15] : memref<128x128xf32, #tpu.memory_space<vmem>> -> memref<64x128xf32, #tpu.memory_space<vmem>>
      %dma_start3A_17 = arith.constant 0 : i32
      %dma_start3A_18 = tpu.memref_slice %arg6[%dma_start3A, %dma_start3A_17] : memref<40x128xi32, #tpu.memory_space<vmem>> -> memref<1x64xi32, #tpu.memory_space<vmem>>
      %dma_start3A_19 = tpu.memref_squeeze %dma_start3A_18 : memref<1x64xi32, #tpu.memory_space<vmem>> -> memref<64xi32, #tpu.memory_space<vmem>>
      %dma_start3A_20 = arith.constant 0 : i32
      %dma_start3A_21 = arith.constant 0 : i32
      %dma_start3A_22 = tpu.memref_slice %arg2[%dma_start3A_20, %dma_start3A_21] : memref<20224x128xf32, #tpu.memory_space<hbm>> -> memref<20224x128xf32, #tpu.memory_space<hbm>>
      tpu.enqueue_indirect_dma source(%dma_start3A_22 : memref<20224x128xf32, #tpu.memory_space<hbm>>) target(%dma_start3A_16 : memref<64x128xf32, #tpu.memory_space<vmem>>) offsets(%dma_start3A_19 : memref<64xi32, #tpu.memory_space<vmem>>) semaphore(%arg11 : memref<!tpu.dma_semaphore, #tpu.memory_space<semaphore_mem>>)
      %dma_start3A_23 = arith.constant 0 : i32
      %dma_start3A_24 = arith.constant 64 : i32
      %dma_start3A_25 = arith.constant 0 : i32
      %dma_start3A_26 = tpu.memref_slice %arg8[%dma_start3A_24, %dma_start3A_25] : memref<128x128xf32, #tpu.memory_space<vmem>> -> memref<64x128xf32, #tpu.memory_space<vmem>>
      %dma_start3A_27 = arith.constant 64 : i32
      %dma_start3A_28 = tpu.memref_slice %arg6[%dma_start3A_23, %dma_start3A_27] : memref<40x128xi32, #tpu.memory_space<vmem>> -> memref<1x64xi32, #tpu.memory_space<vmem>>
      %dma_start3A_29 = tpu.memref_squeeze %dma_start3A_28 : memref<1x64xi32, #tpu.memory_space<vmem>> -> memref<64xi32, #tpu.memory_space<vmem>>
      %dma_start3A_30 = arith.constant 0 : i32
      %dma_start3A_31 = arith.constant 0 : i32
      %dma_start3A_32 = tpu.memref_slice %arg2[%dma_start3A_30, %dma_start3A_31] : memref<20224x128xf32, #tpu.memory_space<hbm>> -> memref<20224x128xf32, #tpu.memory_space<hbm>>
      tpu.enqueue_indirect_dma source(%dma_start3A_32 : memref<20224x128xf32, #tpu.memory_space<hbm>>) target(%dma_start3A_26 : memref<64x128xf32, #tpu.memory_space<vmem>>) offsets(%dma_start3A_29 : memref<64xi32, #tpu.memory_space<vmem>>) semaphore(%arg11 : memref<!tpu.dma_semaphore, #tpu.memory_space<semaphore_mem>>)
      %dma_start3A_33 = arith.constant 1 : i32
      %dma_start3A_34 = arith.constant 0 : i32
      %dma_start3A_35 = arith.constant 0 : i32
      %dma_start3A_36 = tpu.memref_slice %arg9[%dma_start3A_34, %dma_start3A_35] : memref<128x128xf32, #tpu.memory_space<vmem>> -> memref<64x128xf32, #tpu.memory_space<vmem>>
      %dma_start3A_37 = arith.constant 0 : i32
      %dma_start3A_38 = tpu.memref_slice %arg6[%dma_start3A_33, %dma_start3A_37] : memref<40x128xi32, #tpu.memory_space<vmem>> -> memref<1x64xi32, #tpu.memory_space<vmem>>
      %dma_start3A_39 = tpu.memref_squeeze %dma_start3A_38 : memref<1x64xi32, #tpu.memory_space<vmem>> -> memref<64xi32, #tpu.memory_space<vmem>>
      %dma_start3A_40 = arith.constant 0 : i32
      %dma_start3A_41 = arith.constant 0 : i32
      %dma_start3A_42 = tpu.memref_slice %arg2[%dma_start3A_40, %dma_start3A_41] : memref<20224x128xf32, #tpu.memory_space<hbm>> -> memref<20224x128xf32, #tpu.memory_space<hbm>>
      tpu.enqueue_indirect_dma source(%dma_start3A_42 : memref<20224x128xf32, #tpu.memory_space<hbm>>) target(%dma_start3A_36 : memref<64x128xf32, #tpu.memory_space<vmem>>) offsets(%dma_start3A_39 : memref<64xi32, #tpu.memory_space<vmem>>) semaphore(%arg12 : memref<!tpu.dma_semaphore, #tpu.memory_space<semaphore_mem>>)
      %dma_start3A_43 = arith.constant 1 : i32
      %dma_start3A_44 = arith.constant 64 : i32
      %dma_start3A_45 = arith.constant 0 : i32
      %dma_start3A_46 = tpu.memref_slice %arg9[%dma_start3A_44, %dma_start3A_45] : memref<128x128xf32, #tpu.memory_space<vmem>> -> memref<64x128xf32, #tpu.memory_space<vmem>>
      %dma_start3A_47 = arith.constant 64 : i32
      %dma_start3A_48 = tpu.memref_slice %arg6[%dma_start3A_43, %dma_start3A_47] : memref<40x128xi32, #tpu.memory_space<vmem>> -> memref<1x64xi32, #tpu.memory_space<vmem>>
      %dma_start3A_49 = tpu.memref_squeeze %dma_start3A_48 : memref<1x64xi32, #tpu.memory_space<vmem>> -> memref<64xi32, #tpu.memory_space<vmem>>
      %dma_start3A_50 = arith.constant 0 : i32
      %dma_start3A_51 = arith.constant 0 : i32
      %dma_start3A_52 = tpu.memref_slice %arg2[%dma_start3A_50, %dma_start3A_51] : memref<20224x128xf32, #tpu.memory_space<hbm>> -> memref<20224x128xf32, #tpu.memory_space<hbm>>
      tpu.enqueue_indirect_dma source(%dma_start3A_52 : memref<20224x128xf32, #tpu.memory_space<hbm>>) target(%dma_start3A_46 : memref<64x128xf32, #tpu.memory_space<vmem>>) offsets(%dma_start3A_49 : memref<64xi32, #tpu.memory_space<vmem>>) semaphore(%arg12 : memref<!tpu.dma_semaphore, #tpu.memory_space<semaphore_mem>>)
      %scan3A_53 = arith.constant 0 : i32
      %scan3A_54 = arith.constant 0 : i32
      %scan3A_55 = arith.constant 20 : i32
      %scan3A_56 = arith.addi %scan3A_54, %scan3A_55 : i32
      %scan3A_57 = arith.constant 1 : i32
      %scan3A_58 = scf.for %scan3A_61 = %scan3A_54 to %scan3A_56 step %scan3A_57 iter_args(%scan3A_62 = %scan3A_53) -> (i32)  : i32 {
        %mul3A_63 = arith.constant 2 : i32
        %mul3A_64 = arith.muli %mul3A_63, %scan3A_61 : i32
        %dma_wait3A = arith.constant 0 : i32
        %dma_wait3A_65 = arith.constant 0 : i32
        %dma_wait3A_66 = tpu.memref_slice %arg8[%dma_wait3A, %dma_wait3A_65] : memref<128x128xf32, #tpu.memory_space<vmem>> -> memref<64x128xf32, #tpu.memory_space<vmem>>
        %dma_wait3A_67 = arith.constant 0 : i32
        %dma_wait3A_68 = tpu.memref_slice %arg6[%mul3A_64, %dma_wait3A_67] : memref<40x128xi32, #tpu.memory_space<vmem>> -> memref<1x64xi32, #tpu.memory_space<vmem>>
        %dma_wait3A_69 = tpu.memref_squeeze %dma_wait3A_68 : memref<1x64xi32, #tpu.memory_space<vmem>> -> memref<64xi32, #tpu.memory_space<vmem>>
        %dma_wait3A_70 = arith.constant 0 : i32
        %dma_wait3A_71 = arith.constant 0 : i32
        %dma_wait3A_72 = tpu.memref_slice %arg2[%dma_wait3A_70, %dma_wait3A_71] : memref<20224x128xf32, #tpu.memory_space<hbm>> -> memref<20224x128xf32, #tpu.memory_space<hbm>>
        tpu.wait_indirect_dma semaphore(%arg11 : memref<!tpu.dma_semaphore, #tpu.memory_space<semaphore_mem>>) src(%dma_wait3A_72 : memref<20224x128xf32, #tpu.memory_space<hbm>>) dst(%dma_wait3A_66 : memref<64x128xf32, #tpu.memory_space<vmem>>)
        %dma_wait3A_73 = arith.constant 64 : i32
        %dma_wait3A_74 = arith.constant 0 : i32
        %dma_wait3A_75 = tpu.memref_slice %arg8[%dma_wait3A_73, %dma_wait3A_74] : memref<128x128xf32, #tpu.memory_space<vmem>> -> memref<64x128xf32, #tpu.memory_space<vmem>>
        %dma_wait3A_76 = arith.constant 64 : i32
        %dma_wait3A_77 = tpu.memref_slice %arg6[%mul3A_64, %dma_wait3A_76] : memref<40x128xi32, #tpu.memory_space<vmem>> -> memref<1x64xi32, #tpu.memory_space<vmem>>
        %dma_wait3A_78 = tpu.memref_squeeze %dma_wait3A_77 : memref<1x64xi32, #tpu.memory_space<vmem>> -> memref<64xi32, #tpu.memory_space<vmem>>
        %dma_wait3A_79 = arith.constant 0 : i32
        %dma_wait3A_80 = arith.constant 0 : i32
        %dma_wait3A_81 = tpu.memref_slice %arg2[%dma_wait3A_79, %dma_wait3A_80] : memref<20224x128xf32, #tpu.memory_space<hbm>> -> memref<20224x128xf32, #tpu.memory_space<hbm>>
        tpu.wait_indirect_dma semaphore(%arg11 : memref<!tpu.dma_semaphore, #tpu.memory_space<semaphore_mem>>) src(%dma_wait3A_81 : memref<20224x128xf32, #tpu.memory_space<hbm>>) dst(%dma_wait3A_75 : memref<64x128xf32, #tpu.memory_space<vmem>>)
        %add3A_82 = arith.constant 2 : i32
        %add3A_83 = arith.addi %mul3A_64, %add3A_82 : i32
        %lt3A = arith.constant 40 : i32
        %lt3A_84 = arith.cmpi slt, %add3A_83, %lt3A : i32
        %convert_element_type3A = arith.extui %lt3A_84 : i1 to i32
        %cond3A = arith.constant 0 : i32
        %cond3A_85 = arith.cmpi ne, %convert_element_type3A, %cond3A : i32
        scf.if %cond3A_85 {
          %add3A_116 = arith.constant 2 : i32
          %add3A_117 = arith.addi %mul3A_64, %add3A_116 : i32
          %dma_start3A_118 = arith.constant 0 : i32
          %dma_start3A_119 = arith.constant 0 : i32
          %dma_start3A_120 = tpu.memref_slice %arg8[%dma_start3A_118, %dma_start3A_119] : memref<128x128xf32, #tpu.memory_space<vmem>> -> memref<64x128xf32, #tpu.memory_space<vmem>>
          %dma_start3A_121 = arith.constant 0 : i32
          %dma_start3A_122 = tpu.memref_slice %arg6[%add3A_117, %dma_start3A_121] : memref<40x128xi32, #tpu.memory_space<vmem>> -> memref<1x64xi32, #tpu.memory_space<vmem>>
          %dma_start3A_123 = tpu.memref_squeeze %dma_start3A_122 : memref<1x64xi32, #tpu.memory_space<vmem>> -> memref<64xi32, #tpu.memory_space<vmem>>
          %dma_start3A_124 = arith.constant 0 : i32
          %dma_start3A_125 = arith.constant 0 : i32
          %dma_start3A_126 = tpu.memref_slice %arg2[%dma_start3A_124, %dma_start3A_125] : memref<20224x128xf32, #tpu.memory_space<hbm>> -> memref<20224x128xf32, #tpu.memory_space<hbm>>
          tpu.enqueue_indirect_dma source(%dma_start3A_126 : memref<20224x128xf32, #tpu.memory_space<hbm>>) target(%dma_start3A_120 : memref<64x128xf32, #tpu.memory_space<vmem>>) offsets(%dma_start3A_123 : memref<64xi32, #tpu.memory_space<vmem>>) semaphore(%arg11 : memref<!tpu.dma_semaphore, #tpu.memory_space<semaphore_mem>>)
          %dma_start3A_127 = arith.constant 64 : i32
          %dma_start3A_128 = arith.constant 0 : i32
          %dma_start3A_129 = tpu.memref_slice %arg8[%dma_start3A_127, %dma_start3A_128] : memref<128x128xf32, #tpu.memory_space<vmem>> -> memref<64x128xf32, #tpu.memory_space<vmem>>
          %dma_start3A_130 = arith.constant 64 : i32
          %dma_start3A_131 = tpu.memref_slice %arg6[%add3A_117, %dma_start3A_130] : memref<40x128xi32, #tpu.memory_space<vmem>> -> memref<1x64xi32, #tpu.memory_space<vmem>>
          %dma_start3A_132 = tpu.memref_squeeze %dma_start3A_131 : memref<1x64xi32, #tpu.memory_space<vmem>> -> memref<64xi32, #tpu.memory_space<vmem>>
          %dma_start3A_133 = arith.constant 0 : i32
          %dma_start3A_134 = arith.constant 0 : i32
          %dma_start3A_135 = tpu.memref_slice %arg2[%dma_start3A_133, %dma_start3A_134] : memref<20224x128xf32, #tpu.memory_space<hbm>> -> memref<20224x128xf32, #tpu.memory_space<hbm>>
          tpu.enqueue_indirect_dma source(%dma_start3A_135 : memref<20224x128xf32, #tpu.memory_space<hbm>>) target(%dma_start3A_129 : memref<64x128xf32, #tpu.memory_space<vmem>>) offsets(%dma_start3A_132 : memref<64xi32, #tpu.memory_space<vmem>>) semaphore(%arg11 : memref<!tpu.dma_semaphore, #tpu.memory_space<semaphore_mem>>)
        } else {
        }
        "tpu.region"() ({
          %run_scoped3A = tpu.sem_alloc : memref<!tpu.dma_semaphore, #tpu.memory_space<semaphore_mem>>
          %dma_start3A_116 = arith.constant 0 : i32
          %dma_start3A_117 = tpu.memref_slice %arg7[%mul3A_64, %dma_start3A_116] : memref<40x128xi32, #tpu.memory_space<vmem>> -> memref<1x128xi32, #tpu.memory_space<vmem>>
          %dma_start3A_118 = tpu.memref_squeeze %dma_start3A_117 : memref<1x128xi32, #tpu.memory_space<vmem>> -> memref<128xi32, #tpu.memory_space<vmem>>
          %dma_start3A_119 = arith.constant 0 : i32
          %dma_start3A_120 = arith.constant 0 : i32
          %dma_start3A_121 = tpu.memref_slice %arg10[%dma_start3A_119, %dma_start3A_120] : memref<10112x128xf32, #tpu.memory_space<vmem_shared>> -> memref<10112x128xf32, #tpu.memory_space<vmem_shared>>
          tpu.enqueue_indirect_dma source(%arg8 : memref<128x128xf32, #tpu.memory_space<vmem>>) target(%dma_start3A_121 : memref<10112x128xf32, #tpu.memory_space<vmem_shared>>) offsets(%dma_start3A_118 : memref<128xi32, #tpu.memory_space<vmem>>) semaphore(%run_scoped3A : memref<!tpu.dma_semaphore, #tpu.memory_space<semaphore_mem>>) {add = true}
          %dma_wait3A_122 = arith.constant 0 : i32
          %dma_wait3A_123 = tpu.memref_slice %arg7[%mul3A_64, %dma_wait3A_122] : memref<40x128xi32, #tpu.memory_space<vmem>> -> memref<1x128xi32, #tpu.memory_space<vmem>>
          %dma_wait3A_124 = tpu.memref_squeeze %dma_wait3A_123 : memref<1x128xi32, #tpu.memory_space<vmem>> -> memref<128xi32, #tpu.memory_space<vmem>>
          %dma_wait3A_125 = arith.constant 0 : i32
          %dma_wait3A_126 = arith.constant 0 : i32
          %dma_wait3A_127 = tpu.memref_slice %arg10[%dma_wait3A_125, %dma_wait3A_126] : memref<10112x128xf32, #tpu.memory_space<vmem_shared>> -> memref<10112x128xf32, #tpu.memory_space<vmem_shared>>
          tpu.wait_indirect_dma semaphore(%run_scoped3A : memref<!tpu.dma_semaphore, #tpu.memory_space<semaphore_mem>>) src(%arg8 : memref<128x128xf32, #tpu.memory_space<vmem>>) dst(%dma_wait3A_127 : memref<10112x128xf32, #tpu.memory_space<vmem_shared>>)
          tpu.yield
        }) : () -> ()
        %add3A_86 = arith.constant 1 : i32
        %add3A_87 = arith.addi %mul3A_64, %add3A_86 : i32
        %dma_wait3A_88 = arith.constant 0 : i32
        %dma_wait3A_89 = arith.constant 0 : i32
        %dma_wait3A_90 = tpu.memref_slice %arg9[%dma_wait3A_88, %dma_wait3A_89] : memref<128x128xf32, #tpu.memory_space<vmem>> -> memref<64x128xf32, #tpu.memory_space<vmem>>
        %dma_wait3A_91 = arith.constant 0 : i32
        %dma_wait3A_92 = tpu.memref_slice %arg6[%add3A_87, %dma_wait3A_91] : memref<40x128xi32, #tpu.memory_space<vmem>> -> memref<1x64xi32, #tpu.memory_space<vmem>>
        %dma_wait3A_93 = tpu.memref_squeeze %dma_wait3A_92 : memref<1x64xi32, #tpu.memory_space<vmem>> -> memref<64xi32, #tpu.memory_space<vmem>>
        %dma_wait3A_94 = arith.constant 0 : i32
        %dma_wait3A_95 = arith.constant 0 : i32
        %dma_wait3A_96 = tpu.memref_slice %arg2[%dma_wait3A_94, %dma_wait3A_95] : memref<20224x128xf32, #tpu.memory_space<hbm>> -> memref<20224x128xf32, #tpu.memory_space<hbm>>
        tpu.wait_indirect_dma semaphore(%arg12 : memref<!tpu.dma_semaphore, #tpu.memory_space<semaphore_mem>>) src(%dma_wait3A_96 : memref<20224x128xf32, #tpu.memory_space<hbm>>) dst(%dma_wait3A_90 : memref<64x128xf32, #tpu.memory_space<vmem>>)
        %dma_wait3A_97 = arith.constant 64 : i32
        %dma_wait3A_98 = arith.constant 0 : i32
        %dma_wait3A_99 = tpu.memref_slice %arg9[%dma_wait3A_97, %dma_wait3A_98] : memref<128x128xf32, #tpu.memory_space<vmem>> -> memref<64x128xf32, #tpu.memory_space<vmem>>
        %dma_wait3A_100 = arith.constant 64 : i32
        %dma_wait3A_101 = tpu.memref_slice %arg6[%add3A_87, %dma_wait3A_100] : memref<40x128xi32, #tpu.memory_space<vmem>> -> memref<1x64xi32, #tpu.memory_space<vmem>>
        %dma_wait3A_102 = tpu.memref_squeeze %dma_wait3A_101 : memref<1x64xi32, #tpu.memory_space<vmem>> -> memref<64xi32, #tpu.memory_space<vmem>>
        %dma_wait3A_103 = arith.constant 0 : i32
        %dma_wait3A_104 = arith.constant 0 : i32
        %dma_wait3A_105 = tpu.memref_slice %arg2[%dma_wait3A_103, %dma_wait3A_104] : memref<20224x128xf32, #tpu.memory_space<hbm>> -> memref<20224x128xf32, #tpu.memory_space<hbm>>
        tpu.wait_indirect_dma semaphore(%arg12 : memref<!tpu.dma_semaphore, #tpu.memory_space<semaphore_mem>>) src(%dma_wait3A_105 : memref<20224x128xf32, #tpu.memory_space<hbm>>) dst(%dma_wait3A_99 : memref<64x128xf32, #tpu.memory_space<vmem>>)
        %add3A_106 = arith.constant 3 : i32
        %add3A_107 = arith.addi %mul3A_64, %add3A_106 : i32
        %lt3A_108 = arith.constant 40 : i32
        %lt3A_109 = arith.cmpi slt, %add3A_107, %lt3A_108 : i32
        %convert_element_type3A_110 = arith.extui %lt3A_109 : i1 to i32
        %cond3A_111 = arith.constant 0 : i32
        %cond3A_112 = arith.cmpi ne, %convert_element_type3A_110, %cond3A_111 : i32
        scf.if %cond3A_112 {
          %add3A_116 = arith.constant 3 : i32
          %add3A_117 = arith.addi %mul3A_64, %add3A_116 : i32
          %dma_start3A_118 = arith.constant 0 : i32
          %dma_start3A_119 = arith.constant 0 : i32
          %dma_start3A_120 = tpu.memref_slice %arg9[%dma_start3A_118, %dma_start3A_119] : memref<128x128xf32, #tpu.memory_space<vmem>> -> memref<64x128xf32, #tpu.memory_space<vmem>>
          %dma_start3A_121 = arith.constant 0 : i32
          %dma_start3A_122 = tpu.memref_slice %arg6[%add3A_117, %dma_start3A_121] : memref<40x128xi32, #tpu.memory_space<vmem>> -> memref<1x64xi32, #tpu.memory_space<vmem>>
          %dma_start3A_123 = tpu.memref_squeeze %dma_start3A_122 : memref<1x64xi32, #tpu.memory_space<vmem>> -> memref<64xi32, #tpu.memory_space<vmem>>
          %dma_start3A_124 = arith.constant 0 : i32
          %dma_start3A_125 = arith.constant 0 : i32
          %dma_start3A_126 = tpu.memref_slice %arg2[%dma_start3A_124, %dma_start3A_125] : memref<20224x128xf32, #tpu.memory_space<hbm>> -> memref<20224x128xf32, #tpu.memory_space<hbm>>
          tpu.enqueue_indirect_dma source(%dma_start3A_126 : memref<20224x128xf32, #tpu.memory_space<hbm>>) target(%dma_start3A_120 : memref<64x128xf32, #tpu.memory_space<vmem>>) offsets(%dma_start3A_123 : memref<64xi32, #tpu.memory_space<vmem>>) semaphore(%arg12 : memref<!tpu.dma_semaphore, #tpu.memory_space<semaphore_mem>>)
          %dma_start3A_127 = arith.constant 64 : i32
          %dma_start3A_128 = arith.constant 0 : i32
          %dma_start3A_129 = tpu.memref_slice %arg9[%dma_start3A_127, %dma_start3A_128] : memref<128x128xf32, #tpu.memory_space<vmem>> -> memref<64x128xf32, #tpu.memory_space<vmem>>
          %dma_start3A_130 = arith.constant 64 : i32
          %dma_start3A_131 = tpu.memref_slice %arg6[%add3A_117, %dma_start3A_130] : memref<40x128xi32, #tpu.memory_space<vmem>> -> memref<1x64xi32, #tpu.memory_space<vmem>>
          %dma_start3A_132 = tpu.memref_squeeze %dma_start3A_131 : memref<1x64xi32, #tpu.memory_space<vmem>> -> memref<64xi32, #tpu.memory_space<vmem>>
          %dma_start3A_133 = arith.constant 0 : i32
          %dma_start3A_134 = arith.constant 0 : i32
          %dma_start3A_135 = tpu.memref_slice %arg2[%dma_start3A_133, %dma_start3A_134] : memref<20224x128xf32, #tpu.memory_space<hbm>> -> memref<20224x128xf32, #tpu.memory_space<hbm>>
          tpu.enqueue_indirect_dma source(%dma_start3A_135 : memref<20224x128xf32, #tpu.memory_space<hbm>>) target(%dma_start3A_129 : memref<64x128xf32, #tpu.memory_space<vmem>>) offsets(%dma_start3A_132 : memref<64xi32, #tpu.memory_space<vmem>>) semaphore(%arg12 : memref<!tpu.dma_semaphore, #tpu.memory_space<semaphore_mem>>)
        } else {
        }
        %add3A_113 = arith.constant 1 : i32
        %add3A_114 = arith.addi %mul3A_64, %add3A_113 : i32
        "tpu.region"() ({
          %run_scoped3A = tpu.sem_alloc : memref<!tpu.dma_semaphore, #tpu.memory_space<semaphore_mem>>
          %dma_start3A_116 = arith.constant 0 : i32
          %dma_start3A_117 = tpu.memref_slice %arg7[%add3A_114, %dma_start3A_116] : memref<40x128xi32, #tpu.memory_space<vmem>> -> memref<1x128xi32, #tpu.memory_space<vmem>>
          %dma_start3A_118 = tpu.memref_squeeze %dma_start3A_117 : memref<1x128xi32, #tpu.memory_space<vmem>> -> memref<128xi32, #tpu.memory_space<vmem>>
          %dma_start3A_119 = arith.constant 0 : i32
          %dma_start3A_120 = arith.constant 0 : i32
          %dma_start3A_121 = tpu.memref_slice %arg10[%dma_start3A_119, %dma_start3A_120] : memref<10112x128xf32, #tpu.memory_space<vmem_shared>> -> memref<10112x128xf32, #tpu.memory_space<vmem_shared>>
          tpu.enqueue_indirect_dma source(%arg9 : memref<128x128xf32, #tpu.memory_space<vmem>>) target(%dma_start3A_121 : memref<10112x128xf32, #tpu.memory_space<vmem_shared>>) offsets(%dma_start3A_118 : memref<128xi32, #tpu.memory_space<vmem>>) semaphore(%run_scoped3A : memref<!tpu.dma_semaphore, #tpu.memory_space<semaphore_mem>>) {add = true}
          %dma_wait3A_122 = arith.constant 0 : i32
          %dma_wait3A_123 = tpu.memref_slice %arg7[%add3A_114, %dma_wait3A_122] : memref<40x128xi32, #tpu.memory_space<vmem>> -> memref<1x128xi32, #tpu.memory_space<vmem>>
          %dma_wait3A_124 = tpu.memref_squeeze %dma_wait3A_123 : memref<1x128xi32, #tpu.memory_space<vmem>> -> memref<128xi32, #tpu.memory_space<vmem>>
          %dma_wait3A_125 = arith.constant 0 : i32
          %dma_wait3A_126 = arith.constant 0 : i32
          %dma_wait3A_127 = tpu.memref_slice %arg10[%dma_wait3A_125, %dma_wait3A_126] : memref<10112x128xf32, #tpu.memory_space<vmem_shared>> -> memref<10112x128xf32, #tpu.memory_space<vmem_shared>>
          tpu.wait_indirect_dma semaphore(%run_scoped3A : memref<!tpu.dma_semaphore, #tpu.memory_space<semaphore_mem>>) src(%arg9 : memref<128x128xf32, #tpu.memory_space<vmem>>) dst(%dma_wait3A_127 : memref<10112x128xf32, #tpu.memory_space<vmem_shared>>)
          tpu.yield
        }) : () -> ()
        %scan3A_115 = arith.constant 0 : i32
        scf.yield %scan3A_115 : i32
      }
      %scan3A_59 = arith.constant 20 : i32
      %scan3A_60 = arith.constant 0 : i32
      scf.yield %scan3A_60 : i32
    }
    %scan3A_8 = arith.constant 4 : i32
    %barrier3A_9 = arith.constant 0 : index
    tpu.barrier barrier_id(%barrier3A_9)
    "tpu.region"() ({
      %run_scoped3A = tpu.sem_alloc : memref<!tpu.dma_semaphore, #tpu.memory_space<semaphore_mem>>
      %dma_start3A = arith.constant 0 : i32
      %dma_start3A_10 = tpu.memref_slice %arg5[%arg0, %mul3A_0, %dma_start3A] : memref<2x10112x128xf32, #tpu.memory_space<hbm>> -> memref<1x632x128xf32, #tpu.memory_space<hbm>>
      %dma_start3A_11 = tpu.memref_squeeze %dma_start3A_10 : memref<1x632x128xf32, #tpu.memory_space<hbm>> -> memref<632x128xf32, #tpu.memory_space<hbm>>
      %dma_start3A_12 = arith.constant 0 : i32
      %dma_start3A_13 = tpu.memref_slice %arg10[%mul3A_0, %dma_start3A_12] : memref<10112x128xf32, #tpu.memory_space<vmem_shared>> -> memref<632x128xf32, #tpu.memory_space<vmem_shared>>
      tpu.enqueue_dma source(%dma_start3A_13 : memref<632x128xf32, #tpu.memory_space<vmem_shared>>) target(%dma_start3A_11 : memref<632x128xf32, #tpu.memory_space<hbm>>) target_semaphore(%run_scoped3A : memref<!tpu.dma_semaphore, #tpu.memory_space<semaphore_mem>>)
      %dma_wait3A = arith.constant 0 : i32
      %dma_wait3A_14 = tpu.memref_slice %arg5[%arg0, %mul3A_0, %dma_wait3A] : memref<2x10112x128xf32, #tpu.memory_space<hbm>> -> memref<1x632x128xf32, #tpu.memory_space<hbm>>
      %dma_wait3A_15 = tpu.memref_squeeze %dma_wait3A_14 : memref<1x632x128xf32, #tpu.memory_space<hbm>> -> memref<632x128xf32, #tpu.memory_space<hbm>>
      %dma_wait3A_16 = arith.constant 0 : i32
      %dma_wait3A_17 = tpu.memref_slice %arg10[%mul3A_0, %dma_wait3A_16] : memref<10112x128xf32, #tpu.memory_space<vmem_shared>> -> memref<632x128xf32, #tpu.memory_space<vmem_shared>>
      tpu.wait_dma2 semaphore(%run_scoped3A : memref<!tpu.dma_semaphore, #tpu.memory_space<semaphore_mem>>) src(%dma_wait3A_17 : memref<632x128xf32, #tpu.memory_space<vmem_shared>>) dst(%dma_wait3A_15 : memref<632x128xf32, #tpu.memory_space<hbm>>)
      tpu.yield
    }) : () -> ()
    return
  }
}

#map = affine_map<(d0, d1) -> (0, 0)>
#map1 = affine_map<(d0, d1) -> (0, 0, 0, 0)>
#map2 = affine_map<(d0, d1) -> (0, 0, 0)>
module attributes {stable_mosaic.version = 14 : i64} {
  func.func @body(%arg0: i32, %arg1: i32, %arg2: memref<10112x128xf32, #tpu.memory_space<hbm>>, %arg3: memref<2x16x80x128xi32, #tpu.memory_space<hbm>>, %arg4: memref<2x16x80x128xi32, #tpu.memory_space<hbm>>, %arg5: memref<2x10112x128xf32, #tpu.memory_space<hbm>>, %arg6: memref<40x128xi32, #tpu.memory_space<vmem>>, %arg7: memref<40x128xi32, #tpu.memory_space<vmem>>, %arg8: memref<128x128xf32, #tpu.memory_space<vmem>>, %arg9: memref<128x128xf32, #tpu.memory_space<vmem>>, %arg10: memref<10112x128xf32, #tpu.memory_space<vmem_shared>>, %arg11: memref<!tpu.dma_semaphore, #tpu.memory_space<semaphore_mem>>, %arg12: memref<!tpu.dma_semaphore, #tpu.memory_space<semaphore_mem>>) attributes {dimension_semantics = [#tpu.dimension_semantics<core_parallel>, #tpu.dimension_semantics<subcore_parallel>], iteration_bounds = array<i64: 2, 16>, scalar_prefetch = 0 : i64, scratch_operands = 7 : i64, tpu.core_type = #tpu.core_type<sc_vector_subcore>, window_params = [{transform_indices = #map}, {transform_indices = #map1}, {transform_indices = #map1}, {transform_indices = #map2}]} {
    %mul3A = arith.constant 632 : i32
    %mul3A_0 = arith.muli %arg1, %mul3A : i32
    %mul3A_1 = arith.constant 0 : i32
    %mul3A_2 = arith.muli %arg0, %mul3A_1 : i32
    %add3A = arith.addi %mul3A_2, %mul3A_0 : i32
    "tpu.region"() ({
      %run_scoped3A = tpu.sem_alloc : memref<!tpu.dma_semaphore, #tpu.memory_space<semaphore_mem>>
      %dma_start3A = arith.constant 0 : i32
      %dma_start3A_10 = tpu.memref_slice %arg10[%mul3A_0, %dma_start3A] : memref<10112x128xf32, #tpu.memory_space<vmem_shared>> -> memref<632x128xf32, #tpu.memory_space<vmem_shared>>
      %dma_start3A_11 = arith.constant 0 : i32
      %dma_start3A_12 = tpu.memref_slice %arg2[%add3A, %dma_start3A_11] : memref<10112x128xf32, #tpu.memory_space<hbm>> -> memref<632x128xf32, #tpu.memory_space<hbm>>
      tpu.enqueue_dma source(%dma_start3A_12 : memref<632x128xf32, #tpu.memory_space<hbm>>) target(%dma_start3A_10 : memref<632x128xf32, #tpu.memory_space<vmem_shared>>) target_semaphore(%run_scoped3A : memref<!tpu.dma_semaphore, #tpu.memory_space<semaphore_mem>>)
      %dma_wait3A = arith.constant 0 : i32
      %dma_wait3A_13 = tpu.memref_slice %arg10[%mul3A_0, %dma_wait3A] : memref<10112x128xf32, #tpu.memory_space<vmem_shared>> -> memref<632x128xf32, #tpu.memory_space<vmem_shared>>
      %dma_wait3A_14 = arith.constant 0 : i32
      %dma_wait3A_15 = tpu.memref_slice %arg2[%add3A, %dma_wait3A_14] : memref<10112x128xf32, #tpu.memory_space<hbm>> -> memref<632x128xf32, #tpu.memory_space<hbm>>
      tpu.wait_dma2 semaphore(%run_scoped3A : memref<!tpu.dma_semaphore, #tpu.memory_space<semaphore_mem>>) src(%dma_wait3A_15 : memref<632x128xf32, #tpu.memory_space<hbm>>) dst(%dma_wait3A_13 : memref<632x128xf32, #tpu.memory_space<vmem_shared>>)
      tpu.yield
    }) : () -> ()
    %barrier3A = arith.constant 0 : index
    tpu.barrier barrier_id(%barrier3A)
    %scan3A = arith.constant 0 : i32
    %scan3A_3 = arith.constant 0 : i32
    %scan3A_4 = arith.constant 2 : i32
    %scan3A_5 = arith.addi %scan3A_3, %scan3A_4 : i32
    %scan3A_6 = arith.constant 1 : i32
    %scan3A_7 = scf.for %scan3A_10 = %scan3A_3 to %scan3A_5 step %scan3A_6 iter_args(%scan3A_11 = %scan3A) -> (i32)  : i32 {
      %mul3A_12 = arith.constant 40 : i32
      %mul3A_13 = arith.muli %scan3A_10, %mul3A_12 : i32
      %multiple_of3A = tpu.assume_multiple %mul3A_13, 40 : i32
      "tpu.region"() ({
        %run_scoped3A = tpu.sem_alloc : memref<!tpu.dma_semaphore, #tpu.memory_space<semaphore_mem>>
        %dma_start3A_61 = arith.constant 0 : i32
        %dma_start3A_62 = tpu.memref_slice %arg3[%arg0, %arg1, %multiple_of3A, %dma_start3A_61] : memref<2x16x80x128xi32, #tpu.memory_space<hbm>> -> memref<1x1x40x128xi32, #tpu.memory_space<hbm>>
        %dma_start3A_63 = tpu.memref_squeeze %dma_start3A_62 : memref<1x1x40x128xi32, #tpu.memory_space<hbm>> -> memref<40x128xi32, #tpu.memory_space<hbm>>
        %dma_start3A_64 = arith.constant 0 : i32
        %dma_start3A_65 = tpu.memref_slice %arg3[%arg0, %arg1, %multiple_of3A, %dma_start3A_64] : memref<2x16x80x128xi32, #tpu.memory_space<hbm>> -> memref<1x1x40x128xi32, #tpu.memory_space<hbm>>
        %dma_start3A_66 = tpu.memref_squeeze %dma_start3A_65 : memref<1x1x40x128xi32, #tpu.memory_space<hbm>> -> memref<40x128xi32, #tpu.memory_space<hbm>>
        tpu.enqueue_dma source(%dma_start3A_66 : memref<40x128xi32, #tpu.memory_space<hbm>>) target(%arg6 : memref<40x128xi32, #tpu.memory_space<vmem>>) target_semaphore(%run_scoped3A : memref<!tpu.dma_semaphore, #tpu.memory_space<semaphore_mem>>)
        %dma_wait3A = arith.constant 0 : i32
        %dma_wait3A_67 = tpu.memref_slice %arg3[%arg0, %arg1, %multiple_of3A, %dma_wait3A] : memref<2x16x80x128xi32, #tpu.memory_space<hbm>> -> memref<1x1x40x128xi32, #tpu.memory_space<hbm>>
        %dma_wait3A_68 = tpu.memref_squeeze %dma_wait3A_67 : memref<1x1x40x128xi32, #tpu.memory_space<hbm>> -> memref<40x128xi32, #tpu.memory_space<hbm>>
        %dma_wait3A_69 = arith.constant 0 : i32
        %dma_wait3A_70 = tpu.memref_slice %arg3[%arg0, %arg1, %multiple_of3A, %dma_wait3A_69] : memref<2x16x80x128xi32, #tpu.memory_space<hbm>> -> memref<1x1x40x128xi32, #tpu.memory_space<hbm>>
        %dma_wait3A_71 = tpu.memref_squeeze %dma_wait3A_70 : memref<1x1x40x128xi32, #tpu.memory_space<hbm>> -> memref<40x128xi32, #tpu.memory_space<hbm>>
        tpu.wait_dma2 semaphore(%run_scoped3A : memref<!tpu.dma_semaphore, #tpu.memory_space<semaphore_mem>>) src(%dma_wait3A_71 : memref<40x128xi32, #tpu.memory_space<hbm>>) dst(%arg6 : memref<40x128xi32, #tpu.memory_space<vmem>>)
        tpu.yield
      }) : () -> ()
      "tpu.region"() ({
        %run_scoped3A = tpu.sem_alloc : memref<!tpu.dma_semaphore, #tpu.memory_space<semaphore_mem>>
        %dma_start3A_61 = arith.constant 0 : i32
        %dma_start3A_62 = tpu.memref_slice %arg4[%arg0, %arg1, %multiple_of3A, %dma_start3A_61] : memref<2x16x80x128xi32, #tpu.memory_space<hbm>> -> memref<1x1x40x128xi32, #tpu.memory_space<hbm>>
        %dma_start3A_63 = tpu.memref_squeeze %dma_start3A_62 : memref<1x1x40x128xi32, #tpu.memory_space<hbm>> -> memref<40x128xi32, #tpu.memory_space<hbm>>
        %dma_start3A_64 = arith.constant 0 : i32
        %dma_start3A_65 = tpu.memref_slice %arg4[%arg0, %arg1, %multiple_of3A, %dma_start3A_64] : memref<2x16x80x128xi32, #tpu.memory_space<hbm>> -> memref<1x1x40x128xi32, #tpu.memory_space<hbm>>
        %dma_start3A_66 = tpu.memref_squeeze %dma_start3A_65 : memref<1x1x40x128xi32, #tpu.memory_space<hbm>> -> memref<40x128xi32, #tpu.memory_space<hbm>>
        tpu.enqueue_dma source(%dma_start3A_66 : memref<40x128xi32, #tpu.memory_space<hbm>>) target(%arg7 : memref<40x128xi32, #tpu.memory_space<vmem>>) target_semaphore(%run_scoped3A : memref<!tpu.dma_semaphore, #tpu.memory_space<semaphore_mem>>)
        %dma_wait3A = arith.constant 0 : i32
        %dma_wait3A_67 = tpu.memref_slice %arg4[%arg0, %arg1, %multiple_of3A, %dma_wait3A] : memref<2x16x80x128xi32, #tpu.memory_space<hbm>> -> memref<1x1x40x128xi32, #tpu.memory_space<hbm>>
        %dma_wait3A_68 = tpu.memref_squeeze %dma_wait3A_67 : memref<1x1x40x128xi32, #tpu.memory_space<hbm>> -> memref<40x128xi32, #tpu.memory_space<hbm>>
        %dma_wait3A_69 = arith.constant 0 : i32
        %dma_wait3A_70 = tpu.memref_slice %arg4[%arg0, %arg1, %multiple_of3A, %dma_wait3A_69] : memref<2x16x80x128xi32, #tpu.memory_space<hbm>> -> memref<1x1x40x128xi32, #tpu.memory_space<hbm>>
        %dma_wait3A_71 = tpu.memref_squeeze %dma_wait3A_70 : memref<1x1x40x128xi32, #tpu.memory_space<hbm>> -> memref<40x128xi32, #tpu.memory_space<hbm>>
        tpu.wait_dma2 semaphore(%run_scoped3A : memref<!tpu.dma_semaphore, #tpu.memory_space<semaphore_mem>>) src(%dma_wait3A_71 : memref<40x128xi32, #tpu.memory_space<hbm>>) dst(%arg7 : memref<40x128xi32, #tpu.memory_space<vmem>>)
        tpu.yield
      }) : () -> ()
      %dma_start3A = arith.constant 0 : i32
      %dma_start3A_14 = arith.constant 0 : i32
      %dma_start3A_15 = arith.constant 0 : i32
      %dma_start3A_16 = tpu.memref_slice %arg8[%dma_start3A_14, %dma_start3A_15] : memref<128x128xf32, #tpu.memory_space<vmem>> -> memref<64x128xf32, #tpu.memory_space<vmem>>
      %dma_start3A_17 = arith.constant 0 : i32
      %dma_start3A_18 = tpu.memref_slice %arg6[%dma_start3A, %dma_start3A_17] : memref<40x128xi32, #tpu.memory_space<vmem>> -> memref<1x64xi32, #tpu.memory_space<vmem>>
      %dma_start3A_19 = tpu.memref_squeeze %dma_start3A_18 : memref<1x64xi32, #tpu.memory_space<vmem>> -> memref<64xi32, #tpu.memory_space<vmem>>
      %dma_start3A_20 = arith.constant 0 : i32
      %dma_start3A_21 = arith.constant 0 : i32
      %dma_start3A_22 = tpu.memref_slice %arg2[%dma_start3A_20, %dma_start3A_21] : memref<10112x128xf32, #tpu.memory_space<hbm>> -> memref<10112x128xf32, #tpu.memory_space<hbm>>
      tpu.enqueue_indirect_dma source(%dma_start3A_22 : memref<10112x128xf32, #tpu.memory_space<hbm>>) target(%dma_start3A_16 : memref<64x128xf32, #tpu.memory_space<vmem>>) offsets(%dma_start3A_19 : memref<64xi32, #tpu.memory_space<vmem>>) semaphore(%arg11 : memref<!tpu.dma_semaphore, #tpu.memory_space<semaphore_mem>>)
      %dma_start3A_23 = arith.constant 0 : i32
      %dma_start3A_24 = arith.constant 64 : i32
      %dma_start3A_25 = arith.constant 0 : i32
      %dma_start3A_26 = tpu.memref_slice %arg8[%dma_start3A_24, %dma_start3A_25] : memref<128x128xf32, #tpu.memory_space<vmem>> -> memref<64x128xf32, #tpu.memory_space<vmem>>
      %dma_start3A_27 = arith.constant 64 : i32
      %dma_start3A_28 = tpu.memref_slice %arg6[%dma_start3A_23, %dma_start3A_27] : memref<40x128xi32, #tpu.memory_space<vmem>> -> memref<1x64xi32, #tpu.memory_space<vmem>>
      %dma_start3A_29 = tpu.memref_squeeze %dma_start3A_28 : memref<1x64xi32, #tpu.memory_space<vmem>> -> memref<64xi32, #tpu.memory_space<vmem>>
      %dma_start3A_30 = arith.constant 0 : i32
      %dma_start3A_31 = arith.constant 0 : i32
      %dma_start3A_32 = tpu.memref_slice %arg2[%dma_start3A_30, %dma_start3A_31] : memref<10112x128xf32, #tpu.memory_space<hbm>> -> memref<10112x128xf32, #tpu.memory_space<hbm>>
      tpu.enqueue_indirect_dma source(%dma_start3A_32 : memref<10112x128xf32, #tpu.memory_space<hbm>>) target(%dma_start3A_26 : memref<64x128xf32, #tpu.memory_space<vmem>>) offsets(%dma_start3A_29 : memref<64xi32, #tpu.memory_space<vmem>>) semaphore(%arg11 : memref<!tpu.dma_semaphore, #tpu.memory_space<semaphore_mem>>)
      %dma_start3A_33 = arith.constant 1 : i32
      %dma_start3A_34 = arith.constant 0 : i32
      %dma_start3A_35 = arith.constant 0 : i32
      %dma_start3A_36 = tpu.memref_slice %arg9[%dma_start3A_34, %dma_start3A_35] : memref<128x128xf32, #tpu.memory_space<vmem>> -> memref<64x128xf32, #tpu.memory_space<vmem>>
      %dma_start3A_37 = arith.constant 0 : i32
      %dma_start3A_38 = tpu.memref_slice %arg6[%dma_start3A_33, %dma_start3A_37] : memref<40x128xi32, #tpu.memory_space<vmem>> -> memref<1x64xi32, #tpu.memory_space<vmem>>
      %dma_start3A_39 = tpu.memref_squeeze %dma_start3A_38 : memref<1x64xi32, #tpu.memory_space<vmem>> -> memref<64xi32, #tpu.memory_space<vmem>>
      %dma_start3A_40 = arith.constant 0 : i32
      %dma_start3A_41 = arith.constant 0 : i32
      %dma_start3A_42 = tpu.memref_slice %arg2[%dma_start3A_40, %dma_start3A_41] : memref<10112x128xf32, #tpu.memory_space<hbm>> -> memref<10112x128xf32, #tpu.memory_space<hbm>>
      tpu.enqueue_indirect_dma source(%dma_start3A_42 : memref<10112x128xf32, #tpu.memory_space<hbm>>) target(%dma_start3A_36 : memref<64x128xf32, #tpu.memory_space<vmem>>) offsets(%dma_start3A_39 : memref<64xi32, #tpu.memory_space<vmem>>) semaphore(%arg12 : memref<!tpu.dma_semaphore, #tpu.memory_space<semaphore_mem>>)
      %dma_start3A_43 = arith.constant 1 : i32
      %dma_start3A_44 = arith.constant 64 : i32
      %dma_start3A_45 = arith.constant 0 : i32
      %dma_start3A_46 = tpu.memref_slice %arg9[%dma_start3A_44, %dma_start3A_45] : memref<128x128xf32, #tpu.memory_space<vmem>> -> memref<64x128xf32, #tpu.memory_space<vmem>>
      %dma_start3A_47 = arith.constant 64 : i32
      %dma_start3A_48 = tpu.memref_slice %arg6[%dma_start3A_43, %dma_start3A_47] : memref<40x128xi32, #tpu.memory_space<vmem>> -> memref<1x64xi32, #tpu.memory_space<vmem>>
      %dma_start3A_49 = tpu.memref_squeeze %dma_start3A_48 : memref<1x64xi32, #tpu.memory_space<vmem>> -> memref<64xi32, #tpu.memory_space<vmem>>
      %dma_start3A_50 = arith.constant 0 : i32
      %dma_start3A_51 = arith.constant 0 : i32
      %dma_start3A_52 = tpu.memref_slice %arg2[%dma_start3A_50, %dma_start3A_51] : memref<10112x128xf32, #tpu.memory_space<hbm>> -> memref<10112x128xf32, #tpu.memory_space<hbm>>
      tpu.enqueue_indirect_dma source(%dma_start3A_52 : memref<10112x128xf32, #tpu.memory_space<hbm>>) target(%dma_start3A_46 : memref<64x128xf32, #tpu.memory_space<vmem>>) offsets(%dma_start3A_49 : memref<64xi32, #tpu.memory_space<vmem>>) semaphore(%arg12 : memref<!tpu.dma_semaphore, #tpu.memory_space<semaphore_mem>>)
      %scan3A_53 = arith.constant 0 : i32
      %scan3A_54 = arith.constant 0 : i32
      %scan3A_55 = arith.constant 20 : i32
      %scan3A_56 = arith.addi %scan3A_54, %scan3A_55 : i32
      %scan3A_57 = arith.constant 1 : i32
      %scan3A_58 = scf.for %scan3A_61 = %scan3A_54 to %scan3A_56 step %scan3A_57 iter_args(%scan3A_62 = %scan3A_53) -> (i32)  : i32 {
        %mul3A_63 = arith.constant 2 : i32
        %mul3A_64 = arith.muli %mul3A_63, %scan3A_61 : i32
        %dma_wait3A = arith.constant 0 : i32
        %dma_wait3A_65 = arith.constant 0 : i32
        %dma_wait3A_66 = tpu.memref_slice %arg8[%dma_wait3A, %dma_wait3A_65] : memref<128x128xf32, #tpu.memory_space<vmem>> -> memref<64x128xf32, #tpu.memory_space<vmem>>
        %dma_wait3A_67 = arith.constant 0 : i32
        %dma_wait3A_68 = tpu.memref_slice %arg6[%mul3A_64, %dma_wait3A_67] : memref<40x128xi32, #tpu.memory_space<vmem>> -> memref<1x64xi32, #tpu.memory_space<vmem>>
        %dma_wait3A_69 = tpu.memref_squeeze %dma_wait3A_68 : memref<1x64xi32, #tpu.memory_space<vmem>> -> memref<64xi32, #tpu.memory_space<vmem>>
        %dma_wait3A_70 = arith.constant 0 : i32
        %dma_wait3A_71 = arith.constant 0 : i32
        %dma_wait3A_72 = tpu.memref_slice %arg2[%dma_wait3A_70, %dma_wait3A_71] : memref<10112x128xf32, #tpu.memory_space<hbm>> -> memref<10112x128xf32, #tpu.memory_space<hbm>>
        tpu.wait_indirect_dma semaphore(%arg11 : memref<!tpu.dma_semaphore, #tpu.memory_space<semaphore_mem>>) src(%dma_wait3A_72 : memref<10112x128xf32, #tpu.memory_space<hbm>>) dst(%dma_wait3A_66 : memref<64x128xf32, #tpu.memory_space<vmem>>)
        %dma_wait3A_73 = arith.constant 64 : i32
        %dma_wait3A_74 = arith.constant 0 : i32
        %dma_wait3A_75 = tpu.memref_slice %arg8[%dma_wait3A_73, %dma_wait3A_74] : memref<128x128xf32, #tpu.memory_space<vmem>> -> memref<64x128xf32, #tpu.memory_space<vmem>>
        %dma_wait3A_76 = arith.constant 64 : i32
        %dma_wait3A_77 = tpu.memref_slice %arg6[%mul3A_64, %dma_wait3A_76] : memref<40x128xi32, #tpu.memory_space<vmem>> -> memref<1x64xi32, #tpu.memory_space<vmem>>
        %dma_wait3A_78 = tpu.memref_squeeze %dma_wait3A_77 : memref<1x64xi32, #tpu.memory_space<vmem>> -> memref<64xi32, #tpu.memory_space<vmem>>
        %dma_wait3A_79 = arith.constant 0 : i32
        %dma_wait3A_80 = arith.constant 0 : i32
        %dma_wait3A_81 = tpu.memref_slice %arg2[%dma_wait3A_79, %dma_wait3A_80] : memref<10112x128xf32, #tpu.memory_space<hbm>> -> memref<10112x128xf32, #tpu.memory_space<hbm>>
        tpu.wait_indirect_dma semaphore(%arg11 : memref<!tpu.dma_semaphore, #tpu.memory_space<semaphore_mem>>) src(%dma_wait3A_81 : memref<10112x128xf32, #tpu.memory_space<hbm>>) dst(%dma_wait3A_75 : memref<64x128xf32, #tpu.memory_space<vmem>>)
        %add3A_82 = arith.constant 2 : i32
        %add3A_83 = arith.addi %mul3A_64, %add3A_82 : i32
        %lt3A = arith.constant 40 : i32
        %lt3A_84 = arith.cmpi slt, %add3A_83, %lt3A : i32
        %convert_element_type3A = arith.extui %lt3A_84 : i1 to i32
        %cond3A = arith.constant 0 : i32
        %cond3A_85 = arith.cmpi ne, %convert_element_type3A, %cond3A : i32
        scf.if %cond3A_85 {
          %add3A_116 = arith.constant 2 : i32
          %add3A_117 = arith.addi %mul3A_64, %add3A_116 : i32
          %dma_start3A_118 = arith.constant 0 : i32
          %dma_start3A_119 = arith.constant 0 : i32
          %dma_start3A_120 = tpu.memref_slice %arg8[%dma_start3A_118, %dma_start3A_119] : memref<128x128xf32, #tpu.memory_space<vmem>> -> memref<64x128xf32, #tpu.memory_space<vmem>>
          %dma_start3A_121 = arith.constant 0 : i32
          %dma_start3A_122 = tpu.memref_slice %arg6[%add3A_117, %dma_start3A_121] : memref<40x128xi32, #tpu.memory_space<vmem>> -> memref<1x64xi32, #tpu.memory_space<vmem>>
          %dma_start3A_123 = tpu.memref_squeeze %dma_start3A_122 : memref<1x64xi32, #tpu.memory_space<vmem>> -> memref<64xi32, #tpu.memory_space<vmem>>
          %dma_start3A_124 = arith.constant 0 : i32
          %dma_start3A_125 = arith.constant 0 : i32
          %dma_start3A_126 = tpu.memref_slice %arg2[%dma_start3A_124, %dma_start3A_125] : memref<10112x128xf32, #tpu.memory_space<hbm>> -> memref<10112x128xf32, #tpu.memory_space<hbm>>
          tpu.enqueue_indirect_dma source(%dma_start3A_126 : memref<10112x128xf32, #tpu.memory_space<hbm>>) target(%dma_start3A_120 : memref<64x128xf32, #tpu.memory_space<vmem>>) offsets(%dma_start3A_123 : memref<64xi32, #tpu.memory_space<vmem>>) semaphore(%arg11 : memref<!tpu.dma_semaphore, #tpu.memory_space<semaphore_mem>>)
          %dma_start3A_127 = arith.constant 64 : i32
          %dma_start3A_128 = arith.constant 0 : i32
          %dma_start3A_129 = tpu.memref_slice %arg8[%dma_start3A_127, %dma_start3A_128] : memref<128x128xf32, #tpu.memory_space<vmem>> -> memref<64x128xf32, #tpu.memory_space<vmem>>
          %dma_start3A_130 = arith.constant 64 : i32
          %dma_start3A_131 = tpu.memref_slice %arg6[%add3A_117, %dma_start3A_130] : memref<40x128xi32, #tpu.memory_space<vmem>> -> memref<1x64xi32, #tpu.memory_space<vmem>>
          %dma_start3A_132 = tpu.memref_squeeze %dma_start3A_131 : memref<1x64xi32, #tpu.memory_space<vmem>> -> memref<64xi32, #tpu.memory_space<vmem>>
          %dma_start3A_133 = arith.constant 0 : i32
          %dma_start3A_134 = arith.constant 0 : i32
          %dma_start3A_135 = tpu.memref_slice %arg2[%dma_start3A_133, %dma_start3A_134] : memref<10112x128xf32, #tpu.memory_space<hbm>> -> memref<10112x128xf32, #tpu.memory_space<hbm>>
          tpu.enqueue_indirect_dma source(%dma_start3A_135 : memref<10112x128xf32, #tpu.memory_space<hbm>>) target(%dma_start3A_129 : memref<64x128xf32, #tpu.memory_space<vmem>>) offsets(%dma_start3A_132 : memref<64xi32, #tpu.memory_space<vmem>>) semaphore(%arg11 : memref<!tpu.dma_semaphore, #tpu.memory_space<semaphore_mem>>)
        } else {
        }
        "tpu.region"() ({
          %run_scoped3A = tpu.sem_alloc : memref<!tpu.dma_semaphore, #tpu.memory_space<semaphore_mem>>
          %dma_start3A_116 = arith.constant 0 : i32
          %dma_start3A_117 = tpu.memref_slice %arg7[%mul3A_64, %dma_start3A_116] : memref<40x128xi32, #tpu.memory_space<vmem>> -> memref<1x128xi32, #tpu.memory_space<vmem>>
          %dma_start3A_118 = tpu.memref_squeeze %dma_start3A_117 : memref<1x128xi32, #tpu.memory_space<vmem>> -> memref<128xi32, #tpu.memory_space<vmem>>
          %dma_start3A_119 = arith.constant 0 : i32
          %dma_start3A_120 = arith.constant 0 : i32
          %dma_start3A_121 = tpu.memref_slice %arg10[%dma_start3A_119, %dma_start3A_120] : memref<10112x128xf32, #tpu.memory_space<vmem_shared>> -> memref<10112x128xf32, #tpu.memory_space<vmem_shared>>
          tpu.enqueue_indirect_dma source(%arg8 : memref<128x128xf32, #tpu.memory_space<vmem>>) target(%dma_start3A_121 : memref<10112x128xf32, #tpu.memory_space<vmem_shared>>) offsets(%dma_start3A_118 : memref<128xi32, #tpu.memory_space<vmem>>) semaphore(%run_scoped3A : memref<!tpu.dma_semaphore, #tpu.memory_space<semaphore_mem>>) {add = true}
          %dma_wait3A_122 = arith.constant 0 : i32
          %dma_wait3A_123 = tpu.memref_slice %arg7[%mul3A_64, %dma_wait3A_122] : memref<40x128xi32, #tpu.memory_space<vmem>> -> memref<1x128xi32, #tpu.memory_space<vmem>>
          %dma_wait3A_124 = tpu.memref_squeeze %dma_wait3A_123 : memref<1x128xi32, #tpu.memory_space<vmem>> -> memref<128xi32, #tpu.memory_space<vmem>>
          %dma_wait3A_125 = arith.constant 0 : i32
          %dma_wait3A_126 = arith.constant 0 : i32
          %dma_wait3A_127 = tpu.memref_slice %arg10[%dma_wait3A_125, %dma_wait3A_126] : memref<10112x128xf32, #tpu.memory_space<vmem_shared>> -> memref<10112x128xf32, #tpu.memory_space<vmem_shared>>
          tpu.wait_indirect_dma semaphore(%run_scoped3A : memref<!tpu.dma_semaphore, #tpu.memory_space<semaphore_mem>>) src(%arg8 : memref<128x128xf32, #tpu.memory_space<vmem>>) dst(%dma_wait3A_127 : memref<10112x128xf32, #tpu.memory_space<vmem_shared>>)
          tpu.yield
        }) : () -> ()
        %add3A_86 = arith.constant 1 : i32
        %add3A_87 = arith.addi %mul3A_64, %add3A_86 : i32
        %dma_wait3A_88 = arith.constant 0 : i32
        %dma_wait3A_89 = arith.constant 0 : i32
        %dma_wait3A_90 = tpu.memref_slice %arg9[%dma_wait3A_88, %dma_wait3A_89] : memref<128x128xf32, #tpu.memory_space<vmem>> -> memref<64x128xf32, #tpu.memory_space<vmem>>
        %dma_wait3A_91 = arith.constant 0 : i32
        %dma_wait3A_92 = tpu.memref_slice %arg6[%add3A_87, %dma_wait3A_91] : memref<40x128xi32, #tpu.memory_space<vmem>> -> memref<1x64xi32, #tpu.memory_space<vmem>>
        %dma_wait3A_93 = tpu.memref_squeeze %dma_wait3A_92 : memref<1x64xi32, #tpu.memory_space<vmem>> -> memref<64xi32, #tpu.memory_space<vmem>>
        %dma_wait3A_94 = arith.constant 0 : i32
        %dma_wait3A_95 = arith.constant 0 : i32
        %dma_wait3A_96 = tpu.memref_slice %arg2[%dma_wait3A_94, %dma_wait3A_95] : memref<10112x128xf32, #tpu.memory_space<hbm>> -> memref<10112x128xf32, #tpu.memory_space<hbm>>
        tpu.wait_indirect_dma semaphore(%arg12 : memref<!tpu.dma_semaphore, #tpu.memory_space<semaphore_mem>>) src(%dma_wait3A_96 : memref<10112x128xf32, #tpu.memory_space<hbm>>) dst(%dma_wait3A_90 : memref<64x128xf32, #tpu.memory_space<vmem>>)
        %dma_wait3A_97 = arith.constant 64 : i32
        %dma_wait3A_98 = arith.constant 0 : i32
        %dma_wait3A_99 = tpu.memref_slice %arg9[%dma_wait3A_97, %dma_wait3A_98] : memref<128x128xf32, #tpu.memory_space<vmem>> -> memref<64x128xf32, #tpu.memory_space<vmem>>
        %dma_wait3A_100 = arith.constant 64 : i32
        %dma_wait3A_101 = tpu.memref_slice %arg6[%add3A_87, %dma_wait3A_100] : memref<40x128xi32, #tpu.memory_space<vmem>> -> memref<1x64xi32, #tpu.memory_space<vmem>>
        %dma_wait3A_102 = tpu.memref_squeeze %dma_wait3A_101 : memref<1x64xi32, #tpu.memory_space<vmem>> -> memref<64xi32, #tpu.memory_space<vmem>>
        %dma_wait3A_103 = arith.constant 0 : i32
        %dma_wait3A_104 = arith.constant 0 : i32
        %dma_wait3A_105 = tpu.memref_slice %arg2[%dma_wait3A_103, %dma_wait3A_104] : memref<10112x128xf32, #tpu.memory_space<hbm>> -> memref<10112x128xf32, #tpu.memory_space<hbm>>
        tpu.wait_indirect_dma semaphore(%arg12 : memref<!tpu.dma_semaphore, #tpu.memory_space<semaphore_mem>>) src(%dma_wait3A_105 : memref<10112x128xf32, #tpu.memory_space<hbm>>) dst(%dma_wait3A_99 : memref<64x128xf32, #tpu.memory_space<vmem>>)
        %add3A_106 = arith.constant 3 : i32
        %add3A_107 = arith.addi %mul3A_64, %add3A_106 : i32
        %lt3A_108 = arith.constant 40 : i32
        %lt3A_109 = arith.cmpi slt, %add3A_107, %lt3A_108 : i32
        %convert_element_type3A_110 = arith.extui %lt3A_109 : i1 to i32
        %cond3A_111 = arith.constant 0 : i32
        %cond3A_112 = arith.cmpi ne, %convert_element_type3A_110, %cond3A_111 : i32
        scf.if %cond3A_112 {
          %add3A_116 = arith.constant 3 : i32
          %add3A_117 = arith.addi %mul3A_64, %add3A_116 : i32
          %dma_start3A_118 = arith.constant 0 : i32
          %dma_start3A_119 = arith.constant 0 : i32
          %dma_start3A_120 = tpu.memref_slice %arg9[%dma_start3A_118, %dma_start3A_119] : memref<128x128xf32, #tpu.memory_space<vmem>> -> memref<64x128xf32, #tpu.memory_space<vmem>>
          %dma_start3A_121 = arith.constant 0 : i32
          %dma_start3A_122 = tpu.memref_slice %arg6[%add3A_117, %dma_start3A_121] : memref<40x128xi32, #tpu.memory_space<vmem>> -> memref<1x64xi32, #tpu.memory_space<vmem>>
          %dma_start3A_123 = tpu.memref_squeeze %dma_start3A_122 : memref<1x64xi32, #tpu.memory_space<vmem>> -> memref<64xi32, #tpu.memory_space<vmem>>
          %dma_start3A_124 = arith.constant 0 : i32
          %dma_start3A_125 = arith.constant 0 : i32
          %dma_start3A_126 = tpu.memref_slice %arg2[%dma_start3A_124, %dma_start3A_125] : memref<10112x128xf32, #tpu.memory_space<hbm>> -> memref<10112x128xf32, #tpu.memory_space<hbm>>
          tpu.enqueue_indirect_dma source(%dma_start3A_126 : memref<10112x128xf32, #tpu.memory_space<hbm>>) target(%dma_start3A_120 : memref<64x128xf32, #tpu.memory_space<vmem>>) offsets(%dma_start3A_123 : memref<64xi32, #tpu.memory_space<vmem>>) semaphore(%arg12 : memref<!tpu.dma_semaphore, #tpu.memory_space<semaphore_mem>>)
          %dma_start3A_127 = arith.constant 64 : i32
          %dma_start3A_128 = arith.constant 0 : i32
          %dma_start3A_129 = tpu.memref_slice %arg9[%dma_start3A_127, %dma_start3A_128] : memref<128x128xf32, #tpu.memory_space<vmem>> -> memref<64x128xf32, #tpu.memory_space<vmem>>
          %dma_start3A_130 = arith.constant 64 : i32
          %dma_start3A_131 = tpu.memref_slice %arg6[%add3A_117, %dma_start3A_130] : memref<40x128xi32, #tpu.memory_space<vmem>> -> memref<1x64xi32, #tpu.memory_space<vmem>>
          %dma_start3A_132 = tpu.memref_squeeze %dma_start3A_131 : memref<1x64xi32, #tpu.memory_space<vmem>> -> memref<64xi32, #tpu.memory_space<vmem>>
          %dma_start3A_133 = arith.constant 0 : i32
          %dma_start3A_134 = arith.constant 0 : i32
          %dma_start3A_135 = tpu.memref_slice %arg2[%dma_start3A_133, %dma_start3A_134] : memref<10112x128xf32, #tpu.memory_space<hbm>> -> memref<10112x128xf32, #tpu.memory_space<hbm>>
          tpu.enqueue_indirect_dma source(%dma_start3A_135 : memref<10112x128xf32, #tpu.memory_space<hbm>>) target(%dma_start3A_129 : memref<64x128xf32, #tpu.memory_space<vmem>>) offsets(%dma_start3A_132 : memref<64xi32, #tpu.memory_space<vmem>>) semaphore(%arg12 : memref<!tpu.dma_semaphore, #tpu.memory_space<semaphore_mem>>)
        } else {
        }
        %add3A_113 = arith.constant 1 : i32
        %add3A_114 = arith.addi %mul3A_64, %add3A_113 : i32
        "tpu.region"() ({
          %run_scoped3A = tpu.sem_alloc : memref<!tpu.dma_semaphore, #tpu.memory_space<semaphore_mem>>
          %dma_start3A_116 = arith.constant 0 : i32
          %dma_start3A_117 = tpu.memref_slice %arg7[%add3A_114, %dma_start3A_116] : memref<40x128xi32, #tpu.memory_space<vmem>> -> memref<1x128xi32, #tpu.memory_space<vmem>>
          %dma_start3A_118 = tpu.memref_squeeze %dma_start3A_117 : memref<1x128xi32, #tpu.memory_space<vmem>> -> memref<128xi32, #tpu.memory_space<vmem>>
          %dma_start3A_119 = arith.constant 0 : i32
          %dma_start3A_120 = arith.constant 0 : i32
          %dma_start3A_121 = tpu.memref_slice %arg10[%dma_start3A_119, %dma_start3A_120] : memref<10112x128xf32, #tpu.memory_space<vmem_shared>> -> memref<10112x128xf32, #tpu.memory_space<vmem_shared>>
          tpu.enqueue_indirect_dma source(%arg9 : memref<128x128xf32, #tpu.memory_space<vmem>>) target(%dma_start3A_121 : memref<10112x128xf32, #tpu.memory_space<vmem_shared>>) offsets(%dma_start3A_118 : memref<128xi32, #tpu.memory_space<vmem>>) semaphore(%run_scoped3A : memref<!tpu.dma_semaphore, #tpu.memory_space<semaphore_mem>>) {add = true}
          %dma_wait3A_122 = arith.constant 0 : i32
          %dma_wait3A_123 = tpu.memref_slice %arg7[%add3A_114, %dma_wait3A_122] : memref<40x128xi32, #tpu.memory_space<vmem>> -> memref<1x128xi32, #tpu.memory_space<vmem>>
          %dma_wait3A_124 = tpu.memref_squeeze %dma_wait3A_123 : memref<1x128xi32, #tpu.memory_space<vmem>> -> memref<128xi32, #tpu.memory_space<vmem>>
          %dma_wait3A_125 = arith.constant 0 : i32
          %dma_wait3A_126 = arith.constant 0 : i32
          %dma_wait3A_127 = tpu.memref_slice %arg10[%dma_wait3A_125, %dma_wait3A_126] : memref<10112x128xf32, #tpu.memory_space<vmem_shared>> -> memref<10112x128xf32, #tpu.memory_space<vmem_shared>>
          tpu.wait_indirect_dma semaphore(%run_scoped3A : memref<!tpu.dma_semaphore, #tpu.memory_space<semaphore_mem>>) src(%arg9 : memref<128x128xf32, #tpu.memory_space<vmem>>) dst(%dma_wait3A_127 : memref<10112x128xf32, #tpu.memory_space<vmem_shared>>)
          tpu.yield
        }) : () -> ()
        %scan3A_115 = arith.constant 0 : i32
        scf.yield %scan3A_115 : i32
      }
      %scan3A_59 = arith.constant 20 : i32
      %scan3A_60 = arith.constant 0 : i32
      scf.yield %scan3A_60 : i32
    }
    %scan3A_8 = arith.constant 2 : i32
    %barrier3A_9 = arith.constant 0 : index
    tpu.barrier barrier_id(%barrier3A_9)
    "tpu.region"() ({
      %run_scoped3A = tpu.sem_alloc : memref<!tpu.dma_semaphore, #tpu.memory_space<semaphore_mem>>
      %dma_start3A = arith.constant 0 : i32
      %dma_start3A_10 = tpu.memref_slice %arg5[%arg0, %mul3A_0, %dma_start3A] : memref<2x10112x128xf32, #tpu.memory_space<hbm>> -> memref<1x632x128xf32, #tpu.memory_space<hbm>>
      %dma_start3A_11 = tpu.memref_squeeze %dma_start3A_10 : memref<1x632x128xf32, #tpu.memory_space<hbm>> -> memref<632x128xf32, #tpu.memory_space<hbm>>
      %dma_start3A_12 = arith.constant 0 : i32
      %dma_start3A_13 = tpu.memref_slice %arg10[%mul3A_0, %dma_start3A_12] : memref<10112x128xf32, #tpu.memory_space<vmem_shared>> -> memref<632x128xf32, #tpu.memory_space<vmem_shared>>
      tpu.enqueue_dma source(%dma_start3A_13 : memref<632x128xf32, #tpu.memory_space<vmem_shared>>) target(%dma_start3A_11 : memref<632x128xf32, #tpu.memory_space<hbm>>) target_semaphore(%run_scoped3A : memref<!tpu.dma_semaphore, #tpu.memory_space<semaphore_mem>>)
      %dma_wait3A = arith.constant 0 : i32
      %dma_wait3A_14 = tpu.memref_slice %arg5[%arg0, %mul3A_0, %dma_wait3A] : memref<2x10112x128xf32, #tpu.memory_space<hbm>> -> memref<1x632x128xf32, #tpu.memory_space<hbm>>
      %dma_wait3A_15 = tpu.memref_squeeze %dma_wait3A_14 : memref<1x632x128xf32, #tpu.memory_space<hbm>> -> memref<632x128xf32, #tpu.memory_space<hbm>>
      %dma_wait3A_16 = arith.constant 0 : i32
      %dma_wait3A_17 = tpu.memref_slice %arg10[%mul3A_0, %dma_wait3A_16] : memref<10112x128xf32, #tpu.memory_space<vmem_shared>> -> memref<632x128xf32, #tpu.memory_space<vmem_shared>>
      tpu.wait_dma2 semaphore(%run_scoped3A : memref<!tpu.dma_semaphore, #tpu.memory_space<semaphore_mem>>) src(%dma_wait3A_17 : memref<632x128xf32, #tpu.memory_space<vmem_shared>>) dst(%dma_wait3A_15 : memref<632x128xf32, #tpu.memory_space<hbm>>)
      tpu.yield
    }) : () -> ()
    return
  }
}

module attributes {stable_mosaic.version = 14 : i64} {
  func.func @_pre_body(%arg0: i32, %arg1: memref<2x1264x16xf32, #tpu.memory_space<vmem>>, %arg2: memref<1264x128xf32, #tpu.memory_space<vmem>>, %arg3: memref<1264x128xf32, #tpu.memory_space<vmem>>) attributes {dimension_semantics = [#tpu.dimension_semantics<arbitrary>], iteration_bounds = array<i64: 8>, scalar_prefetch = 0 : i64, scratch_operands = 0 : i64, tpu.core_type = #tpu.core_type<tc>, window_params = [{transform_indices = @transform_0, window_bounds = array<i64: 2, 1264, 16>}, {transform_indices = @transform_1, window_bounds = array<i64: 1264, 128>}, {transform_indices = @transform_2, window_bounds = array<i64: 1264, 128>}]} {
    %get3A = arith.constant 0 : index
    %get3A_0 = arith.constant 0 : index
    %get3A_1 = vector.load %arg2[%get3A, %get3A_0] : memref<1264x128xf32, #tpu.memory_space<vmem>>, vector<1264x128xf32>
    %get3A_2 = arith.constant 0 : index
    %get3A_3 = arith.constant 0 : index
    %get3A_4 = arith.constant 0 : index
    %get3A_5 = vector.load %arg1[%get3A_2, %get3A_3, %get3A_4] : memref<2x1264x16xf32, #tpu.memory_space<vmem>>, vector<2x1264x16xf32>
    %slice3A = vector.extract_strided_slice %get3A_5 {offsets = [0, 0, 0], sizes = [1, 1264, 1], strides = [1, 1, 1]} : vector<2x1264x16xf32> to vector<1x1264x1xf32>
    %squeeze3A = vector.shape_cast %slice3A : vector<1x1264x1xf32> to vector<1264x1xf32>
    %slice3A_6 = vector.extract_strided_slice %get3A_5 {offsets = [1, 0, 0], sizes = [1, 1264, 1], strides = [1, 1, 1]} : vector<2x1264x16xf32> to vector<1x1264x1xf32>
    %squeeze3A_7 = vector.shape_cast %slice3A_6 : vector<1x1264x1xf32> to vector<1264x1xf32>
    %add3A = arith.addf %squeeze3A, %squeeze3A_7 : vector<1264x1xf32>
    %sub3A = arith.constant 1.000000e+00 : f32
    %sub3A_8 = vector.broadcast %sub3A : f32 to vector<1264x1xf32>
    %sub3A_9 = arith.subf %add3A, %sub3A_8 : vector<1264x1xf32>
    %rsqrt3A = math.rsqrt %sub3A_9 : vector<1264x1xf32>
    %mul3A = vector.broadcast %rsqrt3A : vector<1264x1xf32> to vector<1264x128xf32>
    %mul3A_10 = arith.mulf %get3A_1, %mul3A : vector<1264x128xf32>
    %swap3A = arith.constant 0 : index
    %swap3A_11 = arith.constant 0 : index
    %swap3A_12 = vector.load %arg3[%swap3A, %swap3A_11] : memref<1264x128xf32, #tpu.memory_space<vmem>>, vector<1264x128xf32>
    tpu.vector_store %arg3[%swap3A, %swap3A_11], %mul3A_10 {strides = array<i32>} : memref<1264x128xf32, #tpu.memory_space<vmem>>, vector<1264x128xf32>,
    return
  }
  func.func @transform_0(%arg0: i32) -> (i32, i32, i32) {
    %c0_i32 = arith.constant 0 : i32
    %c0_i32_0 = arith.constant 0 : i32
    %c0_i32_1 = arith.constant 0 : i32
    return %c0_i32, %arg0, %c0_i32_0 : i32, i32, i32
  }
  func.func @transform_1(%arg0: i32) -> (i32, i32) {
    %c0_i32 = arith.constant 0 : i32
    %c0_i32_0 = arith.constant 0 : i32
    return %arg0, %c0_i32 : i32, i32
  }
  func.func @transform_2(%arg0: i32) -> (i32, i32) {
    %c0_i32 = arith.constant 0 : i32
    %c0_i32_0 = arith.constant 0 : i32
    return %arg0, %c0_i32 : i32, i32
  }
}

module attributes {stable_mosaic.version = 14 : i64} {
  func.func @_a1_body(%arg0: i32, %arg1: memref<2x2000x128xf32, #tpu.memory_space<vmem>>, %arg2: memref<2x2000x16xf32, #tpu.memory_space<vmem>>, %arg3: memref<2000x128xf32, #tpu.memory_space<vmem>>, %arg4: memref<128x256xf32, #tpu.memory_space<vmem>>, %arg5: memref<256xf32, #tpu.memory_space<vmem>>, %arg6: memref<128x256xf32, #tpu.memory_space<vmem>>, %arg7: memref<256xf32, #tpu.memory_space<vmem>>, %arg8: memref<2000x256xf32, #tpu.memory_space<vmem>>, %arg9: memref<2000x256xf32, #tpu.memory_space<vmem>>, %arg10: memref<1x256xf32, #tpu.memory_space<vmem>>, %arg11: memref<1x256xf32, #tpu.memory_space<vmem>>) attributes {dimension_semantics = [#tpu.dimension_semantics<arbitrary>], iteration_bounds = array<i64: 5>, scalar_prefetch = 0 : i64, scratch_operands = 0 : i64, tpu.core_type = #tpu.core_type<tc>, window_params = [{transform_indices = @transform_0, window_bounds = array<i64: 2, 2000, 128>}, {transform_indices = @transform_1, window_bounds = array<i64: 2, 2000, 16>}, {transform_indices = @transform_2, window_bounds = array<i64: 2000, 128>}, {pipeline_mode = #tpu.pipeline_mode<synchronous>, transform_indices = @transform_3, window_bounds = array<i64: 128, 256>}, {pipeline_mode = #tpu.pipeline_mode<synchronous>, transform_indices = @transform_4, window_bounds = array<i64: 256>}, {pipeline_mode = #tpu.pipeline_mode<synchronous>, transform_indices = @transform_5, window_bounds = array<i64: 128, 256>}, {pipeline_mode = #tpu.pipeline_mode<synchronous>, transform_indices = @transform_6, window_bounds = array<i64: 256>}, {transform_indices = @transform_7, window_bounds = array<i64: 2000, 256>}, {transform_indices = @transform_8, window_bounds = array<i64: 2000, 256>}, {pipeline_mode = #tpu.pipeline_mode<synchronous>, transform_indices = @transform_9, window_bounds = array<i64: 1, 256>}, {pipeline_mode = #tpu.pipeline_mode<synchronous>, transform_indices = @transform_10, window_bounds = array<i64: 1, 256>}]} {
    %get3A = arith.constant 0 : index
    %get3A_0 = arith.constant 0 : index
    %get3A_1 = arith.constant 0 : index
    %get3A_2 = vector.load %arg2[%get3A, %get3A_0, %get3A_1] : memref<2x2000x16xf32, #tpu.memory_space<vmem>>, vector<2x2000x16xf32>
    %slice3A = vector.extract_strided_slice %get3A_2 {offsets = [0, 0, 0], sizes = [1, 2000, 1], strides = [1, 1, 1]} : vector<2x2000x16xf32> to vector<1x2000x1xf32>
    %squeeze3A = vector.shape_cast %slice3A : vector<1x2000x1xf32> to vector<2000x1xf32>
    %slice3A_3 = vector.extract_strided_slice %get3A_2 {offsets = [1, 0, 0], sizes = [1, 2000, 1], strides = [1, 1, 1]} : vector<2x2000x16xf32> to vector<1x2000x1xf32>
    %squeeze3A_4 = vector.shape_cast %slice3A_3 : vector<1x2000x1xf32> to vector<2000x1xf32>
    %add3A = arith.addf %squeeze3A, %squeeze3A_4 : vector<2000x1xf32>
    %sub3A = arith.constant 1.000000e+00 : f32
    %sub3A_5 = vector.broadcast %sub3A : f32 to vector<2000x1xf32>
    %sub3A_6 = arith.subf %add3A, %sub3A_5 : vector<2000x1xf32>
    %rsqrt3A = math.rsqrt %sub3A_6 : vector<2000x1xf32>
    %get3A_7 = arith.constant 0 : index
    %get3A_8 = arith.constant 0 : index
    %get3A_9 = vector.load %arg3[%get3A_7, %get3A_8] : memref<2000x128xf32, #tpu.memory_space<vmem>>, vector<2000x128xf32>
    %get3A_10 = arith.constant 0 : index
    %get3A_11 = arith.constant 0 : index
    %get3A_12 = arith.constant 0 : index
    %get3A_13 = vector.load %arg1[%get3A_10, %get3A_11, %get3A_12] : memref<2x2000x128xf32, #tpu.memory_space<vmem>>, vector<1x2000x128xf32>
    %get3A_14 = vector.shape_cast %get3A_13 : vector<1x2000x128xf32> to vector<2000x128xf32>
    %get3A_15 = arith.constant 1 : index
    %get3A_16 = arith.constant 0 : index
    %get3A_17 = arith.constant 0 : index
    %get3A_18 = vector.load %arg1[%get3A_15, %get3A_16, %get3A_17] : memref<2x2000x128xf32, #tpu.memory_space<vmem>>, vector<1x2000x128xf32>
    %get3A_19 = vector.shape_cast %get3A_18 : vector<1x2000x128xf32> to vector<2000x128xf32>
    %add3A_20 = arith.addf %get3A_14, %get3A_19 : vector<2000x128xf32>
    %mul3A = vector.broadcast %rsqrt3A : vector<2000x1xf32> to vector<2000x128xf32>
    %mul3A_21 = arith.mulf %mul3A, %get3A_9 : vector<2000x128xf32>
    %sub3A_22 = arith.subf %add3A_20, %mul3A_21 : vector<2000x128xf32>
    %mul3A_23 = vector.broadcast %rsqrt3A : vector<2000x1xf32> to vector<2000x128xf32>
    %mul3A_24 = arith.mulf %mul3A_23, %sub3A_22 : vector<2000x128xf32>
    %get3A_25 = arith.constant 0 : index
    %get3A_26 = arith.constant 0 : index
    %get3A_27 = vector.load %arg4[%get3A_25, %get3A_26] : memref<128x256xf32, #tpu.memory_space<vmem>>, vector<128x256xf32>
    %dot_general3A = arith.constant dense<0.000000e+00> : vector<2000x256xf32>
    %dot_general3A_28 = tpu.matmul %mul3A_24, %get3A_27, %dot_general3A {dimension_numbers = #tpu.dot_dimension_numbers<[1], [0], [0], [1], [0, 0, 1, 1], [], []>, transpose_lhs_hint = false} : vector<2000x128xf32>, vector<128x256xf32>, vector<2000x256xf32> -> vector<2000x256xf32>
    %get3A_29 = arith.constant 0 : index
    %get3A_30 = vector.load %arg5[%get3A_29] : memref<256xf32, #tpu.memory_space<vmem>>, vector<256xf32>
    %broadcast_in_dim3A = vector.shape_cast %get3A_30 : vector<256xf32> to vector<1x256xf32>
    %add3A_31 = vector.broadcast %broadcast_in_dim3A : vector<1x256xf32> to vector<2000x256xf32>
    %add3A_32 = arith.addf %dot_general3A_28, %add3A_31 : vector<2000x256xf32>
    %swap3A = arith.constant 0 : index
    %swap3A_33 = arith.constant 0 : index
    %swap3A_34 = vector.load %arg8[%swap3A, %swap3A_33] : memref<2000x256xf32, #tpu.memory_space<vmem>>, vector<2000x256xf32>
    tpu.vector_store %arg8[%swap3A, %swap3A_33], %add3A_32 {strides = array<i32>} : memref<2000x256xf32, #tpu.memory_space<vmem>>, vector<2000x256xf32>,
    %get3A_35 = arith.constant 0 : index
    %get3A_36 = arith.constant 0 : index
    %get3A_37 = vector.load %arg6[%get3A_35, %get3A_36] : memref<128x256xf32, #tpu.memory_space<vmem>>, vector<128x256xf32>
    %dot_general3A_38 = arith.constant dense<0.000000e+00> : vector<2000x256xf32>
    %dot_general3A_39 = tpu.matmul %get3A_9, %get3A_37, %dot_general3A_38 {dimension_numbers = #tpu.dot_dimension_numbers<[1], [0], [0], [1], [0, 0, 1, 1], [], []>, transpose_lhs_hint = false} : vector<2000x128xf32>, vector<128x256xf32>, vector<2000x256xf32> -> vector<2000x256xf32>
    %get3A_40 = arith.constant 0 : index
    %get3A_41 = vector.load %arg7[%get3A_40] : memref<256xf32, #tpu.memory_space<vmem>>, vector<256xf32>
    %broadcast_in_dim3A_42 = vector.shape_cast %get3A_41 : vector<256xf32> to vector<1x256xf32>
    %add3A_43 = vector.broadcast %broadcast_in_dim3A_42 : vector<1x256xf32> to vector<2000x256xf32>
    %add3A_44 = arith.addf %dot_general3A_39, %add3A_43 : vector<2000x256xf32>
    %swap3A_45 = arith.constant 0 : index
    %swap3A_46 = arith.constant 0 : index
    %swap3A_47 = vector.load %arg9[%swap3A_45, %swap3A_46] : memref<2000x256xf32, #tpu.memory_space<vmem>>, vector<2000x256xf32>
    tpu.vector_store %arg9[%swap3A_45, %swap3A_46], %add3A_44 {strides = array<i32>} : memref<2000x256xf32, #tpu.memory_space<vmem>>, vector<2000x256xf32>,
    %eq3A = arith.constant 0 : i32
    %eq3A_48 = arith.cmpi eq, %arg0, %eq3A : i32
    %convert_element_type3A = arith.extui %eq3A_48 : i1 to i32
    %cond3A = arith.constant 0 : i32
    %cond3A_49 = arith.cmpi ne, %convert_element_type3A, %cond3A : i32
    scf.if %cond3A_49 {
      %broadcast_in_dim3A_70 = arith.constant 0.000000e+00 : f32
      %broadcast_in_dim3A_71 = vector.broadcast %broadcast_in_dim3A_70 : f32 to vector<1x256xf32>
      %swap3A_72 = arith.constant 0 : index
      %swap3A_73 = arith.constant 0 : index
      %swap3A_74 = vector.load %arg10[%swap3A_72, %swap3A_73] : memref<1x256xf32, #tpu.memory_space<vmem>>, vector<1x256xf32>
      tpu.vector_store %arg10[%swap3A_72, %swap3A_73], %broadcast_in_dim3A_71 {strides = array<i32>} : memref<1x256xf32, #tpu.memory_space<vmem>>, vector<1x256xf32>,
      %broadcast_in_dim3A_75 = arith.constant 0.000000e+00 : f32
      %broadcast_in_dim3A_76 = vector.broadcast %broadcast_in_dim3A_75 : f32 to vector<1x256xf32>
      %swap3A_77 = arith.constant 0 : index
      %swap3A_78 = arith.constant 0 : index
      %swap3A_79 = vector.load %arg11[%swap3A_77, %swap3A_78] : memref<1x256xf32, #tpu.memory_space<vmem>>, vector<1x256xf32>
      tpu.vector_store %arg11[%swap3A_77, %swap3A_78], %broadcast_in_dim3A_76 {strides = array<i32>} : memref<1x256xf32, #tpu.memory_space<vmem>>, vector<1x256xf32>,
    } else {
    }
    %get3A_50 = arith.constant 0 : index
    %get3A_51 = arith.constant 0 : index
    %get3A_52 = vector.load %arg10[%get3A_50, %get3A_51] : memref<1x256xf32, #tpu.memory_space<vmem>>, vector<1x256xf32>
    %reduce_sum3A = arith.constant dense<0.000000e+00> : vector<256xf32>
    %reduce_sum3A_53 = vector.multi_reduction <add>, %add3A_32, %reduce_sum3A [0] : vector<2000x256xf32> to vector<256xf32>
    %broadcast_in_dim3A_54 = vector.shape_cast %reduce_sum3A_53 : vector<256xf32> to vector<1x256xf32>
    %add3A_55 = arith.addf %get3A_52, %broadcast_in_dim3A_54 : vector<1x256xf32>
    %swap3A_56 = arith.constant 0 : index
    %swap3A_57 = arith.constant 0 : index
    %swap3A_58 = vector.load %arg10[%swap3A_56, %swap3A_57] : memref<1x256xf32, #tpu.memory_space<vmem>>, vector<1x256xf32>
    tpu.vector_store %arg10[%swap3A_56, %swap3A_57], %add3A_55 {strides = array<i32>} : memref<1x256xf32, #tpu.memory_space<vmem>>, vector<1x256xf32>,
    %get3A_59 = arith.constant 0 : index
    %get3A_60 = arith.constant 0 : index
    %get3A_61 = vector.load %arg11[%get3A_59, %get3A_60] : memref<1x256xf32, #tpu.memory_space<vmem>>, vector<1x256xf32>
    %mul3A_62 = arith.mulf %add3A_32, %add3A_32 : vector<2000x256xf32>
    %reduce_sum3A_63 = arith.constant dense<0.000000e+00> : vector<256xf32>
    %reduce_sum3A_64 = vector.multi_reduction <add>, %mul3A_62, %reduce_sum3A_63 [0] : vector<2000x256xf32> to vector<256xf32>
    %broadcast_in_dim3A_65 = vector.shape_cast %reduce_sum3A_64 : vector<256xf32> to vector<1x256xf32>
    %add3A_66 = arith.addf %get3A_61, %broadcast_in_dim3A_65 : vector<1x256xf32>
    %swap3A_67 = arith.constant 0 : index
    %swap3A_68 = arith.constant 0 : index
    %swap3A_69 = vector.load %arg11[%swap3A_67, %swap3A_68] : memref<1x256xf32, #tpu.memory_space<vmem>>, vector<1x256xf32>
    tpu.vector_store %arg11[%swap3A_67, %swap3A_68], %add3A_66 {strides = array<i32>} : memref<1x256xf32, #tpu.memory_space<vmem>>, vector<1x256xf32>,
    return
  }
  func.func @transform_0(%arg0: i32) -> (i32, i32, i32) {
    %c0_i32 = arith.constant 0 : i32
    %c0_i32_0 = arith.constant 0 : i32
    %c0_i32_1 = arith.constant 0 : i32
    return %c0_i32, %arg0, %c0_i32_0 : i32, i32, i32
  }
  func.func @transform_1(%arg0: i32) -> (i32, i32, i32) {
    %c0_i32 = arith.constant 0 : i32
    %c0_i32_0 = arith.constant 0 : i32
    %c0_i32_1 = arith.constant 0 : i32
    return %c0_i32, %arg0, %c0_i32_0 : i32, i32, i32
  }
  func.func @transform_2(%arg0: i32) -> (i32, i32) {
    %c0_i32 = arith.constant 0 : i32
    %c0_i32_0 = arith.constant 0 : i32
    return %arg0, %c0_i32 : i32, i32
  }
  func.func @transform_3(%arg0: i32) -> (i32, i32) {
    %c0_i32 = arith.constant 0 : i32
    %c0_i32_0 = arith.constant 0 : i32
    %c0_i32_1 = arith.constant 0 : i32
    return %c0_i32, %c0_i32_0 : i32, i32
  }
  func.func @transform_4(%arg0: i32) -> i32 {
    %c0_i32 = arith.constant 0 : i32
    %c0_i32_0 = arith.constant 0 : i32
    return %c0_i32 : i32
  }
  func.func @transform_5(%arg0: i32) -> (i32, i32) {
    %c0_i32 = arith.constant 0 : i32
    %c0_i32_0 = arith.constant 0 : i32
    %c0_i32_1 = arith.constant 0 : i32
    return %c0_i32, %c0_i32_0 : i32, i32
  }
  func.func @transform_6(%arg0: i32) -> i32 {
    %c0_i32 = arith.constant 0 : i32
    %c0_i32_0 = arith.constant 0 : i32
    return %c0_i32 : i32
  }
  func.func @transform_7(%arg0: i32) -> (i32, i32) {
    %c0_i32 = arith.constant 0 : i32
    %c0_i32_0 = arith.constant 0 : i32
    return %arg0, %c0_i32 : i32, i32
  }
  func.func @transform_8(%arg0: i32) -> (i32, i32) {
    %c0_i32 = arith.constant 0 : i32
    %c0_i32_0 = arith.constant 0 : i32
    return %arg0, %c0_i32 : i32, i32
  }
  func.func @transform_9(%arg0: i32) -> (i32, i32) {
    %c0_i32 = arith.constant 0 : i32
    %c0_i32_0 = arith.constant 0 : i32
    %c0_i32_1 = arith.constant 0 : i32
    return %c0_i32, %c0_i32_0 : i32, i32
  }
  func.func @transform_10(%arg0: i32) -> (i32, i32) {
    %c0_i32 = arith.constant 0 : i32
    %c0_i32_0 = arith.constant 0 : i32
    %c0_i32_1 = arith.constant 0 : i32
    return %c0_i32, %c0_i32_0 : i32, i32
  }
}

module attributes {stable_mosaic.version = 14 : i64} {
  func.func @_b_body(%arg0: i32, %arg1: memref<2000x256xf32, #tpu.memory_space<vmem>>, %arg2: memref<2000x256xf32, #tpu.memory_space<vmem>>, %arg3: memref<2x2000x16xf32, #tpu.memory_space<vmem>>, %arg4: memref<1x256xf32, #tpu.memory_space<vmem>>, %arg5: memref<1x256xf32, #tpu.memory_space<vmem>>, %arg6: memref<256xf32, #tpu.memory_space<vmem>>, %arg7: memref<256xf32, #tpu.memory_space<vmem>>, %arg8: memref<2000x256xf32, #tpu.memory_space<vmem>>, %arg9: memref<2x2000x128xf32, #tpu.memory_space<vmem>>) attributes {dimension_semantics = [#tpu.dimension_semantics<arbitrary>], iteration_bounds = array<i64: 5>, scalar_prefetch = 0 : i64, scratch_operands = 0 : i64, tpu.core_type = #tpu.core_type<tc>, window_params = [{transform_indices = @transform_0, window_bounds = array<i64: 2000, 256>}, {transform_indices = @transform_1, window_bounds = array<i64: 2000, 256>}, {transform_indices = @transform_2, window_bounds = array<i64: 2, 2000, 16>}, {pipeline_mode = #tpu.pipeline_mode<synchronous>, transform_indices = @transform_3, window_bounds = array<i64: 1, 256>}, {pipeline_mode = #tpu.pipeline_mode<synchronous>, transform_indices = @transform_4, window_bounds = array<i64: 1, 256>}, {pipeline_mode = #tpu.pipeline_mode<synchronous>, transform_indices = @transform_5, window_bounds = array<i64: 256>}, {pipeline_mode = #tpu.pipeline_mode<synchronous>, transform_indices = @transform_6, window_bounds = array<i64: 256>}, {transform_indices = @transform_7, window_bounds = array<i64: 2000, 256>}, {transform_indices = @transform_8, window_bounds = array<i64: 2, 2000, 128>}]} {
    %get3A = arith.constant 0 : index
    %get3A_0 = arith.constant 0 : index
    %get3A_1 = vector.load %arg1[%get3A, %get3A_0] : memref<2000x256xf32, #tpu.memory_space<vmem>>, vector<2000x256xf32>
    %get3A_2 = arith.constant 0 : index
    %get3A_3 = arith.constant 0 : index
    %get3A_4 = vector.load %arg4[%get3A_2, %get3A_3] : memref<1x256xf32, #tpu.memory_space<vmem>>, vector<1x256xf32>
    %mul3A = arith.constant 9.99999974E-5 : f32
    %mul3A_5 = vector.broadcast %mul3A : f32 to vector<1x256xf32>
    %mul3A_6 = arith.mulf %get3A_4, %mul3A_5 : vector<1x256xf32>
    %get3A_7 = arith.constant 0 : index
    %get3A_8 = arith.constant 0 : index
    %get3A_9 = vector.load %arg5[%get3A_7, %get3A_8] : memref<1x256xf32, #tpu.memory_space<vmem>>, vector<1x256xf32>
    %mul3A_10 = arith.constant 9.99999974E-5 : f32
    %mul3A_11 = vector.broadcast %mul3A_10 : f32 to vector<1x256xf32>
    %mul3A_12 = arith.mulf %get3A_9, %mul3A_11 : vector<1x256xf32>
    %mul3A_13 = arith.mulf %mul3A_6, %mul3A_6 : vector<1x256xf32>
    %sub3A = arith.subf %mul3A_12, %mul3A_13 : vector<1x256xf32>
    %get3A_14 = arith.constant 0 : index
    %get3A_15 = vector.load %arg6[%get3A_14] : memref<256xf32, #tpu.memory_space<vmem>>, vector<256xf32>
    %sub3A_16 = vector.broadcast %mul3A_6 : vector<1x256xf32> to vector<2000x256xf32>
    %sub3A_17 = arith.subf %get3A_1, %sub3A_16 : vector<2000x256xf32>
    %broadcast_in_dim3A = vector.shape_cast %get3A_15 : vector<256xf32> to vector<1x256xf32>
    %mul3A_18 = vector.broadcast %broadcast_in_dim3A : vector<1x256xf32> to vector<2000x256xf32>
    %mul3A_19 = arith.mulf %mul3A_18, %sub3A_17 : vector<2000x256xf32>
    %add3A = arith.constant 9.99999974E-6 : f32
    %add3A_20 = vector.broadcast %add3A : f32 to vector<1x256xf32>
    %add3A_21 = arith.addf %sub3A, %add3A_20 : vector<1x256xf32>
    %rsqrt3A = math.rsqrt %add3A_21 : vector<1x256xf32>
    %mul3A_22 = vector.broadcast %rsqrt3A : vector<1x256xf32> to vector<2000x256xf32>
    %mul3A_23 = arith.mulf %mul3A_19, %mul3A_22 : vector<2000x256xf32>
    %get3A_24 = arith.constant 0 : index
    %get3A_25 = vector.load %arg7[%get3A_24] : memref<256xf32, #tpu.memory_space<vmem>>, vector<256xf32>
    %broadcast_in_dim3A_26 = vector.shape_cast %get3A_25 : vector<256xf32> to vector<1x256xf32>
    %add3A_27 = vector.broadcast %broadcast_in_dim3A_26 : vector<1x256xf32> to vector<2000x256xf32>
    %add3A_28 = arith.addf %mul3A_23, %add3A_27 : vector<2000x256xf32>
    %max3A = arith.constant 0.000000e+00 : f32
    %max3A_29 = vector.broadcast %max3A : f32 to vector<2000x256xf32>
    %max3A_30 = arith.maximumf %add3A_28, %max3A_29 : vector<2000x256xf32>
    %get3A_31 = arith.constant 0 : index
    %get3A_32 = arith.constant 0 : index
    %get3A_33 = vector.load %arg2[%get3A_31, %get3A_32] : memref<2000x256xf32, #tpu.memory_space<vmem>>, vector<2000x256xf32>
    %add3A_34 = arith.addf %max3A_30, %get3A_33 : vector<2000x256xf32>
    %swap3A = arith.constant 0 : index
    %swap3A_35 = arith.constant 0 : index
    %swap3A_36 = vector.load %arg8[%swap3A, %swap3A_35] : memref<2000x256xf32, #tpu.memory_space<vmem>>, vector<2000x256xf32>
    tpu.vector_store %arg8[%swap3A, %swap3A_35], %add3A_34 {strides = array<i32>} : memref<2000x256xf32, #tpu.memory_space<vmem>>, vector<2000x256xf32>,
    %get3A_37 = arith.constant 0 : index
    %get3A_38 = arith.constant 0 : index
    %get3A_39 = arith.constant 0 : index
    %get3A_40 = vector.load %arg3[%get3A_37, %get3A_38, %get3A_39] : memref<2x2000x16xf32, #tpu.memory_space<vmem>>, vector<2x2000x16xf32>
    %slice3A = vector.extract_strided_slice %get3A_40 {offsets = [0, 0, 0], sizes = [1, 2000, 1], strides = [1, 1, 1]} : vector<2x2000x16xf32> to vector<1x2000x1xf32>
    %squeeze3A = vector.shape_cast %slice3A : vector<1x2000x1xf32> to vector<2000x1xf32>
    %slice3A_41 = vector.extract_strided_slice %get3A_40 {offsets = [1, 0, 0], sizes = [1, 2000, 1], strides = [1, 1, 1]} : vector<2x2000x16xf32> to vector<1x2000x1xf32>
    %squeeze3A_42 = vector.shape_cast %slice3A_41 : vector<1x2000x1xf32> to vector<2000x1xf32>
    %add3A_43 = arith.addf %squeeze3A, %squeeze3A_42 : vector<2000x1xf32>
    %sub3A_44 = arith.constant 1.000000e+00 : f32
    %sub3A_45 = vector.broadcast %sub3A_44 : f32 to vector<2000x1xf32>
    %sub3A_46 = arith.subf %add3A_43, %sub3A_45 : vector<2000x1xf32>
    %rsqrt3A_47 = math.rsqrt %sub3A_46 : vector<2000x1xf32>
    %mul3A_48 = vector.broadcast %rsqrt3A_47 : vector<2000x1xf32> to vector<2000x256xf32>
    %mul3A_49 = arith.mulf %add3A_34, %mul3A_48 : vector<2000x256xf32>
    %slice3A_50 = vector.extract_strided_slice %mul3A_49 {offsets = [0, 0], sizes = [2000, 128], strides = [1, 1]} : vector<2000x256xf32> to vector<2000x128xf32>
    %slice3A_51 = vector.extract_strided_slice %mul3A_49 {offsets = [0, 128], sizes = [2000, 128], strides = [1, 1]} : vector<2000x256xf32> to vector<2000x128xf32>
    %stack3A = vector.shape_cast %slice3A_50 : vector<2000x128xf32> to vector<1x2000x128xf32>
    %stack3A_52 = vector.shape_cast %slice3A_51 : vector<2000x128xf32> to vector<1x2000x128xf32>
    %stack3A_53 = tpu.concatenate %stack3A, %stack3A_52 in 0 : vector<1x2000x128xf32>, vector<1x2000x128xf32> -> vector<2x2000x128xf32>
    %swap3A_54 = arith.constant 0 : index
    %swap3A_55 = arith.constant 0 : index
    %swap3A_56 = arith.constant 0 : index
    %swap3A_57 = vector.load %arg9[%swap3A_54, %swap3A_55, %swap3A_56] : memref<2x2000x128xf32, #tpu.memory_space<vmem>>, vector<2x2000x128xf32>
    tpu.vector_store %arg9[%swap3A_54, %swap3A_55, %swap3A_56], %stack3A_53 {strides = array<i32>} : memref<2x2000x128xf32, #tpu.memory_space<vmem>>, vector<2x2000x128xf32>,
    return
  }
  func.func @transform_0(%arg0: i32) -> (i32, i32) {
    %c0_i32 = arith.constant 0 : i32
    %c0_i32_0 = arith.constant 0 : i32
    return %arg0, %c0_i32 : i32, i32
  }
  func.func @transform_1(%arg0: i32) -> (i32, i32) {
    %c0_i32 = arith.constant 0 : i32
    %c0_i32_0 = arith.constant 0 : i32
    return %arg0, %c0_i32 : i32, i32
  }
  func.func @transform_2(%arg0: i32) -> (i32, i32, i32) {
    %c0_i32 = arith.constant 0 : i32
    %c0_i32_0 = arith.constant 0 : i32
    %c0_i32_1 = arith.constant 0 : i32
    return %c0_i32, %arg0, %c0_i32_0 : i32, i32, i32
  }
  func.func @transform_3(%arg0: i32) -> (i32, i32) {
    %c0_i32 = arith.constant 0 : i32
    %c0_i32_0 = arith.constant 0 : i32
    %c0_i32_1 = arith.constant 0 : i32
    return %c0_i32, %c0_i32_0 : i32, i32
  }
  func.func @transform_4(%arg0: i32) -> (i32, i32) {
    %c0_i32 = arith.constant 0 : i32
    %c0_i32_0 = arith.constant 0 : i32
    %c0_i32_1 = arith.constant 0 : i32
    return %c0_i32, %c0_i32_0 : i32, i32
  }
  func.func @transform_5(%arg0: i32) -> i32 {
    %c0_i32 = arith.constant 0 : i32
    %c0_i32_0 = arith.constant 0 : i32
    return %c0_i32 : i32
  }
  func.func @transform_6(%arg0: i32) -> i32 {
    %c0_i32 = arith.constant 0 : i32
    %c0_i32_0 = arith.constant 0 : i32
    return %c0_i32 : i32
  }
  func.func @transform_7(%arg0: i32) -> (i32, i32) {
    %c0_i32 = arith.constant 0 : i32
    %c0_i32_0 = arith.constant 0 : i32
    return %arg0, %c0_i32 : i32, i32
  }
  func.func @transform_8(%arg0: i32) -> (i32, i32, i32) {
    %c0_i32 = arith.constant 0 : i32
    %c0_i32_0 = arith.constant 0 : i32
    %c0_i32_1 = arith.constant 0 : i32
    return %c0_i32, %arg0, %c0_i32_0 : i32, i32, i32
  }
}

module attributes {stable_mosaic.version = 14 : i64} {
  func.func @_a23_body(%arg0: i32, %arg1: memref<2x2000x128xf32, #tpu.memory_space<vmem>>, %arg2: memref<2x2000x16xf32, #tpu.memory_space<vmem>>, %arg3: memref<256x256xf32, #tpu.memory_space<vmem>>, %arg4: memref<256xf32, #tpu.memory_space<vmem>>, %arg5: memref<2000x256xf32, #tpu.memory_space<vmem>>, %arg6: memref<1x256xf32, #tpu.memory_space<vmem>>, %arg7: memref<1x256xf32, #tpu.memory_space<vmem>>) attributes {dimension_semantics = [#tpu.dimension_semantics<arbitrary>], iteration_bounds = array<i64: 5>, scalar_prefetch = 0 : i64, scratch_operands = 0 : i64, tpu.core_type = #tpu.core_type<tc>, window_params = [{transform_indices = @transform_0, window_bounds = array<i64: 2, 2000, 128>}, {transform_indices = @transform_1, window_bounds = array<i64: 2, 2000, 16>}, {pipeline_mode = #tpu.pipeline_mode<synchronous>, transform_indices = @transform_2, window_bounds = array<i64: 256, 256>}, {pipeline_mode = #tpu.pipeline_mode<synchronous>, transform_indices = @transform_3, window_bounds = array<i64: 256>}, {transform_indices = @transform_4, window_bounds = array<i64: 2000, 256>}, {pipeline_mode = #tpu.pipeline_mode<synchronous>, transform_indices = @transform_5, window_bounds = array<i64: 1, 256>}, {pipeline_mode = #tpu.pipeline_mode<synchronous>, transform_indices = @transform_6, window_bounds = array<i64: 1, 256>}]} {
    %get3A = arith.constant 0 : index
    %get3A_0 = arith.constant 0 : index
    %get3A_1 = arith.constant 0 : index
    %get3A_2 = vector.load %arg1[%get3A, %get3A_0, %get3A_1] : memref<2x2000x128xf32, #tpu.memory_space<vmem>>, vector<2x2000x128xf32>
    %get3A_3 = arith.constant 0 : index
    %get3A_4 = arith.constant 0 : index
    %get3A_5 = arith.constant 0 : index
    %get3A_6 = vector.load %arg2[%get3A_3, %get3A_4, %get3A_5] : memref<2x2000x16xf32, #tpu.memory_space<vmem>>, vector<2x2000x16xf32>
    %slice3A = vector.extract_strided_slice %get3A_6 {offsets = [0, 0, 0], sizes = [1, 2000, 1], strides = [1, 1, 1]} : vector<2x2000x16xf32> to vector<1x2000x1xf32>
    %squeeze3A = vector.shape_cast %slice3A : vector<1x2000x1xf32> to vector<2000x1xf32>
    %slice3A_7 = vector.extract_strided_slice %get3A_6 {offsets = [1, 0, 0], sizes = [1, 2000, 1], strides = [1, 1, 1]} : vector<2x2000x16xf32> to vector<1x2000x1xf32>
    %squeeze3A_8 = vector.shape_cast %slice3A_7 : vector<1x2000x1xf32> to vector<2000x1xf32>
    %add3A = arith.addf %squeeze3A, %squeeze3A_8 : vector<2000x1xf32>
    %sub3A = arith.constant 1.000000e+00 : f32
    %sub3A_9 = vector.broadcast %sub3A : f32 to vector<2000x1xf32>
    %sub3A_10 = arith.subf %add3A, %sub3A_9 : vector<2000x1xf32>
    %rsqrt3A = math.rsqrt %sub3A_10 : vector<2000x1xf32>
    %slice3A_11 = vector.extract_strided_slice %get3A_2 {offsets = [0, 0, 0], sizes = [1, 2000, 128], strides = [1, 1, 1]} : vector<2x2000x128xf32> to vector<1x2000x128xf32>
    %squeeze3A_12 = vector.shape_cast %slice3A_11 : vector<1x2000x128xf32> to vector<2000x128xf32>
    %slice3A_13 = vector.extract_strided_slice %get3A_2 {offsets = [1, 0, 0], sizes = [1, 2000, 128], strides = [1, 1, 1]} : vector<2x2000x128xf32> to vector<1x2000x128xf32>
    %squeeze3A_14 = vector.shape_cast %slice3A_13 : vector<1x2000x128xf32> to vector<2000x128xf32>
    %concatenate3A = tpu.concatenate %squeeze3A_12, %squeeze3A_14 in 1 : vector<2000x128xf32>, vector<2000x128xf32> -> vector<2000x256xf32>
    %mul3A = vector.broadcast %rsqrt3A : vector<2000x1xf32> to vector<2000x256xf32>
    %mul3A_15 = arith.mulf %mul3A, %concatenate3A : vector<2000x256xf32>
    %get3A_16 = arith.constant 0 : index
    %get3A_17 = arith.constant 0 : index
    %get3A_18 = vector.load %arg3[%get3A_16, %get3A_17] : memref<256x256xf32, #tpu.memory_space<vmem>>, vector<256x256xf32>
    %dot_general3A = arith.constant dense<0.000000e+00> : vector<2000x256xf32>
    %dot_general3A_19 = tpu.matmul %mul3A_15, %get3A_18, %dot_general3A {dimension_numbers = #tpu.dot_dimension_numbers<[1], [0], [0], [1], [0, 0, 1, 1], [], []>, transpose_lhs_hint = false} : vector<2000x256xf32>, vector<256x256xf32>, vector<2000x256xf32> -> vector<2000x256xf32>
    %get3A_20 = arith.constant 0 : index
    %get3A_21 = vector.load %arg4[%get3A_20] : memref<256xf32, #tpu.memory_space<vmem>>, vector<256xf32>
    %broadcast_in_dim3A = vector.shape_cast %get3A_21 : vector<256xf32> to vector<1x256xf32>
    %add3A_22 = vector.broadcast %broadcast_in_dim3A : vector<1x256xf32> to vector<2000x256xf32>
    %add3A_23 = arith.addf %dot_general3A_19, %add3A_22 : vector<2000x256xf32>
    %swap3A = arith.constant 0 : index
    %swap3A_24 = arith.constant 0 : index
    %swap3A_25 = vector.load %arg5[%swap3A, %swap3A_24] : memref<2000x256xf32, #tpu.memory_space<vmem>>, vector<2000x256xf32>
    tpu.vector_store %arg5[%swap3A, %swap3A_24], %add3A_23 {strides = array<i32>} : memref<2000x256xf32, #tpu.memory_space<vmem>>, vector<2000x256xf32>,
    %eq3A = arith.constant 0 : i32
    %eq3A_26 = arith.cmpi eq, %arg0, %eq3A : i32
    %convert_element_type3A = arith.extui %eq3A_26 : i1 to i32
    %cond3A = arith.constant 0 : i32
    %cond3A_27 = arith.cmpi ne, %convert_element_type3A, %cond3A : i32
    scf.if %cond3A_27 {
      %broadcast_in_dim3A_48 = arith.constant 0.000000e+00 : f32
      %broadcast_in_dim3A_49 = vector.broadcast %broadcast_in_dim3A_48 : f32 to vector<1x256xf32>
      %swap3A_50 = arith.constant 0 : index
      %swap3A_51 = arith.constant 0 : index
      %swap3A_52 = vector.load %arg6[%swap3A_50, %swap3A_51] : memref<1x256xf32, #tpu.memory_space<vmem>>, vector<1x256xf32>
      tpu.vector_store %arg6[%swap3A_50, %swap3A_51], %broadcast_in_dim3A_49 {strides = array<i32>} : memref<1x256xf32, #tpu.memory_space<vmem>>, vector<1x256xf32>,
      %broadcast_in_dim3A_53 = arith.constant 0.000000e+00 : f32
      %broadcast_in_dim3A_54 = vector.broadcast %broadcast_in_dim3A_53 : f32 to vector<1x256xf32>
      %swap3A_55 = arith.constant 0 : index
      %swap3A_56 = arith.constant 0 : index
      %swap3A_57 = vector.load %arg7[%swap3A_55, %swap3A_56] : memref<1x256xf32, #tpu.memory_space<vmem>>, vector<1x256xf32>
      tpu.vector_store %arg7[%swap3A_55, %swap3A_56], %broadcast_in_dim3A_54 {strides = array<i32>} : memref<1x256xf32, #tpu.memory_space<vmem>>, vector<1x256xf32>,
    } else {
    }
    %get3A_28 = arith.constant 0 : index
    %get3A_29 = arith.constant 0 : index
    %get3A_30 = vector.load %arg6[%get3A_28, %get3A_29] : memref<1x256xf32, #tpu.memory_space<vmem>>, vector<1x256xf32>
    %reduce_sum3A = arith.constant dense<0.000000e+00> : vector<256xf32>
    %reduce_sum3A_31 = vector.multi_reduction <add>, %add3A_23, %reduce_sum3A [0] : vector<2000x256xf32> to vector<256xf32>
    %broadcast_in_dim3A_32 = vector.shape_cast %reduce_sum3A_31 : vector<256xf32> to vector<1x256xf32>
    %add3A_33 = arith.addf %get3A_30, %broadcast_in_dim3A_32 : vector<1x256xf32>
    %swap3A_34 = arith.constant 0 : index
    %swap3A_35 = arith.constant 0 : index
    %swap3A_36 = vector.load %arg6[%swap3A_34, %swap3A_35] : memref<1x256xf32, #tpu.memory_space<vmem>>, vector<1x256xf32>
    tpu.vector_store %arg6[%swap3A_34, %swap3A_35], %add3A_33 {strides = array<i32>} : memref<1x256xf32, #tpu.memory_space<vmem>>, vector<1x256xf32>,
    %get3A_37 = arith.constant 0 : index
    %get3A_38 = arith.constant 0 : index
    %get3A_39 = vector.load %arg7[%get3A_37, %get3A_38] : memref<1x256xf32, #tpu.memory_space<vmem>>, vector<1x256xf32>
    %mul3A_40 = arith.mulf %add3A_23, %add3A_23 : vector<2000x256xf32>
    %reduce_sum3A_41 = arith.constant dense<0.000000e+00> : vector<256xf32>
    %reduce_sum3A_42 = vector.multi_reduction <add>, %mul3A_40, %reduce_sum3A_41 [0] : vector<2000x256xf32> to vector<256xf32>
    %broadcast_in_dim3A_43 = vector.shape_cast %reduce_sum3A_42 : vector<256xf32> to vector<1x256xf32>
    %add3A_44 = arith.addf %get3A_39, %broadcast_in_dim3A_43 : vector<1x256xf32>
    %swap3A_45 = arith.constant 0 : index
    %swap3A_46 = arith.constant 0 : index
    %swap3A_47 = vector.load %arg7[%swap3A_45, %swap3A_46] : memref<1x256xf32, #tpu.memory_space<vmem>>, vector<1x256xf32>
    tpu.vector_store %arg7[%swap3A_45, %swap3A_46], %add3A_44 {strides = array<i32>} : memref<1x256xf32, #tpu.memory_space<vmem>>, vector<1x256xf32>,
    return
  }
  func.func @transform_0(%arg0: i32) -> (i32, i32, i32) {
    %c0_i32 = arith.constant 0 : i32
    %c0_i32_0 = arith.constant 0 : i32
    %c0_i32_1 = arith.constant 0 : i32
    return %c0_i32, %arg0, %c0_i32_0 : i32, i32, i32
  }
  func.func @transform_1(%arg0: i32) -> (i32, i32, i32) {
    %c0_i32 = arith.constant 0 : i32
    %c0_i32_0 = arith.constant 0 : i32
    %c0_i32_1 = arith.constant 0 : i32
    return %c0_i32, %arg0, %c0_i32_0 : i32, i32, i32
  }
  func.func @transform_2(%arg0: i32) -> (i32, i32) {
    %c0_i32 = arith.constant 0 : i32
    %c0_i32_0 = arith.constant 0 : i32
    %c0_i32_1 = arith.constant 0 : i32
    return %c0_i32, %c0_i32_0 : i32, i32
  }
  func.func @transform_3(%arg0: i32) -> i32 {
    %c0_i32 = arith.constant 0 : i32
    %c0_i32_0 = arith.constant 0 : i32
    return %c0_i32 : i32
  }
  func.func @transform_4(%arg0: i32) -> (i32, i32) {
    %c0_i32 = arith.constant 0 : i32
    %c0_i32_0 = arith.constant 0 : i32
    return %arg0, %c0_i32 : i32, i32
  }
  func.func @transform_5(%arg0: i32) -> (i32, i32) {
    %c0_i32 = arith.constant 0 : i32
    %c0_i32_0 = arith.constant 0 : i32
    %c0_i32_1 = arith.constant 0 : i32
    return %c0_i32, %c0_i32_0 : i32, i32
  }
  func.func @transform_6(%arg0: i32) -> (i32, i32) {
    %c0_i32 = arith.constant 0 : i32
    %c0_i32_0 = arith.constant 0 : i32
    %c0_i32_1 = arith.constant 0 : i32
    return %c0_i32, %c0_i32_0 : i32, i32
  }
}

module attributes {stable_mosaic.version = 14 : i64} {
  func.func @body(%arg0: i32, %arg1: memref<2000x256xf32, #tpu.memory_space<vmem>>, %arg2: memref<2000x256xf32, #tpu.memory_space<vmem>>, %arg3: memref<2x2000x16xf32, #tpu.memory_space<vmem>>, %arg4: memref<1x256xf32, #tpu.memory_space<vmem>>, %arg5: memref<1x256xf32, #tpu.memory_space<vmem>>, %arg6: memref<256xf32, #tpu.memory_space<vmem>>, %arg7: memref<256xf32, #tpu.memory_space<vmem>>, %arg8: memref<2000x256xf32, #tpu.memory_space<vmem>>) attributes {dimension_semantics = [#tpu.dimension_semantics<arbitrary>], iteration_bounds = array<i64: 5>, scalar_prefetch = 0 : i64, scratch_operands = 0 : i64, tpu.core_type = #tpu.core_type<tc>, window_params = [{transform_indices = @transform_0, window_bounds = array<i64: 2000, 256>}, {transform_indices = @transform_1, window_bounds = array<i64: 2000, 256>}, {transform_indices = @transform_2, window_bounds = array<i64: 2, 2000, 16>}, {pipeline_mode = #tpu.pipeline_mode<synchronous>, transform_indices = @transform_3, window_bounds = array<i64: 1, 256>}, {pipeline_mode = #tpu.pipeline_mode<synchronous>, transform_indices = @transform_4, window_bounds = array<i64: 1, 256>}, {pipeline_mode = #tpu.pipeline_mode<synchronous>, transform_indices = @transform_5, window_bounds = array<i64: 256>}, {pipeline_mode = #tpu.pipeline_mode<synchronous>, transform_indices = @transform_6, window_bounds = array<i64: 256>}, {transform_indices = @transform_7, window_bounds = array<i64: 2000, 256>}]} {
    %get3A = arith.constant 0 : index
    %get3A_0 = arith.constant 0 : index
    %get3A_1 = vector.load %arg1[%get3A, %get3A_0] : memref<2000x256xf32, #tpu.memory_space<vmem>>, vector<2000x256xf32>
    %get3A_2 = arith.constant 0 : index
    %get3A_3 = arith.constant 0 : index
    %get3A_4 = vector.load %arg4[%get3A_2, %get3A_3] : memref<1x256xf32, #tpu.memory_space<vmem>>, vector<1x256xf32>
    %mul3A = arith.constant 9.99999974E-5 : f32
    %mul3A_5 = vector.broadcast %mul3A : f32 to vector<1x256xf32>
    %mul3A_6 = arith.mulf %get3A_4, %mul3A_5 : vector<1x256xf32>
    %get3A_7 = arith.constant 0 : index
    %get3A_8 = arith.constant 0 : index
    %get3A_9 = vector.load %arg5[%get3A_7, %get3A_8] : memref<1x256xf32, #tpu.memory_space<vmem>>, vector<1x256xf32>
    %mul3A_10 = arith.constant 9.99999974E-5 : f32
    %mul3A_11 = vector.broadcast %mul3A_10 : f32 to vector<1x256xf32>
    %mul3A_12 = arith.mulf %get3A_9, %mul3A_11 : vector<1x256xf32>
    %mul3A_13 = arith.mulf %mul3A_6, %mul3A_6 : vector<1x256xf32>
    %sub3A = arith.subf %mul3A_12, %mul3A_13 : vector<1x256xf32>
    %get3A_14 = arith.constant 0 : index
    %get3A_15 = vector.load %arg6[%get3A_14] : memref<256xf32, #tpu.memory_space<vmem>>, vector<256xf32>
    %sub3A_16 = vector.broadcast %mul3A_6 : vector<1x256xf32> to vector<2000x256xf32>
    %sub3A_17 = arith.subf %get3A_1, %sub3A_16 : vector<2000x256xf32>
    %broadcast_in_dim3A = vector.shape_cast %get3A_15 : vector<256xf32> to vector<1x256xf32>
    %mul3A_18 = vector.broadcast %broadcast_in_dim3A : vector<1x256xf32> to vector<2000x256xf32>
    %mul3A_19 = arith.mulf %mul3A_18, %sub3A_17 : vector<2000x256xf32>
    %add3A = arith.constant 9.99999974E-6 : f32
    %add3A_20 = vector.broadcast %add3A : f32 to vector<1x256xf32>
    %add3A_21 = arith.addf %sub3A, %add3A_20 : vector<1x256xf32>
    %rsqrt3A = math.rsqrt %add3A_21 : vector<1x256xf32>
    %mul3A_22 = vector.broadcast %rsqrt3A : vector<1x256xf32> to vector<2000x256xf32>
    %mul3A_23 = arith.mulf %mul3A_19, %mul3A_22 : vector<2000x256xf32>
    %get3A_24 = arith.constant 0 : index
    %get3A_25 = vector.load %arg7[%get3A_24] : memref<256xf32, #tpu.memory_space<vmem>>, vector<256xf32>
    %broadcast_in_dim3A_26 = vector.shape_cast %get3A_25 : vector<256xf32> to vector<1x256xf32>
    %add3A_27 = vector.broadcast %broadcast_in_dim3A_26 : vector<1x256xf32> to vector<2000x256xf32>
    %add3A_28 = arith.addf %mul3A_23, %add3A_27 : vector<2000x256xf32>
    %max3A = arith.constant 0.000000e+00 : f32
    %max3A_29 = vector.broadcast %max3A : f32 to vector<2000x256xf32>
    %max3A_30 = arith.maximumf %add3A_28, %max3A_29 : vector<2000x256xf32>
    %get3A_31 = arith.constant 0 : index
    %get3A_32 = arith.constant 0 : index
    %get3A_33 = vector.load %arg2[%get3A_31, %get3A_32] : memref<2000x256xf32, #tpu.memory_space<vmem>>, vector<2000x256xf32>
    %add3A_34 = arith.addf %max3A_30, %get3A_33 : vector<2000x256xf32>
    %swap3A = arith.constant 0 : index
    %swap3A_35 = arith.constant 0 : index
    %swap3A_36 = vector.load %arg8[%swap3A, %swap3A_35] : memref<2000x256xf32, #tpu.memory_space<vmem>>, vector<2000x256xf32>
    tpu.vector_store %arg8[%swap3A, %swap3A_35], %add3A_34 {strides = array<i32>} : memref<2000x256xf32, #tpu.memory_space<vmem>>, vector<2000x256xf32>,
    return
  }
  func.func @transform_0(%arg0: i32) -> (i32, i32) {
    %c0_i32 = arith.constant 0 : i32
    %c0_i32_0 = arith.constant 0 : i32
    return %arg0, %c0_i32 : i32, i32
  }
  func.func @transform_1(%arg0: i32) -> (i32, i32) {
    %c0_i32 = arith.constant 0 : i32
    %c0_i32_0 = arith.constant 0 : i32
    return %arg0, %c0_i32 : i32, i32
  }
  func.func @transform_2(%arg0: i32) -> (i32, i32, i32) {
    %c0_i32 = arith.constant 0 : i32
    %c0_i32_0 = arith.constant 0 : i32
    %c0_i32_1 = arith.constant 0 : i32
    return %c0_i32, %arg0, %c0_i32_0 : i32, i32, i32
  }
  func.func @transform_3(%arg0: i32) -> (i32, i32) {
    %c0_i32 = arith.constant 0 : i32
    %c0_i32_0 = arith.constant 0 : i32
    %c0_i32_1 = arith.constant 0 : i32
    return %c0_i32, %c0_i32_0 : i32, i32
  }
  func.func @transform_4(%arg0: i32) -> (i32, i32) {
    %c0_i32 = arith.constant 0 : i32
    %c0_i32_0 = arith.constant 0 : i32
    %c0_i32_1 = arith.constant 0 : i32
    return %c0_i32, %c0_i32_0 : i32, i32
  }
  func.func @transform_5(%arg0: i32) -> i32 {
    %c0_i32 = arith.constant 0 : i32
    %c0_i32_0 = arith.constant 0 : i32
    return %c0_i32 : i32
  }
  func.func @transform_6(%arg0: i32) -> i32 {
    %c0_i32 = arith.constant 0 : i32
    %c0_i32_0 = arith.constant 0 : i32
    return %c0_i32 : i32
  }
  func.func @transform_7(%arg0: i32) -> (i32, i32) {
    %c0_i32 = arith.constant 0 : i32
    %c0_i32_0 = arith.constant 0 : i32
    return %arg0, %c0_i32 : i32, i32
  }
}

</mosaic_0001>

<sc_bundles>
// kernel: kernel.13.cloned.1.call-start
scs
__scs_entry_jumppad:
0x0: {  	(pc) =	sbr.rel $0x88, $3  }
0x1: {  	(tag) =	ssettag $0x0;
	lr =	simm.s32 $0x1  }
0x2: {  	[smem:$0x3F91] =	sst lr;
	_ =	strace $0xD0000000  }
0x3: {  	_ = 	snop  }
0x4: {  	_ = 	snop  }
0x5: {  	_ = 	snop  }
0x6: {  	_ = 	snop  }
0x7: {  	_ = 	snop  }
__scs_overlays_trampoline_lowered:
0x8: {  	[smem:$0x3FA0] =	sst s0  }
0x9: {  	[smem:$0x3FA1] =	sst s1  }
0xa: {  	[smem:$0x3FA2] =	sst s2  }
0xb: {  	[smem:$0x3FA3] =	sst s3  }
0xc: {  	[smem:$0x3FA4] =	sst s4  }
0xd: {  	[smem:$0x3FA5] =	sst s5  }
0xe: {  	[smem:$0x3FA6] =	sst s6  }
0xf: {  	[smem:$0x3FA7] =	sst s7  }
0x10: {  	[smem:$0x3FA8] =	sst s8  }
0x11: {  	[smem:$0x3FA9] =	sst s9;
	s0 =	simm.s32 @!p0 $0x0  }
0x12: {  	s1 =	sld [smem:$0x3F8F];
	s0 =	simm.s32 @p0 $0x1  }
0x13: {  	[smem:$0x3FAA] =	sst s0;
	s0 =	simm.s32 @!p1 $0x0  }
0x14: {  	s2 =	sld [smem:$0x3F8E];
	s0 =	simm.s32 @p1 $0x1  }
0x15: {  	[smem:$0x3FAB] =	sst s0;
	s0 =	simm.s32 @!p2 $0x0  }
0x16: {  	s3 =	sld [smem:$0x3FDB];
	s0 =	simm.s32 @p2 $0x1  }
0x17: {  	s4 =	simm.s32 $0x1BF5;
	[smem:$0x3FAD] =	sst s0  }
0x18: {  	s0 =	sld [smem:$0x3F90];
	_ =	swait.ge [sflag:s4], $0x0  }
0x19: {  	s7 =	sld [smem:$0x3F91]  }
0x1a: {  	s8 =	sadd.s32 $0xFFFFE003, lr  }
0x1b: {  	s9 =	sadd.s32 $0xFFFFFEF7, lr;
	s5 =	simm.s32 $0xFFFFFFFF;
	p2 =	slt.u32 s8, $0xFFFFF086  }
0x1c: {  	p1 =	slt.u32 s9, $0xF7A;
	s5 =	simm.s32 @!p2 $0x0  }
0x1d: {  	s5 =	simm.s32 @p1 $0x1;
	p0 =	seq.s32 s7, s2  }
0x1e: {  	s7 =	smul.u32 @!p0 $0xF7A, s2;
	p2 =	seq.s32 @!p0 s5, $0x0  }
0x1f: {  	s9 =	smul.u32 $0xF7A, s1;
	s8 =	simm.s32 @!p0 $0x1BF5;
	p2 =	por !p2, p0  }
0x20: {  	[sflag:s8] =	ssyncset.s32 @!p0 $0xFFFFF086;
	s6 =	sadd.s32 @!p0 s3, s7;
	s7 =	simm.s32 @!p0 $0x108  }
0x21: {  	s3 =	sadd.s32 s3, s9;
	s6 =	sadd.s32 @!p0 $0x88, s6;
	s7 =	simm.s32 @p2 $0x1082  }
0x22: {  	[simem:s7], [sflag:s8] =	dma.local @!p0 [hbm:s6], $0xF7A  }
0x23: {  	s9 =	sor.u32 $0xD0000000, s2;
	s6 =	simm.s32 $0x108;
	_ =	swait.ge @!p0 [sflag:s8], $0x0  }
0x24: {  	s3 =	sadd.s32 $0x88, s3;
	s6 =	simm.s32 @!p1 $0x1082;
	[sflag:s4] =	ssyncset.s32 $0xFFFFF086  }
0x25: {  	[simem:s6], [sflag:s4] =	dma.local [hbm:s3], $0xF7A  }
0x26: {  	[smem:$0x3F91] =	sst s1;
	(tag) =	ssettag s2;
	_ =	strace s9  }
0x27: {  	s1 =	sld [smem:$0x3FA1]  }
0x28: {  	s2 =	sld [smem:$0x3FA2]  }
0x29: {  	s4 =	sld [smem:$0x3FA4]  }
0x2a: {  	p0 =	seq.s32 s5, $0x0;
	s5 =	sld [smem:$0x3FA5]  }
0x2b: {  	s6 =	sld [smem:$0x3FA6]  }
0x2c: {  	s7 =	sld [smem:$0x3FA7]  }
0x2d: {  	s3 =	simm.s32 $0x108;
	s8 =	sld [smem:$0x3FA8]  }
0x2e: {  	s3 =	simm.s32 @!p0 $0x1082;
	s9 =	sld [smem:$0x3FA9]  }
0x2f: {  	lr =	sadd.s32 s0, s3;
	s0 =	sld [smem:$0x3FA0]  }
0x30: {  	s3 =	sld [smem:$0x3FA3]  }
0x31: {  	[smem:$0x3FAC] =	sst s10  }
0x32: {  	s10 =	sld [smem:$0x3FAA];
	_ =	sdelay $0x3  }
0x33: {  	p0 =	seq.s32 s10, $0x1;
	s10 =	sld [smem:$0x3FAC];
	_ =	sdelay $0x3  }
0x34: {  	[smem:$0x3FAC] =	sst s10  }
0x35: {  	s10 =	sld [smem:$0x3FAB];
	_ =	sdelay $0x3  }
0x36: {  	p1 =	seq.s32 s10, $0x1;
	s10 =	sld [smem:$0x3FAC];
	_ =	sdelay $0x3  }
0x37: {  	[smem:$0x3FAC] =	sst s10  }
0x38: {  	s10 =	sld [smem:$0x3FAD]  }
0x39: {  	_ = 	snop;
	(pc) =	sbr.ind lr, $3  }
0x3a: {  	_ = 	snop  }
0x3b: {  	_ = 	snop  }
0x3c: {  	p2 =	seq.s32 s10, $0x1;
	s10 =	sld [smem:$0x3FAC]  }
0x3d: {  	_ =	shalt  }
0x3e: {  	_ =	shalt  }
0x3f: {  	_ =	shalt  }
0x40: {  	_ =	shalt  }
0x41: {  	_ =	shalt  }
0x42: {  	_ =	shalt  }
0x43: {  	_ =	shalt  }
0x44: {  	_ =	shalt  }
0x45: {  	_ =	shalt  }
0x46: {  	_ =	shalt  }
0x47: {  	_ =	shalt  }
0x48: {  	_ =	shalt  }
0x49: {  	_ =	shalt  }
0x4a: {  	_ =	shalt  }
0x4b: {  	_ =	shalt  }
0x4c: {  	_ =	shalt  }
0x4d: {  	_ =	shalt  }
0x4e: {  	_ =	shalt  }
0x4f: {  	_ =	shalt  }
0x50: {  	_ =	shalt  }
0x51: {  	_ =	shalt  }
0x52: {  	_ =	shalt  }
0x53: {  	_ =	shalt  }
0x54: {  	_ =	shalt  }
0x55: {  	_ =	shalt  }
0x56: {  	_ =	shalt  }
0x57: {  	_ =	shalt  }
0x58: {  	_ =	shalt  }
0x59: {  	_ =	shalt  }
0x5a: {  	_ =	shalt  }
0x5b: {  	_ =	shalt  }
0x5c: {  	_ =	shalt  }
0x5d: {  	_ =	shalt  }
0x5e: {  	_ =	shalt  }
0x5f: {  	_ =	shalt  }
0x60: {  	_ =	shalt  }
0x61: {  	_ =	shalt  }
0x62: {  	_ =	shalt  }
0x63: {  	_ =	shalt  }
0x64: {  	_ =	shalt  }
0x65: {  	_ =	shalt  }
0x66: {  	_ =	shalt  }
0x67: {  	_ =	shalt  }
0x68: {  	_ =	shalt  }
0x69: {  	_ =	shalt  }
0x6a: {  	_ =	shalt  }
0x6b: {  	_ =	shalt  }
0x6c: {  	_ =	shalt  }
0x6d: {  	_ =	shalt  }
0x6e: {  	_ =	shalt  }
0x6f: {  	_ =	shalt  }
0x70: {  	_ =	shalt  }
0x71: {  	_ =	shalt  }
0x72: {  	_ =	shalt  }
0x73: {  	_ =	shalt  }
0x74: {  	_ =	shalt  }
0x75: {  	_ =	shalt  }
0x76: {  	_ =	shalt  }
0x77: {  	_ =	shalt  }
0x78: {  	_ =	shalt  }
0x79: {  	_ =	shalt  }
0x7a: {  	_ =	shalt  }
0x7b: {  	_ =	shalt  }
0x7c: {  	_ =	shalt  }
0x7d: {  	_ =	shalt  }
0x7e: {  	_ =	shalt  }
0x7f: {  	_ =	shalt  }
0x80: {  	_ =	shalt  }
0x81: {  	_ =	shalt  }
0x82: {  	_ =	shalt  }
0x83: {  	_ =	shalt  }
0x84: {  	_ =	shalt  }
0x85: {  	_ =	shalt  }
0x86: {  	_ =	shalt  }
0x87: {  	_ =	shalt  }
.Lfunc_end0:
.L_simem_size_0:
called_computation_lowered:
.L_overlay_start_0:
0x88: {  	s2 =	sld [smem:$0x3FD9]  }
0x89: {  	s3 =	sld [smem:$0x3FFE];
	_ =	sdelay $0x1  }
0x8a: {  	s1 =	srdreg.scid  }
0x8b: {  	s0 =	sand.u32 $0x1, s1  }
0x8c: {  	s14 =	sshll.u32 s0, $0xA;
	s2 =	sadd.s32 s3, s2  }
0x8d: {  	s2 =	sadd.s32 s2, s14  }
0x8e: {  	[smem:$0x3FB8] =	sst s2  }
0x8f: {  	_ = 	snop  }
0x90: {  	s2 =	sld [smem:$0x3FD0];
	_ =	sdelay $0x2  }
0x91: {  	s15 =	simm.s32 $0xA;
	s4 =	simm.s32 $0x10  }
0x92: {  	[smem:s4], [sflag:s15] =	dma.local [hbm:s2], $0x1  }
0x93: {  	_ =	swait.eq [sflag:s15], $0x1  }
0x94: {  	[sflag:s15] =	ssyncset.done $0x0  }
0x95: {  	[sflag:s15] =	ssyncadd.s32 $0xFFFFFFFF  }
0x96: {  	s16 =	sld [smem:$0x11];
	(tm) =	ssettm $0x1  }
0x97: {  	s17 =	sld [smem:$0x3FFB];
	_ =	sdelay $0x3  }
0x98: {  	_ =	strace s17  }
0x99: {  	s3 =	sld [smem:$0x3FFC];
	_ =	sdelay $0x3  }
0x9a: {  	_ =	strace s3  }
0x9b: {  	s3 =	sld [smem:$0x3FFD];
	_ =	sdelay $0x3  }
0x9c: {  	_ =	strace s3  }
0x9d: {  	_ =	strace $0x8FFFFFFF  }
0x9e: {  	s18 =	sld [smem:$0x3FDB];
	_ =	sdelay $0x1  }
0x9f: {  	s19 =	simm.s32 $_scs_section_size  }
0xa0: {  	s5 =	simm.s32 $_size__tile_overlayer_lowered;
	s6 =	simm.s32 $_tile_overlayer_lowered  }
0xa1: {  	s22 =	simm.s32 $0x1BFF;
	s21 =	sshll.u32 s6, $0x1;
	s3 =	sadd.s32 s19, s18  }
0xa2: {  	s7 =	simm.s32 $0x0;
	s20 =	sshll.u32 s5, $0x1;
	s5 =	sadd.s32 s21, s3  }
0xa3: {  	[timem:s7], [sflag:s22] =	dma.local [hbm:s5], s20  }
0xa4: {  	_ =	swait.ge [sflag:s22], s20  }
0xa5: {  	s4 =	ssub.s32 $0x0, s20;
	[sflag:s22] =	ssyncset.done $0x0  }
0xa6: {  	[sflag:s22] =	ssyncadd.s32 s4;
	_ =	sdelay $0x1  }
0xa7: {  	s23 =	simm.s32 $0x1B8B  }
0xa8: {  	_ =	swait.ge [sflag:s23], $0x1  }
0xa9: {  	[sflag:s23] =	ssyncset.done $0x0  }
0xaa: {  	s25 =	simm.s32 $0x1B8E;
	s24 =	sld [smem:$0x3FFE];
	[sflag:s23] =	ssyncadd.s32 $0xFFFFFFFF  }
0xab: {  	s26 =	simm.s32 $execute0_lowered;
	[smem:$0x3FD2] =	sst s25  }
0xac: {  	s5 =	sshll.u32 s26, $0x1;
	_ =	strace $0x80000046;
	[dreg:$0x1] =	wrdreg $0xFFFFFFFF  }
0xad: {  	s28 =	simm.s32 $_size_execute0_lowered;
	s3 =	sadd.s32 s3, s5;
	[dreg:$0x0] =	wrdreg $0x0  }
0xae: {  	s5 =	sshll.u32 s28, $0x1;
	[dreg:$0x2] =	wrdreg s3  }
0xaf: {  	[dreg:$0x3] =	wrdreg s5  }
0xb0: {  	[dreg:$0x4] =	wrdreg $0xC0  }
0xb1: {  	_ =	task [dreg:s7], $0x5FFFF  }
0xb2: {  	[dreg:$0x1] =	wrdreg $0xFFFFFFFF  }
0xb3: {  	[dreg:$0x0] =	wrdreg $0x60  }
0xb4: {  	[dreg:$0x2] =	wrdreg s16  }
0xb5: {  	[dreg:$0x3] =	wrdreg s24  }
0xb6: {  	[dreg:$0x4] =	wrdreg $0x68000  }
0xb7: {  	[dreg:$0x5] =	wrdreg $0x9  }
0xb8: {  	_ =	task.clear_ibuf [dreg:s7], $0x6FFFF;
	_ =	strace $0x90000046  }
0xb9: {  	s29 =	simm.s32 $0x9;
	_ =	strace $0x80000048  }
0xba: {  	_ =	swait.ge [sflag:s29], $0x1  }
0xbb: {  	[sflag:s29] =	ssyncadd.s32 $0xFFFFFFFF  }
0xbc: {  	_ =	strace $0x90000048  }
0xbd: {  	_ =	sfence  }
0xbe: {  	s30 =	sld [smem:$0x0];
	_ =	sdelay $0x2  }
0xbf: {  	s31 =	sshll.u32 s1, $0xD;
	s1 =	sshrl.u32 s1, $0x2  }
0xc0: {  	s3 =	sand.u32 $0x4000, s31;
	s1 =	sadd.s32 s1, s30  }
0xc1: {  	s0 =	sor.u32 s3, s0;
	s1 =	sshll.u32 s1, $0x11  }
0xc2: {  	s0 =	sor.u32 s1, s0  }
0xc3: {  	s0 =	sadd.s32 $0x8F2B, s0  }
0xc4: {  	[sflag:s0] =	ssyncadd.remote.s32 $0x1  }
0xc5: {  	_ =	sfence.sel $0xFFFF  }
0xc6: {  	[dreg:$0x0] =	wrdreg $0xFFFFFFFF;
	(pc) =	sbr.abs _section_cstart, $3  }
0xc7: {  	[dreg:$0x1] =	wrdreg $0xFFFFFFFF  }
0xc8: {  	_ =	task.clear_ibuf [dreg:s7], $0x2FFFF;
	_ =	strace $0x9FFFFFFF  }
0xc9: {  	(tm) =	ssettm $0x7FFFFFFF  }
tec
execute0_lowered:
.L_overlay_start_1:
0x0: {  	(tag) =	ssettag $0x1  }
0x1: {  	s4 =	rddreg [dreg:$0x0]  }
0x2: {  	s5 =	rddreg [dreg:$0x1]  }
0x3: {  	s0 =	srdreg.scid;
	s2 =	rddreg [dreg:$0x2]  }
0x4: {  	s1 =	rddreg [dreg:$0x3];
	s6 =	sand.u32 $0x1, s0  }
0x5: {  	s0 =	stileid.u32;
	s7 =	smul.u32 $0x13C000, s6  }
0x6: {  	s3 =	simm.s32 $0x0;
	s13 =	simm.s32 $0x2800;
	s8 =	smul.u32 $0x13C00, s0  }
0x7: {  	s14 =	simm.s32 $0x80;
	[smem:$0x7FF] =	sst s3;
	s9 =	smul.u32 $0x28000, s6  }
0x8: {  	s26 =	smul.u32 $0x2800, s0;
	_ =	strace $0x80000047;
	s28 =	ssub.s32 $0x2, s6  }
0x9: {  	s10 =	smul.u32 $0x4F000, s0;
	s15 =	sshll.u32 s0, $0x6;
	s30 =	sshrl.u32 s28, $0x1  }
0xa: {  	s15 =	sor.u32 $0x1C01, s15;
	s7 =	sadd.s32 s8, s7;
	s29 =	sadd.s32 s26, s9  }
0xb: {  	s31 =	sshrl.u32 s10, $0x2;
	s12 =	ssub.s32 s28, s30;
	s7 =	sshrl.u32 s7, $0x3  }
0xc: {  	s6 =	sshrl.u32 s29, $0x3;
	s11 =	sadd.s32 s7, s5;
	s5 =	sadd.s32 s31, s2  }
0xd: {  	s4 =	sadd.s32 s4, s6;
	s6 =	sadd.s32 $0x4000, s5;
	s7 =	sadd.s32 $0x8000, s5  }
0xe: {  	s8 =	sadd.s32 $0xC000, s5;
	s9 =	sadd.s32 $0x10000, s5;
	s10 =	sadd.s32 $0x6000, s11  }
0xf: {  	v0 =	vimm.f32 $1.000000000e+00;
	s11 =	smax.u32 s12, $0x1;
	s12 =	simm.s32 $0x1;
	s16 =	sshrl.u32 s5, $0x3  }
.LBB2_1:
0x10: {  	s17 =	simm.s32 $0x200;
	s18 =	simm.s32 $0x0  }
.LBB2_2:
0x11: {  	p0 =	sne.s32 s17, $0xFE00;
	[tilespmem:s18+$0x2800] =	vst v0;
	s18 =	smov.u32 s17;
	s17 =	sadd.s32 $0x200, s17  }
.Ltmp0:
0x12: {  	(pc) =	sbr.rel @p0 .LBB2_2-.Ltmp0, $2  }
0x13: {  	_ =	sdelay $0x2  }
0x14: {  	s18 =	sshra.s32 s18, $0x2  }
0x15: {  	[tilespmem:s18+$0x2800] =	vst v0;
	s17 =	simm.s32 $0x0  }
0x16: {  	[tilespmem:s17], [sflag:$0x1] =	stream.linear.gather [hbm4b:s4+s17], $0x2800, $0x38;
	[tilespmem:$0x8F80] =	vst v63  }
0x17: {  	_ =	swait.ge [sflag:s12], $0x2800  }
0x18: {  	[sflag:s12] =	ssyncset.done $0x0  }
0x19: {  	[sflag:s12] =	ssyncadd.s32 $0xFFFFD800  }
0x1a: {  	[spmem:s5] =	stream.linear.scatter [tilespmem:s13], [sflag:$0x1], $0x4000, $0x38;
	[tilespmem:$0x8F80] =	vst v63  }
0x1b: {  	_ =	swait.ge [sflag:s12], $0x4000  }
0x1c: {  	[sflag:s12] =	ssyncset.done $0x0  }
0x1d: {  	[sflag:s12] =	ssyncadd.s32 $0xFFFFC000  }
0x1e: {  	[spmem:s6] =	stream.linear.scatter [tilespmem:s13], [sflag:$0x1], $0x4000, $0x38;
	[tilespmem:$0x8F80] =	vst v63  }
0x1f: {  	_ =	swait.ge [sflag:s12], $0x4000  }
0x20: {  	[sflag:s12] =	ssyncset.done $0x0  }
0x21: {  	[sflag:s12] =	ssyncadd.s32 $0xFFFFC000  }
0x22: {  	[spmem:s7] =	stream.linear.scatter [tilespmem:s13], [sflag:$0x1], $0x4000, $0x38;
	[tilespmem:$0x8F80] =	vst v63  }
0x23: {  	_ =	swait.ge [sflag:s12], $0x4000  }
0x24: {  	[sflag:s12] =	ssyncset.done $0x0  }
0x25: {  	[sflag:s12] =	ssyncadd.s32 $0xFFFFC000  }
0x26: {  	[spmem:s8] =	stream.linear.scatter [tilespmem:s13], [sflag:$0x1], $0x4000, $0x38;
	[tilespmem:$0x8F80] =	vst v63  }
0x27: {  	_ =	swait.ge [sflag:s12], $0x4000  }
0x28: {  	[sflag:s12] =	ssyncset.done $0x0  }
0x29: {  	[sflag:s12] =	ssyncadd.s32 $0xFFFFC000  }
0x2a: {  	[spmem:s9] =	stream.linear.scatter [tilespmem:s13], [sflag:$0x1], $0x3C00, $0x38;
	[tilespmem:$0x8F80] =	vst v63  }
0x2b: {  	_ =	swait.ge [sflag:s12], $0x3C00  }
0x2c: {  	[sflag:s12] =	ssyncset.done $0x0  }
0x2d: {  	[sflag:s12] =	ssyncadd.s32 $0xFFFFC400  }
0x2e: {  	s31 =	simm.s32 $0x0;
	[bflag:$0x0] =	sbarrier.arrive $0xFFFF  }
0x2f: {  	[spmem:s2] =	stream.indirect.scatter.add.f32 [tilespmem:s13], [sflag:$0x1], $0x10, s31, s14, $0xb8;
	[tilespmem:$0x8F80] =	vst v63  }
0x30: {  	_ =	swait.ge [sflag:s12], $0x800  }
0x31: {  	s17 =	simm.s32 $0x200;
	[sflag:s12] =	ssyncset.done $0x0  }
.LBB2_4:
0x32: {  	s18 =	sshra.s32 s17, $0x2;
	[sflag:s12] =	ssyncadd.s32 $0xFFFFF800;
	p0 =	sne.s32 s17, $0x9E00  }
0x33: {  	[spmem:s2] =	stream.indirect.scatter.add.f32 [tilespmem:s13], [sflag:$0x1], $0x10, s18, s14, $0xb8;
	[tilespmem:$0x8F80] =	vst v63  }
.Ltmp1:
0x34: {  	_ = 	snop;
	(pc) =	sbr.rel @p0 .LBB2_4-.Ltmp1, $4  }
0x35: {  	_ = 	snop  }
0x36: {  	s17 =	sadd.s32 $0x200, s17  }
0x37: {  	_ =	swait.ge [sflag:s12], $0x800  }
0x38: {  	[sflag:s12] =	ssyncset.done $0x0  }
0x39: {  	s3 =	sadd.s32 $0x1, s3  }
0x3a: {  	[sflag:s12] =	ssyncadd.s32 $0xFFFFF800;
	p0 =	sne.s32 s3, s11  }
.Ltmp2:
0x3b: {  	[bflag:$0x0] =	sbarrier.arrive $0xFFFF;
	(pc) =	sbr.rel @p0 .LBB2_1-.Ltmp2, $4  }
0x3c: {  	[hbm:s10], [sflag:s15] =	dma.local [spmem:s16], $0x2780  }
0x3d: {  	_ =	swait.ge [sflag:s12], $0x2780  }
0x3e: {  	[sflag:s12] =	ssyncset.done $0x0  }
0x3f: {  	[sflag:s12] =	ssyncadd.s32 $0xFFFFD880  }
0x40: {  	_ =	sfence.sel $0x180000  }
0x41: {  	[bflag:$0x0] =	sbarrier.arrive $0xFFFF  }
0x42: {  	p0 =	sne.s32 s0, $0x0;
	_ =	strace $0x90000047  }
0x43: {  	s0 =	sadd.s32 @!p0 $0x100000, s1;
	[bflag:$0x2] =	sbarrier.arrive $0xFFFF  }
0x44: {  	[sflag:s0] =	ssyncadd.tile.s32 @!p0 $0x1;
	_ =	shalt  }
.Lfunc_end2:
_tile_overlayer_lowered:
.L_overlay_start_2:
0x45: {  	(tag) =	ssettag $0x2  }
0x46: {  	s0 =	rddreg [dreg:$0x0];
	s2 =	stileid.u32  }
0x47: {  	s1 =	rddreg [dreg:$0x1];
	p0 =	sne.s32 s2, $0x0  }
0x48: {  	s3 =	rddreg [dreg:$0x2];
	[bflag:$0x3] =	sbarrier.arrive $0xFFFF;
	s2 =	simm.s32 @!p0 $0x1C01  }
0x49: {  	[timem:s3], [sflag:s2] =	dma.local @!p0 [hbm:s0], s1  }
0x4a: {  	s0 =	simm.s32 @!p0 $0x1  }
0x4b: {  	_ =	swait.ge @!p0 [sflag:s0], s1  }
0x4c: {  	s1 =	ssub.s32 @!p0 $0x0, s1;
	[sflag:s0] =	ssyncset.done @!p0 $0x0  }
0x4d: {  	[sflag:s0] =	ssyncadd.s32 @!p0 s1  }
0x4e: {  	[bflag:$0x3] =	sbarrier.arrive $0xFFFF  }
0x4f: {  	_ =	shalt  }

// kernel: kernel.16.cloned.1.call-start
scs
__scs_entry_jumppad:
0x0: {  	(pc) =	sbr.rel $0x88, $3  }
0x1: {  	(tag) =	ssettag $0x0;
	lr =	simm.s32 $0x1  }
0x2: {  	[smem:$0x3F91] =	sst lr;
	_ =	strace $0xD0000000  }
0x3: {  	_ = 	snop  }
0x4: {  	_ = 	snop  }
0x5: {  	_ = 	snop  }
0x6: {  	_ = 	snop  }
0x7: {  	_ = 	snop  }
__scs_overlays_trampoline_lowered:
0x8: {  	[smem:$0x3FA0] =	sst s0  }
0x9: {  	[smem:$0x3FA1] =	sst s1  }
0xa: {  	[smem:$0x3FA2] =	sst s2  }
0xb: {  	[smem:$0x3FA3] =	sst s3  }
0xc: {  	[smem:$0x3FA4] =	sst s4  }
0xd: {  	[smem:$0x3FA5] =	sst s5  }
0xe: {  	[smem:$0x3FA6] =	sst s6  }
0xf: {  	[smem:$0x3FA7] =	sst s7  }
0x10: {  	[smem:$0x3FA8] =	sst s8  }
0x11: {  	[smem:$0x3FA9] =	sst s9;
	s0 =	simm.s32 @!p0 $0x0  }
0x12: {  	s1 =	sld [smem:$0x3F8F];
	s0 =	simm.s32 @p0 $0x1  }
0x13: {  	[smem:$0x3FAA] =	sst s0;
	s0 =	simm.s32 @!p1 $0x0  }
0x14: {  	s2 =	sld [smem:$0x3F8E];
	s0 =	simm.s32 @p1 $0x1  }
0x15: {  	[smem:$0x3FAB] =	sst s0;
	s0 =	simm.s32 @!p2 $0x0  }
0x16: {  	s3 =	sld [smem:$0x3FDB];
	s0 =	simm.s32 @p2 $0x1  }
0x17: {  	s4 =	simm.s32 $0x1BF5;
	[smem:$0x3FAD] =	sst s0  }
0x18: {  	s0 =	sld [smem:$0x3F90];
	_ =	swait.ge [sflag:s4], $0x0  }
0x19: {  	s7 =	sld [smem:$0x3F91]  }
0x1a: {  	s8 =	sadd.s32 $0xFFFFE003, lr  }
0x1b: {  	s9 =	sadd.s32 $0xFFFFFEF7, lr;
	s5 =	simm.s32 $0xFFFFFFFF;
	p2 =	slt.u32 s8, $0xFFFFF086  }
0x1c: {  	p1 =	slt.u32 s9, $0xF7A;
	s5 =	simm.s32 @!p2 $0x0  }
0x1d: {  	s5 =	simm.s32 @p1 $0x1;
	p0 =	seq.s32 s7, s2  }
0x1e: {  	s7 =	smul.u32 @!p0 $0xF7A, s2;
	p2 =	seq.s32 @!p0 s5, $0x0  }
0x1f: {  	s9 =	smul.u32 $0xF7A, s1;
	s8 =	simm.s32 @!p0 $0x1BF5;
	p2 =	por !p2, p0  }
0x20: {  	[sflag:s8] =	ssyncset.s32 @!p0 $0xFFFFF086;
	s6 =	sadd.s32 @!p0 s3, s7;
	s7 =	simm.s32 @!p0 $0x108  }
0x21: {  	s3 =	sadd.s32 s3, s9;
	s6 =	sadd.s32 @!p0 $0x88, s6;
	s7 =	simm.s32 @p2 $0x1082  }
0x22: {  	[simem:s7], [sflag:s8] =	dma.local @!p0 [hbm:s6], $0xF7A  }
0x23: {  	s9 =	sor.u32 $0xD0000000, s2;
	s6 =	simm.s32 $0x108;
	_ =	swait.ge @!p0 [sflag:s8], $0x0  }
0x24: {  	s3 =	sadd.s32 $0x88, s3;
	s6 =	simm.s32 @!p1 $0x1082;
	[sflag:s4] =	ssyncset.s32 $0xFFFFF086  }
0x25: {  	[simem:s6], [sflag:s4] =	dma.local [hbm:s3], $0xF7A  }
0x26: {  	[smem:$0x3F91] =	sst s1;
	(tag) =	ssettag s2;
	_ =	strace s9  }
0x27: {  	s1 =	sld [smem:$0x3FA1]  }
0x28: {  	s2 =	sld [smem:$0x3FA2]  }
0x29: {  	s4 =	sld [smem:$0x3FA4]  }
0x2a: {  	p0 =	seq.s32 s5, $0x0;
	s5 =	sld [smem:$0x3FA5]  }
0x2b: {  	s6 =	sld [smem:$0x3FA6]  }
0x2c: {  	s7 =	sld [smem:$0x3FA7]  }
0x2d: {  	s3 =	simm.s32 $0x108;
	s8 =	sld [smem:$0x3FA8]  }
0x2e: {  	s3 =	simm.s32 @!p0 $0x1082;
	s9 =	sld [smem:$0x3FA9]  }
0x2f: {  	lr =	sadd.s32 s0, s3;
	s0 =	sld [smem:$0x3FA0]  }
0x30: {  	s3 =	sld [smem:$0x3FA3]  }
0x31: {  	[smem:$0x3FAC] =	sst s10  }
0x32: {  	s10 =	sld [smem:$0x3FAA];
	_ =	sdelay $0x3  }
0x33: {  	p0 =	seq.s32 s10, $0x1;
	s10 =	sld [smem:$0x3FAC];
	_ =	sdelay $0x3  }
0x34: {  	[smem:$0x3FAC] =	sst s10  }
0x35: {  	s10 =	sld [smem:$0x3FAB];
	_ =	sdelay $0x3  }
0x36: {  	p1 =	seq.s32 s10, $0x1;
	s10 =	sld [smem:$0x3FAC];
	_ =	sdelay $0x3  }
0x37: {  	[smem:$0x3FAC] =	sst s10  }
0x38: {  	s10 =	sld [smem:$0x3FAD]  }
0x39: {  	_ = 	snop;
	(pc) =	sbr.ind lr, $3  }
0x3a: {  	_ = 	snop  }
0x3b: {  	_ = 	snop  }
0x3c: {  	p2 =	seq.s32 s10, $0x1;
	s10 =	sld [smem:$0x3FAC]  }
0x3d: {  	_ =	shalt  }
0x3e: {  	_ =	shalt  }
0x3f: {  	_ =	shalt  }
0x40: {  	_ =	shalt  }
0x41: {  	_ =	shalt  }
0x42: {  	_ =	shalt  }
0x43: {  	_ =	shalt  }
0x44: {  	_ =	shalt  }
0x45: {  	_ =	shalt  }
0x46: {  	_ =	shalt  }
0x47: {  	_ =	shalt  }
0x48: {  	_ =	shalt  }
0x49: {  	_ =	shalt  }
0x4a: {  	_ =	shalt  }
0x4b: {  	_ =	shalt  }
0x4c: {  	_ =	shalt  }
0x4d: {  	_ =	shalt  }
0x4e: {  	_ =	shalt  }
0x4f: {  	_ =	shalt  }
0x50: {  	_ =	shalt  }
0x51: {  	_ =	shalt  }
0x52: {  	_ =	shalt  }
0x53: {  	_ =	shalt  }
0x54: {  	_ =	shalt  }
0x55: {  	_ =	shalt  }
0x56: {  	_ =	shalt  }
0x57: {  	_ =	shalt  }
0x58: {  	_ =	shalt  }
0x59: {  	_ =	shalt  }
0x5a: {  	_ =	shalt  }
0x5b: {  	_ =	shalt  }
0x5c: {  	_ =	shalt  }
0x5d: {  	_ =	shalt  }
0x5e: {  	_ =	shalt  }
0x5f: {  	_ =	shalt  }
0x60: {  	_ =	shalt  }
0x61: {  	_ =	shalt  }
0x62: {  	_ =	shalt  }
0x63: {  	_ =	shalt  }
0x64: {  	_ =	shalt  }
0x65: {  	_ =	shalt  }
0x66: {  	_ =	shalt  }
0x67: {  	_ =	shalt  }
0x68: {  	_ =	shalt  }
0x69: {  	_ =	shalt  }
0x6a: {  	_ =	shalt  }
0x6b: {  	_ =	shalt  }
0x6c: {  	_ =	shalt  }
0x6d: {  	_ =	shalt  }
0x6e: {  	_ =	shalt  }
0x6f: {  	_ =	shalt  }
0x70: {  	_ =	shalt  }
0x71: {  	_ =	shalt  }
0x72: {  	_ =	shalt  }
0x73: {  	_ =	shalt  }
0x74: {  	_ =	shalt  }
0x75: {  	_ =	shalt  }
0x76: {  	_ =	shalt  }
0x77: {  	_ =	shalt  }
0x78: {  	_ =	shalt  }
0x79: {  	_ =	shalt  }
0x7a: {  	_ =	shalt  }
0x7b: {  	_ =	shalt  }
0x7c: {  	_ =	shalt  }
0x7d: {  	_ =	shalt  }
0x7e: {  	_ =	shalt  }
0x7f: {  	_ =	shalt  }
0x80: {  	_ =	shalt  }
0x81: {  	_ =	shalt  }
0x82: {  	_ =	shalt  }
0x83: {  	_ =	shalt  }
0x84: {  	_ =	shalt  }
0x85: {  	_ =	shalt  }
0x86: {  	_ =	shalt  }
0x87: {  	_ =	shalt  }
.Lfunc_end0:
.L_simem_size_0:
called_computation.1_lowered:
.L_overlay_start_0:
0x88: {  	s2 =	sld [smem:$0x3FD9]  }
0x89: {  	s3 =	sld [smem:$0x3FFE];
	_ =	sdelay $0x1  }
0x8a: {  	s1 =	srdreg.scid  }
0x8b: {  	s0 =	sand.u32 $0x1, s1  }
0x8c: {  	s14 =	sshll.u32 s0, $0xA;
	s2 =	sadd.s32 s3, s2  }
0x8d: {  	s2 =	sadd.s32 s2, s14  }
0x8e: {  	[smem:$0x3FB8] =	sst s2  }
0x8f: {  	_ = 	snop  }
0x90: {  	s2 =	sld [smem:$0x3FD0];
	_ =	sdelay $0x2  }
0x91: {  	s15 =	simm.s32 $0xA;
	s4 =	simm.s32 $0x10  }
0x92: {  	[smem:s4], [sflag:s15] =	dma.local [hbm:s2], $0x1  }
0x93: {  	_ =	swait.eq [sflag:s15], $0x1  }
0x94: {  	s16 =	sld [smem:$0x10];
	[sflag:s15] =	ssyncset.done $0x0  }
0x95: {  	s17 =	sld [smem:$0x11];
	[sflag:s15] =	ssyncadd.s32 $0xFFFFFFFF  }
0x96: {  	s18 =	sld [smem:$0x12];
	(tm) =	ssettm $0x1  }
0x97: {  	s5 =	sld [smem:$0x3FFB];
	_ =	sdelay $0x3  }
0x98: {  	_ =	strace s5  }
0x99: {  	s5 =	sld [smem:$0x3FFC];
	_ =	sdelay $0x3  }
0x9a: {  	_ =	strace s5  }
0x9b: {  	s5 =	sld [smem:$0x3FFD];
	_ =	sdelay $0x3  }
0x9c: {  	_ =	strace s5  }
0x9d: {  	_ =	strace $0x8FFFFFFF  }
0x9e: {  	s19 =	sld [smem:$0x3FDB];
	_ =	sdelay $0x1  }
0x9f: {  	s6 =	simm.s32 $_scs_section_size  }
0xa0: {  	s7 =	simm.s32 $_size__tile_overlayer_lowered;
	s8 =	simm.s32 $_tile_overlayer_lowered  }
0xa1: {  	s22 =	simm.s32 $0x1BFF;
	s21 =	sshll.u32 s8, $0x1;
	s5 =	sadd.s32 s6, s19  }
0xa2: {  	s9 =	simm.s32 $0x0;
	s20 =	sshll.u32 s7, $0x1;
	s7 =	sadd.s32 s21, s5  }
0xa3: {  	[timem:s9], [sflag:s22] =	dma.local [hbm:s7], s20  }
0xa4: {  	_ =	swait.ge [sflag:s22], s20  }
0xa5: {  	s6 =	ssub.s32 $0x0, s20;
	[sflag:s22] =	ssyncset.done $0x0  }
0xa6: {  	[sflag:s22] =	ssyncadd.s32 s6;
	_ =	sdelay $0x1  }
0xa7: {  	s23 =	simm.s32 $0x1B8B  }
0xa8: {  	_ =	swait.ge [sflag:s23], $0x1  }
0xa9: {  	[sflag:s23] =	ssyncset.done $0x0  }
0xaa: {  	s25 =	simm.s32 $0x1B8E;
	s24 =	sld [smem:$0x3FFE];
	[sflag:s23] =	ssyncadd.s32 $0xFFFFFFFF  }
0xab: {  	s26 =	simm.s32 $execute0_lowered;
	[smem:$0x3FD2] =	sst s25  }
0xac: {  	s7 =	sshll.u32 s26, $0x1;
	_ =	strace $0x80000049;
	[dreg:$0x1] =	wrdreg $0xFFFFFFFF  }
0xad: {  	s28 =	simm.s32 $_size_execute0_lowered;
	s5 =	sadd.s32 s5, s7;
	[dreg:$0x0] =	wrdreg $0x0  }
0xae: {  	s7 =	sshll.u32 s28, $0x1;
	[dreg:$0x2] =	wrdreg s5  }
0xaf: {  	[dreg:$0x3] =	wrdreg s7  }
0xb0: {  	[dreg:$0x4] =	wrdreg $0xC0  }
0xb1: {  	_ =	task [dreg:s9], $0x5FFFF  }
0xb2: {  	[dreg:$0x1] =	wrdreg $0xFFFFFFFF  }
0xb3: {  	[dreg:$0x0] =	wrdreg $0x60  }
0xb4: {  	[dreg:$0x2] =	wrdreg s18  }
0xb5: {  	[dreg:$0x3] =	wrdreg s16  }
0xb6: {  	[dreg:$0x4] =	wrdreg s17  }
0xb7: {  	[dreg:$0x5] =	wrdreg s24  }
0xb8: {  	[dreg:$0x6] =	wrdreg $0xA8000  }
0xb9: {  	[dreg:$0x7] =	wrdreg $0x9  }
0xba: {  	_ =	task.clear_ibuf [dreg:s9], $0x8FFFF;
	_ =	strace $0x90000049  }
0xbb: {  	s29 =	simm.s32 $0x9;
	_ =	strace $0x8000004B  }
0xbc: {  	_ =	swait.ge [sflag:s29], $0x1  }
0xbd: {  	[sflag:s29] =	ssyncadd.s32 $0xFFFFFFFF  }
0xbe: {  	_ =	strace $0x9000004B  }
0xbf: {  	_ =	sfence  }
0xc0: {  	s30 =	sld [smem:$0x0];
	_ =	sdelay $0x2  }
0xc1: {  	s31 =	sshll.u32 s1, $0xD;
	s1 =	sshrl.u32 s1, $0x2  }
0xc2: {  	s3 =	sand.u32 $0x4000, s31;
	s1 =	sadd.s32 s1, s30  }
0xc3: {  	s0 =	sor.u32 s3, s0;
	s1 =	sshll.u32 s1, $0x11  }
0xc4: {  	s0 =	sor.u32 s1, s0  }
0xc5: {  	s0 =	sadd.s32 $0x8F2B, s0  }
0xc6: {  	[sflag:s0] =	ssyncadd.remote.s32 $0x1  }
0xc7: {  	_ =	sfence.sel $0xFFFF  }
0xc8: {  	[dreg:$0x0] =	wrdreg $0xFFFFFFFF;
	(pc) =	sbr.abs _section_cstart, $3  }
0xc9: {  	[dreg:$0x1] =	wrdreg $0xFFFFFFFF  }
0xca: {  	_ =	task.clear_ibuf [dreg:s9], $0x2FFFF;
	_ =	strace $0x9FFFFFFF  }
0xcb: {  	(tm) =	ssettm $0x7FFFFFFF  }
tec
execute0_lowered:
.L_overlay_start_1:
0x0: {  	(tag) =	ssettag $0x1  }
0x1: {  	s1 =	rddreg [dreg:$0x0]  }
0x2: {  	s11 =	rddreg [dreg:$0x1]  }
0x3: {  	s12 =	rddreg [dreg:$0x2]  }
0x4: {  	s2 =	srdreg.scid;
	s5 =	rddreg [dreg:$0x3]  }
0x5: {  	s0 =	stileid.u32;
	s3 =	rddreg [dreg:$0x4];
	s4 =	simm.s32 $0x0  }
0x6: {  	s16 =	simm.s32 $0x40;
	s17 =	simm.s32 $0x2800;
	s18 =	simm.s32 $0x4800  }
0x7: {  	s19 =	simm.s32 $0x80;
	s20 =	simm.s32 $0x6800;
	s21 =	simm.s32 $0xC0  }
0x8: {  	s22 =	simm.s32 $0x8800;
	s23 =	simm.s32 $0x1;
	s24 =	simm.s32 $0x2  }
0x9: {  	s25 =	simm.s32 $0x2700;
	s28 =	simm.s32 $0x0;
	s7 =	smul.u32 $0x13C00, s0  }
0xa: {  	s6 =	sand.u32 $0x1, s2;
	s2 =	rddreg [dreg:$0x5];
	s9 =	smul.u32 $0x4F000, s0  }
0xb: {  	[smem:$0x7FF] =	sst s4;
	s13 =	smul.u32 $0x2800, s0;
	s30 =	sshll.u32 s0, $0x6  }
0xc: {  	s8 =	smul.u32 $0x13C000, s6;
	_ =	strace $0x8000004A;
	s26 =	ssub.s32 $0x2, s6  }
0xd: {  	s6 =	smul.u32 $0x28000, s6;
	s10 =	sshrl.u32 s26, $0x1;
	s9 =	sshrl.u32 s9, $0x2  }
0xe: {  	s29 =	sshrl.u32 s7, $0x3;
	s8 =	sadd.s32 s7, s8;
	s10 =	ssub.s32 s26, s10  }
0xf: {  	s14 =	sadd.s32 s9, s3;
	s31 =	sadd.s32 s13, s6;
	s6 =	sor.u32 $0x1C03, s30  }
0x10: {  	s26 =	simm.s32 $0x2780;
	s8 =	sshrl.u32 s8, $0x3;
	s13 =	sshrl.u32 s31, $0x3  }
0x11: {  	s8 =	sadd.s32 s8, s5;
	s5 =	sadd.s32 s1, s29;
	s9 =	sadd.s32 s11, s13  }
0x12: {  	s15 =	sadd.s32 $0x280, s13;
	s7 =	sadd.s32 $0x55000, s8;
	s8 =	smax.u32 s10, $0x1  }
0x13: {  	s10 =	sadd.s32 s12, s13;
	s11 =	sadd.s32 s11, s15;
	s12 =	sadd.s32 s12, s15  }
0x14: {  	s13 =	sshrl.u32 s14, $0x3;
	s14 =	simm.s32 $0x3;
	s15 =	simm.s32 $0x1400  }
.LBB2_1:
0x15: {  	[spmem:s13], [sflag:s6] =	dma.local [hbm:s5], $0x2780  }
0x16: {  	_ =	swait.ge [sflag:s14], $0x2780  }
0x17: {  	[sflag:s14] =	ssyncset.done $0x0  }
0x18: {  	[sflag:s14] =	ssyncadd.s32 $0xFFFFD880  }
0x19: {  	[bflag:$0x0] =	sbarrier.arrive $0xFFFF  }
0x1a: {  	[tilespmem:s4], [sflag:$0x3] =	stream.linear.gather [hbm4b:s9+s4], $0x1400, $0x38;
	[tilespmem:$0x1E400] =	vst v63  }
0x1b: {  	_ =	swait.ge [sflag:s14], $0x1400  }
0x1c: {  	[sflag:s14] =	ssyncset.done $0x0  }
0x1d: {  	[sflag:s14] =	ssyncadd.s32 $0xFFFFEC00  }
0x1e: {  	[tilespmem:s15], [sflag:$0x3] =	stream.linear.gather [hbm4b:s10+s4], $0x1400, $0x38;
	[tilespmem:$0x1E400] =	vst v63  }
0x1f: {  	_ =	swait.ge [sflag:s14], $0x1400  }
0x20: {  	[sflag:s14] =	ssyncset.done $0x0  }
0x21: {  	[sflag:s14] =	ssyncadd.s32 $0xFFFFEC00  }
0x22: {  	[tilespmem:s17], [sflag:$0x1] =	stream.indirect.gather [hbm4b:s1+s16], $0x80, s4, s16, $0xb8;
	[tilespmem:$0x1E400] =	vst v63  }
0x23: {  	_ = 	snop  }
0x24: {  	[tilespmem:s18], [sflag:$0x1] =	stream.indirect.gather [hbm4b:s1+s16], $0x80, s16, s16, $0xb8;
	[tilespmem:$0x1E400] =	vst v63  }
0x25: {  	_ = 	snop  }
0x26: {  	[tilespmem:s20], [sflag:$0x2] =	stream.indirect.gather [hbm4b:s1+s16], $0x80, s19, s16, $0xb8;
	[tilespmem:$0x1E400] =	vst v63  }
0x27: {  	_ = 	snop  }
0x28: {  	[tilespmem:s22], [sflag:$0x2] =	stream.indirect.gather [hbm4b:s1+s16], $0x80, s21, s16, $0xb8;
	[tilespmem:$0x1E400] =	vst v63  }
0x29: {  	_ =	swait.ge [sflag:s23], $0x2000  }
0x2a: {  	[sflag:s23] =	ssyncset.done $0x0  }
0x2b: {  	[sflag:s23] =	ssyncadd.s32 $0xFFFFE000  }
0x2c: {  	_ =	swait.ge [sflag:s23], $0x2000  }
0x2d: {  	[sflag:s23] =	ssyncset.done $0x0  }
0x2e: {  	s29 =	simm.s32 $0x100;
	[sflag:s23] =	ssyncadd.s32 $0xFFFFE000  }
0x2f: {  	[tilespmem:s17], [sflag:$0x1] =	stream.indirect.gather [hbm4b:s1+s16], $0x80, s29, s16, $0xb8;
	[tilespmem:$0x1E400] =	vst v63  }
0x30: {  	s29 =	simm.s32 $0x140  }
0x31: {  	[tilespmem:s18], [sflag:$0x1] =	stream.indirect.gather [hbm4b:s1+s16], $0x80, s29, s16, $0xb8;
	[tilespmem:$0x1E400] =	vst v63  }
0x32: {  	s29 =	simm.s32 $0x1400  }
0x33: {  	[spmem:s3] =	stream.indirect.scatter.add.f32 [tilespmem:s17], [sflag:$0x3], $0x80, s29, s19, $0xb8;
	[tilespmem:$0x1E400] =	vst v63  }
0x34: {  	_ =	swait.ge [sflag:s14], $0x4000  }
0x35: {  	[sflag:s14] =	ssyncset.done $0x0  }
0x36: {  	[sflag:s14] =	ssyncadd.s32 $0xFFFFC000  }
0x37: {  	_ =	swait.ge [sflag:s24], $0x2000  }
0x38: {  	[sflag:s24] =	ssyncset.done $0x0  }
0x39: {  	[sflag:s24] =	ssyncadd.s32 $0xFFFFE000  }
0x3a: {  	_ =	swait.ge [sflag:s24], $0x2000  }
0x3b: {  	[sflag:s24] =	ssyncset.done $0x0  }
0x3c: {  	s29 =	simm.s32 $0x180;
	[sflag:s24] =	ssyncadd.s32 $0xFFFFE000  }
0x3d: {  	[tilespmem:s20], [sflag:$0x2] =	stream.indirect.gather [hbm4b:s1+s16], $0x80, s29, s16, $0xb8;
	[tilespmem:$0x1E400] =	vst v63  }
0x3e: {  	s29 =	simm.s32 $0x1C0  }
0x3f: {  	[tilespmem:s22], [sflag:$0x2] =	stream.indirect.gather [hbm4b:s1+s16], $0x80, s29, s16, $0xb8;
	[tilespmem:$0x1E400] =	vst v63  }
0x40: {  	s29 =	simm.s32 $0x1480  }
0x41: {  	[spmem:s3] =	stream.indirect.scatter.add.f32 [tilespmem:s20], [sflag:$0x3], $0x80, s29, s19, $0xb8;
	[tilespmem:$0x1E400] =	vst v63  }
0x42: {  	_ =	swait.ge [sflag:s14], $0x4000  }
0x43: {  	s29 =	simm.s32 $0x400;
	[sflag:s14] =	ssyncset.done $0x0  }
.LBB2_2:
0x44: {  	p0 =	sne.s32 s29, $0x4800  }
0x45: {  	[sflag:s14] =	ssyncadd.s32 $0xFFFFC000;
	s30 =	smov.u32 s29;
	s29 =	sadd.s32 $0x400, s29  }
0x46: {  	_ = 	snop  }
0x47: {  	_ =	swait.ge [sflag:s23], $0x2000  }
0x48: {  	[sflag:s23] =	ssyncset.done $0x0  }
0x49: {  	[sflag:s23] =	ssyncadd.s32 $0xFFFFE000  }
0x4a: {  	_ =	swait.ge [sflag:s23], $0x2000  }
0x4b: {  	s30 =	sshra.s32 s30, $0x2;
	[sflag:s23] =	ssyncset.done $0x0  }
0x4c: {  	s31 =	sadd.s32 $0x100, s30;
	[sflag:s23] =	ssyncadd.s32 $0xFFFFE000  }
0x4d: {  	[tilespmem:s17], [sflag:$0x1] =	stream.indirect.gather [hbm4b:s1+s16], $0x80, s31, s16, $0xb8;
	[tilespmem:$0x1E400] =	vst v63  }
0x4e: {  	s31 =	sadd.s32 $0x140, s30  }
0x4f: {  	[tilespmem:s18], [sflag:$0x1] =	stream.indirect.gather [hbm4b:s1+s16], $0x80, s31, s16, $0xb8;
	[tilespmem:$0x1E400] =	vst v63  }
0x50: {  	s31 =	sadd.s32 $0x1400, s30  }
0x51: {  	[spmem:s3] =	stream.indirect.scatter.add.f32 [tilespmem:s17], [sflag:$0x3], $0x80, s31, s19, $0xb8;
	[tilespmem:$0x1E400] =	vst v63  }
0x52: {  	_ =	swait.ge [sflag:s14], $0x4000  }
0x53: {  	[sflag:s14] =	ssyncset.done $0x0  }
0x54: {  	[sflag:s14] =	ssyncadd.s32 $0xFFFFC000  }
0x55: {  	_ =	swait.ge [sflag:s24], $0x2000  }
0x56: {  	[sflag:s24] =	ssyncset.done $0x0  }
0x57: {  	[sflag:s24] =	ssyncadd.s32 $0xFFFFE000  }
0x58: {  	_ =	swait.ge [sflag:s24], $0x2000  }
0x59: {  	[sflag:s24] =	ssyncset.done $0x0  }
0x5a: {  	s31 =	sadd.s32 $0x180, s30;
	[sflag:s24] =	ssyncadd.s32 $0xFFFFE000  }
0x5b: {  	[tilespmem:s20], [sflag:$0x2] =	stream.indirect.gather [hbm4b:s1+s16], $0x80, s31, s16, $0xb8;
	[tilespmem:$0x1E400] =	vst v63  }
0x5c: {  	s31 =	sadd.s32 $0x1C0, s30  }
0x5d: {  	[tilespmem:s22], [sflag:$0x2] =	stream.indirect.gather [hbm4b:s1+s16], $0x80, s31, s16, $0xb8;
	[tilespmem:$0x1E400] =	vst v63  }
.Ltmp0:
0x5e: {  	_ = 	snop;
	(pc) =	sbr.rel @p0 .LBB2_2-.Ltmp0, $4  }
0x5f: {  	s30 =	sadd.s32 $0x1480, s30  }
0x60: {  	[spmem:s3] =	stream.indirect.scatter.add.f32 [tilespmem:s20], [sflag:$0x3], $0x80, s30, s19, $0xb8;
	[tilespmem:$0x1E400] =	vst v63  }
0x61: {  	_ =	swait.ge [sflag:s14], $0x4000  }
0x62: {  	[sflag:s14] =	ssyncset.done $0x0  }
0x63: {  	[sflag:s14] =	ssyncadd.s32 $0xFFFFC000  }
0x64: {  	_ =	swait.ge [sflag:s23], $0x2000  }
0x65: {  	[sflag:s23] =	ssyncset.done $0x0  }
0x66: {  	[sflag:s23] =	ssyncadd.s32 $0xFFFFE000  }
0x67: {  	_ =	swait.ge [sflag:s23], $0x2000  }
0x68: {  	[sflag:s23] =	ssyncset.done $0x0  }
0x69: {  	[sflag:s23] =	ssyncadd.s32 $0xFFFFE000  }
0x6a: {  	[spmem:s3] =	stream.indirect.scatter.add.f32 [tilespmem:s17], [sflag:$0x3], $0x80, s25, s19, $0xb8;
	[tilespmem:$0x1E400] =	vst v63  }
0x6b: {  	_ =	swait.ge [sflag:s14], $0x4000  }
0x6c: {  	[sflag:s14] =	ssyncset.done $0x0  }
0x6d: {  	[sflag:s14] =	ssyncadd.s32 $0xFFFFC000  }
0x6e: {  	_ =	swait.ge [sflag:s24], $0x2000  }
0x6f: {  	[sflag:s24] =	ssyncset.done $0x0  }
0x70: {  	[sflag:s24] =	ssyncadd.s32 $0xFFFFE000  }
0x71: {  	_ =	swait.ge [sflag:s24], $0x2000  }
0x72: {  	[sflag:s24] =	ssyncset.done $0x0  }
0x73: {  	[sflag:s24] =	ssyncadd.s32 $0xFFFFE000  }
0x74: {  	[spmem:s3] =	stream.indirect.scatter.add.f32 [tilespmem:s20], [sflag:$0x3], $0x80, s26, s19, $0xb8;
	[tilespmem:$0x1E400] =	vst v63  }
0x75: {  	_ =	swait.ge [sflag:s14], $0x4000  }
0x76: {  	[sflag:s14] =	ssyncset.done $0x0  }
0x77: {  	s29 =	simm.s32 $0x0;
	[sflag:s14] =	ssyncadd.s32 $0xFFFFC000  }
0x78: {  	[tilespmem:s29], [sflag:$0x3] =	stream.linear.gather [hbm4b:s11+s29], $0x1400, $0x38;
	[tilespmem:$0x1E400] =	vst v63  }
0x79: {  	_ =	swait.ge [sflag:s14], $0x1400  }
0x7a: {  	[sflag:s14] =	ssyncset.done $0x0  }
0x7b: {  	[sflag:s14] =	ssyncadd.s32 $0xFFFFEC00  }
0x7c: {  	[tilespmem:s15], [sflag:$0x3] =	stream.linear.gather [hbm4b:s12+s29], $0x1400, $0x38;
	[tilespmem:$0x1E400] =	vst v63  }
0x7d: {  	_ =	swait.ge [sflag:s14], $0x1400  }
0x7e: {  	[sflag:s14] =	ssyncset.done $0x0  }
0x7f: {  	[sflag:s14] =	ssyncadd.s32 $0xFFFFEC00  }
0x80: {  	[tilespmem:s17], [sflag:$0x1] =	stream.indirect.gather [hbm4b:s1+s16], $0x80, s29, s16, $0xb8;
	[tilespmem:$0x1E400] =	vst v63  }
0x81: {  	_ = 	snop  }
0x82: {  	[tilespmem:s18], [sflag:$0x1] =	stream.indirect.gather [hbm4b:s1+s16], $0x80, s16, s16, $0xb8;
	[tilespmem:$0x1E400] =	vst v63  }
0x83: {  	_ = 	snop  }
0x84: {  	[tilespmem:s20], [sflag:$0x2] =	stream.indirect.gather [hbm4b:s1+s16], $0x80, s19, s16, $0xb8;
	[tilespmem:$0x1E400] =	vst v63  }
0x85: {  	_ = 	snop  }
0x86: {  	[tilespmem:s22], [sflag:$0x2] =	stream.indirect.gather [hbm4b:s1+s16], $0x80, s21, s16, $0xb8;
	[tilespmem:$0x1E400] =	vst v63  }
0x87: {  	_ =	swait.ge [sflag:s23], $0x2000  }
0x88: {  	[sflag:s23] =	ssyncset.done $0x0  }
0x89: {  	[sflag:s23] =	ssyncadd.s32 $0xFFFFE000  }
0x8a: {  	_ =	swait.ge [sflag:s23], $0x2000  }
0x8b: {  	[sflag:s23] =	ssyncset.done $0x0  }
0x8c: {  	s29 =	simm.s32 $0x100;
	[sflag:s23] =	ssyncadd.s32 $0xFFFFE000  }
0x8d: {  	[tilespmem:s17], [sflag:$0x1] =	stream.indirect.gather [hbm4b:s1+s16], $0x80, s29, s16, $0xb8;
	[tilespmem:$0x1E400] =	vst v63  }
0x8e: {  	s29 =	simm.s32 $0x140  }
0x8f: {  	[tilespmem:s18], [sflag:$0x1] =	stream.indirect.gather [hbm4b:s1+s16], $0x80, s29, s16, $0xb8;
	[tilespmem:$0x1E400] =	vst v63  }
0x90: {  	s29 =	simm.s32 $0x1400  }
0x91: {  	[spmem:s3] =	stream.indirect.scatter.add.f32 [tilespmem:s17], [sflag:$0x3], $0x80, s29, s19, $0xb8;
	[tilespmem:$0x1E400] =	vst v63  }
0x92: {  	_ =	swait.ge [sflag:s14], $0x4000  }
0x93: {  	[sflag:s14] =	ssyncset.done $0x0  }
0x94: {  	[sflag:s14] =	ssyncadd.s32 $0xFFFFC000  }
0x95: {  	_ =	swait.ge [sflag:s24], $0x2000  }
0x96: {  	[sflag:s24] =	ssyncset.done $0x0  }
0x97: {  	[sflag:s24] =	ssyncadd.s32 $0xFFFFE000  }
0x98: {  	_ =	swait.ge [sflag:s24], $0x2000  }
0x99: {  	[sflag:s24] =	ssyncset.done $0x0  }
0x9a: {  	s29 =	simm.s32 $0x180;
	[sflag:s24] =	ssyncadd.s32 $0xFFFFE000  }
0x9b: {  	[tilespmem:s20], [sflag:$0x2] =	stream.indirect.gather [hbm4b:s1+s16], $0x80, s29, s16, $0xb8;
	[tilespmem:$0x1E400] =	vst v63  }
0x9c: {  	s29 =	simm.s32 $0x1C0  }
0x9d: {  	[tilespmem:s22], [sflag:$0x2] =	stream.indirect.gather [hbm4b:s1+s16], $0x80, s29, s16, $0xb8;
	[tilespmem:$0x1E400] =	vst v63  }
0x9e: {  	s29 =	simm.s32 $0x1480  }
0x9f: {  	[spmem:s3] =	stream.indirect.scatter.add.f32 [tilespmem:s20], [sflag:$0x3], $0x80, s29, s19, $0xb8;
	[tilespmem:$0x1E400] =	vst v63  }
0xa0: {  	_ =	swait.ge [sflag:s14], $0x4000  }
0xa1: {  	s29 =	simm.s32 $0x400;
	[sflag:s14] =	ssyncset.done $0x0  }
.LBB2_4:
0xa2: {  	p0 =	sne.s32 s29, $0x4800  }
0xa3: {  	[sflag:s14] =	ssyncadd.s32 $0xFFFFC000;
	s30 =	smov.u32 s29;
	s29 =	sadd.s32 $0x400, s29  }
0xa4: {  	_ = 	snop  }
0xa5: {  	_ =	swait.ge [sflag:s23], $0x2000  }
0xa6: {  	[sflag:s23] =	ssyncset.done $0x0  }
0xa7: {  	[sflag:s23] =	ssyncadd.s32 $0xFFFFE000  }
0xa8: {  	_ =	swait.ge [sflag:s23], $0x2000  }
0xa9: {  	s30 =	sshra.s32 s30, $0x2;
	[sflag:s23] =	ssyncset.done $0x0  }
0xaa: {  	s31 =	sadd.s32 $0x100, s30;
	[sflag:s23] =	ssyncadd.s32 $0xFFFFE000  }
0xab: {  	[tilespmem:s17], [sflag:$0x1] =	stream.indirect.gather [hbm4b:s1+s16], $0x80, s31, s16, $0xb8;
	[tilespmem:$0x1E400] =	vst v63  }
0xac: {  	s31 =	sadd.s32 $0x140, s30  }
0xad: {  	[tilespmem:s18], [sflag:$0x1] =	stream.indirect.gather [hbm4b:s1+s16], $0x80, s31, s16, $0xb8;
	[tilespmem:$0x1E400] =	vst v63  }
0xae: {  	s31 =	sadd.s32 $0x1400, s30  }
0xaf: {  	[spmem:s3] =	stream.indirect.scatter.add.f32 [tilespmem:s17], [sflag:$0x3], $0x80, s31, s19, $0xb8;
	[tilespmem:$0x1E400] =	vst v63  }
0xb0: {  	_ =	swait.ge [sflag:s14], $0x4000  }
0xb1: {  	[sflag:s14] =	ssyncset.done $0x0  }
0xb2: {  	[sflag:s14] =	ssyncadd.s32 $0xFFFFC000  }
0xb3: {  	_ =	swait.ge [sflag:s24], $0x2000  }
0xb4: {  	[sflag:s24] =	ssyncset.done $0x0  }
0xb5: {  	[sflag:s24] =	ssyncadd.s32 $0xFFFFE000  }
0xb6: {  	_ =	swait.ge [sflag:s24], $0x2000  }
0xb7: {  	[sflag:s24] =	ssyncset.done $0x0  }
0xb8: {  	s31 =	sadd.s32 $0x180, s30;
	[sflag:s24] =	ssyncadd.s32 $0xFFFFE000  }
0xb9: {  	[tilespmem:s20], [sflag:$0x2] =	stream.indirect.gather [hbm4b:s1+s16], $0x80, s31, s16, $0xb8;
	[tilespmem:$0x1E400] =	vst v63  }
0xba: {  	s31 =	sadd.s32 $0x1C0, s30  }
0xbb: {  	[tilespmem:s22], [sflag:$0x2] =	stream.indirect.gather [hbm4b:s1+s16], $0x80, s31, s16, $0xb8;
	[tilespmem:$0x1E400] =	vst v63  }
.Ltmp1:
0xbc: {  	_ = 	snop;
	(pc) =	sbr.rel @p0 .LBB2_4-.Ltmp1, $4  }
0xbd: {  	s30 =	sadd.s32 $0x1480, s30  }
0xbe: {  	[spmem:s3] =	stream.indirect.scatter.add.f32 [tilespmem:s20], [sflag:$0x3], $0x80, s30, s19, $0xb8;
	[tilespmem:$0x1E400] =	vst v63  }
0xbf: {  	_ =	swait.ge [sflag:s14], $0x4000  }
0xc0: {  	[sflag:s14] =	ssyncset.done $0x0  }
0xc1: {  	[sflag:s14] =	ssyncadd.s32 $0xFFFFC000  }
0xc2: {  	_ =	swait.ge [sflag:s23], $0x2000  }
0xc3: {  	[sflag:s23] =	ssyncset.done $0x0  }
0xc4: {  	[sflag:s23] =	ssyncadd.s32 $0xFFFFE000  }
0xc5: {  	_ =	swait.ge [sflag:s23], $0x2000  }
0xc6: {  	[sflag:s23] =	ssyncset.done $0x0  }
0xc7: {  	[sflag:s23] =	ssyncadd.s32 $0xFFFFE000  }
0xc8: {  	[spmem:s3] =	stream.indirect.scatter.add.f32 [tilespmem:s17], [sflag:$0x3], $0x80, s25, s19, $0xb8;
	[tilespmem:$0x1E400] =	vst v63  }
0xc9: {  	_ =	swait.ge [sflag:s14], $0x4000  }
0xca: {  	[sflag:s14] =	ssyncset.done $0x0  }
0xcb: {  	[sflag:s14] =	ssyncadd.s32 $0xFFFFC000  }
0xcc: {  	_ =	swait.ge [sflag:s24], $0x2000  }
0xcd: {  	[sflag:s24] =	ssyncset.done $0x0  }
0xce: {  	[sflag:s24] =	ssyncadd.s32 $0xFFFFE000  }
0xcf: {  	_ =	swait.ge [sflag:s24], $0x2000  }
0xd0: {  	[sflag:s24] =	ssyncset.done $0x0  }
0xd1: {  	[sflag:s24] =	ssyncadd.s32 $0xFFFFE000  }
0xd2: {  	[spmem:s3] =	stream.indirect.scatter.add.f32 [tilespmem:s20], [sflag:$0x3], $0x80, s26, s19, $0xb8;
	[tilespmem:$0x1E400] =	vst v63  }
0xd3: {  	_ =	swait.ge [sflag:s14], $0x4000  }
0xd4: {  	s28 =	sadd.s32 $0x1, s28;
	[sflag:s14] =	ssyncset.done $0x0  }
0xd5: {  	p0 =	sne.s32 s28, s8;
	[sflag:s14] =	ssyncadd.s32 $0xFFFFC000  }
.Ltmp2:
0xd6: {  	[bflag:$0x0] =	sbarrier.arrive $0xFFFF;
	(pc) =	sbr.rel @p0 .LBB2_1-.Ltmp2, $4  }
0xd7: {  	[hbm:s7], [sflag:s6] =	dma.local [spmem:s13], $0x2780  }
0xd8: {  	_ =	swait.ge [sflag:s14], $0x2780  }
0xd9: {  	[sflag:s14] =	ssyncset.done $0x0  }
0xda: {  	[sflag:s14] =	ssyncadd.s32 $0xFFFFD880  }
0xdb: {  	_ =	sfence.sel $0x180000  }
0xdc: {  	[bflag:$0x0] =	sbarrier.arrive $0xFFFF  }
0xdd: {  	p0 =	sne.s32 s0, $0x0;
	_ =	strace $0x9000004A  }
0xde: {  	s0 =	sadd.s32 @!p0 $0x100000, s2;
	[bflag:$0x2] =	sbarrier.arrive $0xFFFF  }
0xdf: {  	[sflag:s0] =	ssyncadd.tile.s32 @!p0 $0x1;
	_ =	shalt  }
.Lfunc_end2:
_tile_overlayer_lowered:
.L_overlay_start_2:
0xe0: {  	(tag) =	ssettag $0x2  }
0xe1: {  	s0 =	rddreg [dreg:$0x0];
	s2 =	stileid.u32  }
0xe2: {  	s1 =	rddreg [dreg:$0x1];
	p0 =	sne.s32 s2, $0x0  }
0xe3: {  	s3 =	rddreg [dreg:$0x2];
	[bflag:$0x3] =	sbarrier.arrive $0xFFFF;
	s2 =	simm.s32 @!p0 $0x1C03  }
0xe4: {  	[timem:s3], [sflag:s2] =	dma.local @!p0 [hbm:s0], s1  }
0xe5: {  	s0 =	simm.s32 @!p0 $0x3  }
0xe6: {  	_ =	swait.ge @!p0 [sflag:s0], s1  }
0xe7: {  	s1 =	ssub.s32 @!p0 $0x0, s1;
	[sflag:s0] =	ssyncset.done @!p0 $0x0  }
0xe8: {  	[sflag:s0] =	ssyncadd.s32 @!p0 s1  }
0xe9: {  	[bflag:$0x3] =	sbarrier.arrive $0xFFFF  }
0xea: {  	_ =	shalt  }

// kernel: kernel.19.cloned.1.call-start
scs
__scs_entry_jumppad:
0x0: {  	(pc) =	sbr.rel $0x88, $3  }
0x1: {  	(tag) =	ssettag $0x0;
	lr =	simm.s32 $0x1  }
0x2: {  	[smem:$0x3F91] =	sst lr;
	_ =	strace $0xD0000000  }
0x3: {  	_ = 	snop  }
0x4: {  	_ = 	snop  }
0x5: {  	_ = 	snop  }
0x6: {  	_ = 	snop  }
0x7: {  	_ = 	snop  }
__scs_overlays_trampoline_lowered:
0x8: {  	[smem:$0x3FA0] =	sst s0  }
0x9: {  	[smem:$0x3FA1] =	sst s1  }
0xa: {  	[smem:$0x3FA2] =	sst s2  }
0xb: {  	[smem:$0x3FA3] =	sst s3  }
0xc: {  	[smem:$0x3FA4] =	sst s4  }
0xd: {  	[smem:$0x3FA5] =	sst s5  }
0xe: {  	[smem:$0x3FA6] =	sst s6  }
0xf: {  	[smem:$0x3FA7] =	sst s7  }
0x10: {  	[smem:$0x3FA8] =	sst s8  }
0x11: {  	[smem:$0x3FA9] =	sst s9;
	s0 =	simm.s32 @!p0 $0x0  }
0x12: {  	s1 =	sld [smem:$0x3F8F];
	s0 =	simm.s32 @p0 $0x1  }
0x13: {  	[smem:$0x3FAA] =	sst s0;
	s0 =	simm.s32 @!p1 $0x0  }
0x14: {  	s2 =	sld [smem:$0x3F8E];
	s0 =	simm.s32 @p1 $0x1  }
0x15: {  	[smem:$0x3FAB] =	sst s0;
	s0 =	simm.s32 @!p2 $0x0  }
0x16: {  	s3 =	sld [smem:$0x3FDB];
	s0 =	simm.s32 @p2 $0x1  }
0x17: {  	s4 =	simm.s32 $0x1BF5;
	[smem:$0x3FAD] =	sst s0  }
0x18: {  	s0 =	sld [smem:$0x3F90];
	_ =	swait.ge [sflag:s4], $0x0  }
0x19: {  	s7 =	sld [smem:$0x3F91]  }
0x1a: {  	s8 =	sadd.s32 $0xFFFFE003, lr  }
0x1b: {  	s9 =	sadd.s32 $0xFFFFFEF7, lr;
	s5 =	simm.s32 $0xFFFFFFFF;
	p2 =	slt.u32 s8, $0xFFFFF086  }
0x1c: {  	p1 =	slt.u32 s9, $0xF7A;
	s5 =	simm.s32 @!p2 $0x0  }
0x1d: {  	s5 =	simm.s32 @p1 $0x1;
	p0 =	seq.s32 s7, s2  }
0x1e: {  	s7 =	smul.u32 @!p0 $0xF7A, s2;
	p2 =	seq.s32 @!p0 s5, $0x0  }
0x1f: {  	s9 =	smul.u32 $0xF7A, s1;
	s8 =	simm.s32 @!p0 $0x1BF5;
	p2 =	por !p2, p0  }
0x20: {  	[sflag:s8] =	ssyncset.s32 @!p0 $0xFFFFF086;
	s6 =	sadd.s32 @!p0 s3, s7;
	s7 =	simm.s32 @!p0 $0x108  }
0x21: {  	s3 =	sadd.s32 s3, s9;
	s6 =	sadd.s32 @!p0 $0x88, s6;
	s7 =	simm.s32 @p2 $0x1082  }
0x22: {  	[simem:s7], [sflag:s8] =	dma.local @!p0 [hbm:s6], $0xF7A  }
0x23: {  	s9 =	sor.u32 $0xD0000000, s2;
	s6 =	simm.s32 $0x108;
	_ =	swait.ge @!p0 [sflag:s8], $0x0  }
0x24: {  	s3 =	sadd.s32 $0x88, s3;
	s6 =	simm.s32 @!p1 $0x1082;
	[sflag:s4] =	ssyncset.s32 $0xFFFFF086  }
0x25: {  	[simem:s6], [sflag:s4] =	dma.local [hbm:s3], $0xF7A  }
0x26: {  	[smem:$0x3F91] =	sst s1;
	(tag) =	ssettag s2;
	_ =	strace s9  }
0x27: {  	s1 =	sld [smem:$0x3FA1]  }
0x28: {  	s2 =	sld [smem:$0x3FA2]  }
0x29: {  	s4 =	sld [smem:$0x3FA4]  }
0x2a: {  	p0 =	seq.s32 s5, $0x0;
	s5 =	sld [smem:$0x3FA5]  }
0x2b: {  	s6 =	sld [smem:$0x3FA6]  }
0x2c: {  	s7 =	sld [smem:$0x3FA7]  }
0x2d: {  	s3 =	simm.s32 $0x108;
	s8 =	sld [smem:$0x3FA8]  }
0x2e: {  	s3 =	simm.s32 @!p0 $0x1082;
	s9 =	sld [smem:$0x3FA9]  }
0x2f: {  	lr =	sadd.s32 s0, s3;
	s0 =	sld [smem:$0x3FA0]  }
0x30: {  	s3 =	sld [smem:$0x3FA3]  }
0x31: {  	[smem:$0x3FAC] =	sst s10  }
0x32: {  	s10 =	sld [smem:$0x3FAA];
	_ =	sdelay $0x3  }
0x33: {  	p0 =	seq.s32 s10, $0x1;
	s10 =	sld [smem:$0x3FAC];
	_ =	sdelay $0x3  }
0x34: {  	[smem:$0x3FAC] =	sst s10  }
0x35: {  	s10 =	sld [smem:$0x3FAB];
	_ =	sdelay $0x3  }
0x36: {  	p1 =	seq.s32 s10, $0x1;
	s10 =	sld [smem:$0x3FAC];
	_ =	sdelay $0x3  }
0x37: {  	[smem:$0x3FAC] =	sst s10  }
0x38: {  	s10 =	sld [smem:$0x3FAD]  }
0x39: {  	_ = 	snop;
	(pc) =	sbr.ind lr, $3  }
0x3a: {  	_ = 	snop  }
0x3b: {  	_ = 	snop  }
0x3c: {  	p2 =	seq.s32 s10, $0x1;
	s10 =	sld [smem:$0x3FAC]  }
0x3d: {  	_ =	shalt  }
0x3e: {  	_ =	shalt  }
0x3f: {  	_ =	shalt  }
0x40: {  	_ =	shalt  }
0x41: {  	_ =	shalt  }
0x42: {  	_ =	shalt  }
0x43: {  	_ =	shalt  }
0x44: {  	_ =	shalt  }
0x45: {  	_ =	shalt  }
0x46: {  	_ =	shalt  }
0x47: {  	_ =	shalt  }
0x48: {  	_ =	shalt  }
0x49: {  	_ =	shalt  }
0x4a: {  	_ =	shalt  }
0x4b: {  	_ =	shalt  }
0x4c: {  	_ =	shalt  }
0x4d: {  	_ =	shalt  }
0x4e: {  	_ =	shalt  }
0x4f: {  	_ =	shalt  }
0x50: {  	_ =	shalt  }
0x51: {  	_ =	shalt  }
0x52: {  	_ =	shalt  }
0x53: {  	_ =	shalt  }
0x54: {  	_ =	shalt  }
0x55: {  	_ =	shalt  }
0x56: {  	_ =	shalt  }
0x57: {  	_ =	shalt  }
0x58: {  	_ =	shalt  }
0x59: {  	_ =	shalt  }
0x5a: {  	_ =	shalt  }
0x5b: {  	_ =	shalt  }
0x5c: {  	_ =	shalt  }
0x5d: {  	_ =	shalt  }
0x5e: {  	_ =	shalt  }
0x5f: {  	_ =	shalt  }
0x60: {  	_ =	shalt  }
0x61: {  	_ =	shalt  }
0x62: {  	_ =	shalt  }
0x63: {  	_ =	shalt  }
0x64: {  	_ =	shalt  }
0x65: {  	_ =	shalt  }
0x66: {  	_ =	shalt  }
0x67: {  	_ =	shalt  }
0x68: {  	_ =	shalt  }
0x69: {  	_ =	shalt  }
0x6a: {  	_ =	shalt  }
0x6b: {  	_ =	shalt  }
0x6c: {  	_ =	shalt  }
0x6d: {  	_ =	shalt  }
0x6e: {  	_ =	shalt  }
0x6f: {  	_ =	shalt  }
0x70: {  	_ =	shalt  }
0x71: {  	_ =	shalt  }
0x72: {  	_ =	shalt  }
0x73: {  	_ =	shalt  }
0x74: {  	_ =	shalt  }
0x75: {  	_ =	shalt  }
0x76: {  	_ =	shalt  }
0x77: {  	_ =	shalt  }
0x78: {  	_ =	shalt  }
0x79: {  	_ =	shalt  }
0x7a: {  	_ =	shalt  }
0x7b: {  	_ =	shalt  }
0x7c: {  	_ =	shalt  }
0x7d: {  	_ =	shalt  }
0x7e: {  	_ =	shalt  }
0x7f: {  	_ =	shalt  }
0x80: {  	_ =	shalt  }
0x81: {  	_ =	shalt  }
0x82: {  	_ =	shalt  }
0x83: {  	_ =	shalt  }
0x84: {  	_ =	shalt  }
0x85: {  	_ =	shalt  }
0x86: {  	_ =	shalt  }
0x87: {  	_ =	shalt  }
.Lfunc_end0:
.L_simem_size_0:
called_computation.2_lowered:
.L_overlay_start_0:
0x88: {  	s2 =	sld [smem:$0x3FD9]  }
0x89: {  	s3 =	sld [smem:$0x3FFE];
	_ =	sdelay $0x1  }
0x8a: {  	s1 =	srdreg.scid  }
0x8b: {  	s0 =	sand.u32 $0x1, s1  }
0x8c: {  	s16 =	sshll.u32 s0, $0xA;
	s2 =	sadd.s32 s3, s2  }
0x8d: {  	s2 =	sadd.s32 s2, s16  }
0x8e: {  	[smem:$0x3FB8] =	sst s2  }
0x8f: {  	_ = 	snop  }
0x90: {  	(tm) =	ssettm $0x1  }
0x91: {  	s17 =	sld [smem:$0x3FFB];
	_ =	sdelay $0x3  }
0x92: {  	_ =	strace s17  }
0x93: {  	s2 =	sld [smem:$0x3FFC];
	_ =	sdelay $0x3  }
0x94: {  	_ =	strace s2  }
0x95: {  	s2 =	sld [smem:$0x3FFD];
	_ =	sdelay $0x3  }
0x96: {  	_ =	strace s2  }
0x97: {  	_ =	strace $0x8FFFFFFF  }
0x98: {  	s18 =	sld [smem:$0x3FDB];
	_ =	sdelay $0x1  }
0x99: {  	s19 =	simm.s32 $_scs_section_size  }
0x9a: {  	s4 =	simm.s32 $_size__tile_overlayer_lowered;
	s5 =	simm.s32 $_tile_overlayer_lowered  }
0x9b: {  	s22 =	simm.s32 $0x1BFF;
	s21 =	sshll.u32 s5, $0x1;
	s2 =	sadd.s32 s19, s18  }
0x9c: {  	s6 =	simm.s32 $0x0;
	s20 =	sshll.u32 s4, $0x1;
	s4 =	sadd.s32 s21, s2  }
0x9d: {  	[timem:s6], [sflag:s22] =	dma.local [hbm:s4], s20  }
0x9e: {  	_ =	swait.ge [sflag:s22], s20  }
0x9f: {  	s3 =	ssub.s32 $0x0, s20;
	[sflag:s22] =	ssyncset.done $0x0  }
0xa0: {  	[sflag:s22] =	ssyncadd.s32 s3;
	_ =	sdelay $0x1  }
0xa1: {  	s23 =	simm.s32 $0x1B8B  }
0xa2: {  	_ =	swait.ge [sflag:s23], $0x1  }
0xa3: {  	[sflag:s23] =	ssyncset.done $0x0  }
0xa4: {  	s25 =	simm.s32 $0x1B8E;
	s24 =	sld [smem:$0x3FFE];
	[sflag:s23] =	ssyncadd.s32 $0xFFFFFFFF  }
0xa5: {  	s26 =	simm.s32 $execute0_lowered;
	[smem:$0x3FD2] =	sst s25  }
0xa6: {  	s4 =	sshll.u32 s26, $0x1;
	_ =	strace $0x8000004C;
	[dreg:$0x1] =	wrdreg $0xFFFFFFFF  }
0xa7: {  	s28 =	simm.s32 $_size_execute0_lowered;
	s2 =	sadd.s32 s2, s4;
	[dreg:$0x0] =	wrdreg $0x0  }
0xa8: {  	s4 =	sshll.u32 s28, $0x1;
	[dreg:$0x2] =	wrdreg s2  }
0xa9: {  	[dreg:$0x3] =	wrdreg s4  }
0xaa: {  	[dreg:$0x4] =	wrdreg $0xC0  }
0xab: {  	_ =	task [dreg:s6], $0x5FFFF  }
0xac: {  	[dreg:$0x1] =	wrdreg $0xFFFFFFFF  }
0xad: {  	[dreg:$0x0] =	wrdreg $0x60  }
0xae: {  	[dreg:$0x2] =	wrdreg s24  }
0xaf: {  	[dreg:$0x3] =	wrdreg $0xA8000  }
0xb0: {  	[dreg:$0x4] =	wrdreg $0x9  }
0xb1: {  	_ =	task.clear_ibuf [dreg:s6], $0x5FFFF;
	_ =	strace $0x9000004C  }
0xb2: {  	s29 =	simm.s32 $0x9;
	_ =	strace $0x8000004E  }
0xb3: {  	_ =	swait.ge [sflag:s29], $0x1  }
0xb4: {  	[sflag:s29] =	ssyncadd.s32 $0xFFFFFFFF  }
0xb5: {  	_ =	strace $0x9000004E  }
0xb6: {  	_ =	sfence  }
0xb7: {  	s30 =	sld [smem:$0x0];
	_ =	sdelay $0x2  }
0xb8: {  	s31 =	sshll.u32 s1, $0xD;
	s1 =	sshrl.u32 s1, $0x2  }
0xb9: {  	s3 =	sand.u32 $0x4000, s31;
	s1 =	sadd.s32 s1, s30  }
0xba: {  	s0 =	sor.u32 s3, s0;
	s1 =	sshll.u32 s1, $0x11  }
0xbb: {  	s0 =	sor.u32 s1, s0  }
0xbc: {  	s0 =	sadd.s32 $0x8F2B, s0  }
0xbd: {  	[sflag:s0] =	ssyncadd.remote.s32 $0x1  }
0xbe: {  	_ =	sfence.sel $0xFFFF  }
0xbf: {  	[dreg:$0x0] =	wrdreg $0xFFFFFFFF;
	(pc) =	sbr.abs _section_cstart, $3  }
0xc0: {  	[dreg:$0x1] =	wrdreg $0xFFFFFFFF  }
0xc1: {  	_ =	task.clear_ibuf [dreg:s6], $0x2FFFF;
	_ =	strace $0x9FFFFFFF  }
0xc2: {  	(tm) =	ssettm $0x7FFFFFFF  }
0xc3: {  	_ =	shalt  }
tec
execute0_lowered:
.L_overlay_start_1:
0x0: {  	(tag) =	ssettag $0x1  }
0x1: {  	s7 =	rddreg [dreg:$0x0]  }
0x2: {  	s1 =	rddreg [dreg:$0x1]  }
0x3: {  	s0 =	rddreg [dreg:$0x2]  }
0x4: {  	s3 =	simm.s32 $0x0;
	s2 =	srdreg.scid;
	s16 =	simm.s32 $0x2800  }
0x5: {  	s17 =	simm.s32 $0x4800;
	s18 =	simm.s32 $0x80;
	s8 =	sand.u32 $0x1, s2  }
0x6: {  	s19 =	simm.s32 $0x6800;
	s2 =	stileid.u32;
	s9 =	smul.u32 $0x13C000, s8  }
0x7: {  	s20 =	simm.s32 $0xC0;
	s21 =	simm.s32 $0x8800;
	s10 =	smul.u32 $0x13C00, s2  }
0x8: {  	s22 =	simm.s32 $0x1;
	s23 =	simm.s32 $0x2;
	s11 =	smul.u32 $0x4F000, s2  }
0x9: {  	[smem:$0x7FF] =	sst s3;
	s4 =	sadd.s32 $0x55000, s7;
	s12 =	smul.u32 $0x27800, s8  }
0xa: {  	s5 =	sadd.s32 $0xA4000, s7;
	s6 =	sadd.s32 $0xB8000, s7;
	s14 =	smul.u32 $0x2780, s2  }
0xb: {  	_ =	strace $0x8000004D;
	s24 =	ssub.s32 $0x2, s8;
	s25 =	smul.u32 $0x50000, s8  }
0xc: {  	s29 =	smul.u32 $0x5000, s2;
	s31 =	sshll.u32 s2, $0x6;
	s13 =	sshrl.u32 s24, $0x1  }
0xd: {  	s8 =	sor.u32 $0x1C03, s31;
	s9 =	sadd.s32 s10, s9;
	s13 =	ssub.s32 s24, s13  }
0xe: {  	s26 =	sshrl.u32 s11, $0x2;
	s28 =	sadd.s32 s14, s12;
	s14 =	simm.s32 $0x1400  }
0xf: {  	s24 =	simm.s32 $0x2700;
	s9 =	sshrl.u32 s9, $0x3;
	s30 =	sadd.s32 s26, s1  }
0x10: {  	s11 =	smax.u32 s13, $0x1;
	s13 =	simm.s32 $0x3;
	s15 =	sadd.s32 s9, s7  }
0x11: {  	s7 =	sadd.s32 s4, s28;
	s9 =	sadd.s32 s29, s25;
	s12 =	sshrl.u32 s30, $0x3  }
0x12: {  	s25 =	simm.s32 $0x2780;
	s10 =	sadd.s32 $0xCC000, s15;
	s15 =	simm.s32 $0x40  }
.LBB2_1:
0x13: {  	[spmem:s12], [sflag:s8] =	dma.local [hbm:s7], $0x2780  }
0x14: {  	_ =	swait.ge [sflag:s13], $0x2780  }
0x15: {  	[sflag:s13] =	ssyncset.done $0x0  }
0x16: {  	[sflag:s13] =	ssyncadd.s32 $0xFFFFD880  }
0x17: {  	s26 =	simm.s32 $0x0;
	[bflag:$0x0] =	sbarrier.arrive $0xFFFF  }
.LBB2_2:
0x18: {  	s28 =	smul.u32 $0x1400, s26;
	_ =	sdelay $0x1  }
0x19: {  	s28 =	sadd.s32 s28, s9  }
0x1a: {  	s28 =	sshrl.u32 s28, $0x3  }
0x1b: {  	s30 =	simm.s32 $0x0;
	s29 =	sadd.s32 s5, s28  }
0x1c: {  	[tilespmem:s30], [sflag:$0x3] =	stream.linear.gather [hbm4b:s29+s30], $0x1400, $0x38;
	[tilespmem:$0x1E400] =	vst v63  }
0x1d: {  	_ =	swait.ge [sflag:s13], $0x1400  }
0x1e: {  	[sflag:s13] =	ssyncset.done $0x0  }
0x1f: {  	s28 =	sadd.s32 s6, s28;
	[sflag:s13] =	ssyncadd.s32 $0xFFFFEC00  }
0x20: {  	[tilespmem:s14], [sflag:$0x3] =	stream.linear.gather [hbm4b:s28+s30], $0x1400, $0x38;
	[tilespmem:$0x1E400] =	vst v63  }
0x21: {  	_ =	swait.ge [sflag:s13], $0x1400  }
0x22: {  	[sflag:s13] =	ssyncset.done $0x0  }
0x23: {  	[sflag:s13] =	ssyncadd.s32 $0xFFFFEC00  }
0x24: {  	[tilespmem:s16], [sflag:$0x1] =	stream.indirect.gather [hbm4b:s4+s15], $0x80, s30, s15, $0xb8;
	[tilespmem:$0x1E400] =	vst v63  }
0x25: {  	_ = 	snop  }
0x26: {  	[tilespmem:s17], [sflag:$0x1] =	stream.indirect.gather [hbm4b:s4+s15], $0x80, s15, s15, $0xb8;
	[tilespmem:$0x1E400] =	vst v63  }
0x27: {  	_ = 	snop  }
0x28: {  	[tilespmem:s19], [sflag:$0x2] =	stream.indirect.gather [hbm4b:s4+s15], $0x80, s18, s15, $0xb8;
	[tilespmem:$0x1E400] =	vst v63  }
0x29: {  	_ = 	snop  }
0x2a: {  	[tilespmem:s21], [sflag:$0x2] =	stream.indirect.gather [hbm4b:s4+s15], $0x80, s20, s15, $0xb8;
	[tilespmem:$0x1E400] =	vst v63  }
0x2b: {  	_ =	swait.ge [sflag:s22], $0x2000  }
0x2c: {  	[sflag:s22] =	ssyncset.done $0x0  }
0x2d: {  	[sflag:s22] =	ssyncadd.s32 $0xFFFFE000  }
0x2e: {  	_ =	swait.ge [sflag:s22], $0x2000  }
0x2f: {  	[sflag:s22] =	ssyncset.done $0x0  }
0x30: {  	s28 =	simm.s32 $0x100;
	[sflag:s22] =	ssyncadd.s32 $0xFFFFE000  }
0x31: {  	[tilespmem:s16], [sflag:$0x1] =	stream.indirect.gather [hbm4b:s4+s15], $0x80, s28, s15, $0xb8;
	[tilespmem:$0x1E400] =	vst v63  }
0x32: {  	s28 =	simm.s32 $0x140  }
0x33: {  	[tilespmem:s17], [sflag:$0x1] =	stream.indirect.gather [hbm4b:s4+s15], $0x80, s28, s15, $0xb8;
	[tilespmem:$0x1E400] =	vst v63  }
0x34: {  	s28 =	simm.s32 $0x1400  }
0x35: {  	[spmem:s1] =	stream.indirect.scatter.add.f32 [tilespmem:s16], [sflag:$0x3], $0x80, s28, s18, $0xb8;
	[tilespmem:$0x1E400] =	vst v63  }
0x36: {  	_ =	swait.ge [sflag:s13], $0x4000  }
0x37: {  	[sflag:s13] =	ssyncset.done $0x0  }
0x38: {  	[sflag:s13] =	ssyncadd.s32 $0xFFFFC000  }
0x39: {  	_ =	swait.ge [sflag:s23], $0x2000  }
0x3a: {  	[sflag:s23] =	ssyncset.done $0x0  }
0x3b: {  	[sflag:s23] =	ssyncadd.s32 $0xFFFFE000  }
0x3c: {  	_ =	swait.ge [sflag:s23], $0x2000  }
0x3d: {  	[sflag:s23] =	ssyncset.done $0x0  }
0x3e: {  	s28 =	simm.s32 $0x180;
	[sflag:s23] =	ssyncadd.s32 $0xFFFFE000  }
0x3f: {  	[tilespmem:s19], [sflag:$0x2] =	stream.indirect.gather [hbm4b:s4+s15], $0x80, s28, s15, $0xb8;
	[tilespmem:$0x1E400] =	vst v63  }
0x40: {  	s28 =	simm.s32 $0x1C0  }
0x41: {  	[tilespmem:s21], [sflag:$0x2] =	stream.indirect.gather [hbm4b:s4+s15], $0x80, s28, s15, $0xb8;
	[tilespmem:$0x1E400] =	vst v63  }
0x42: {  	s28 =	simm.s32 $0x1480  }
0x43: {  	[spmem:s1] =	stream.indirect.scatter.add.f32 [tilespmem:s19], [sflag:$0x3], $0x80, s28, s18, $0xb8;
	[tilespmem:$0x1E400] =	vst v63  }
0x44: {  	_ =	swait.ge [sflag:s13], $0x4000  }
0x45: {  	s28 =	simm.s32 $0x400;
	[sflag:s13] =	ssyncset.done $0x0  }
.LBB2_3:
0x46: {  	p0 =	sne.s32 s28, $0x4800  }
0x47: {  	[sflag:s13] =	ssyncadd.s32 $0xFFFFC000;
	s29 =	smov.u32 s28;
	s28 =	sadd.s32 $0x400, s28  }
0x48: {  	_ = 	snop  }
0x49: {  	_ =	swait.ge [sflag:s22], $0x2000  }
0x4a: {  	[sflag:s22] =	ssyncset.done $0x0  }
0x4b: {  	[sflag:s22] =	ssyncadd.s32 $0xFFFFE000  }
0x4c: {  	_ =	swait.ge [sflag:s22], $0x2000  }
0x4d: {  	s29 =	sshra.s32 s29, $0x2;
	[sflag:s22] =	ssyncset.done $0x0  }
0x4e: {  	s30 =	sadd.s32 $0x100, s29;
	[sflag:s22] =	ssyncadd.s32 $0xFFFFE000  }
0x4f: {  	[tilespmem:s16], [sflag:$0x1] =	stream.indirect.gather [hbm4b:s4+s15], $0x80, s30, s15, $0xb8;
	[tilespmem:$0x1E400] =	vst v63  }
0x50: {  	s30 =	sadd.s32 $0x140, s29  }
0x51: {  	[tilespmem:s17], [sflag:$0x1] =	stream.indirect.gather [hbm4b:s4+s15], $0x80, s30, s15, $0xb8;
	[tilespmem:$0x1E400] =	vst v63  }
0x52: {  	s30 =	sadd.s32 $0x1400, s29  }
0x53: {  	[spmem:s1] =	stream.indirect.scatter.add.f32 [tilespmem:s16], [sflag:$0x3], $0x80, s30, s18, $0xb8;
	[tilespmem:$0x1E400] =	vst v63  }
0x54: {  	_ =	swait.ge [sflag:s13], $0x4000  }
0x55: {  	[sflag:s13] =	ssyncset.done $0x0  }
0x56: {  	[sflag:s13] =	ssyncadd.s32 $0xFFFFC000  }
0x57: {  	_ =	swait.ge [sflag:s23], $0x2000  }
0x58: {  	[sflag:s23] =	ssyncset.done $0x0  }
0x59: {  	[sflag:s23] =	ssyncadd.s32 $0xFFFFE000  }
0x5a: {  	_ =	swait.ge [sflag:s23], $0x2000  }
0x5b: {  	[sflag:s23] =	ssyncset.done $0x0  }
0x5c: {  	s30 =	sadd.s32 $0x180, s29;
	[sflag:s23] =	ssyncadd.s32 $0xFFFFE000  }
0x5d: {  	[tilespmem:s19], [sflag:$0x2] =	stream.indirect.gather [hbm4b:s4+s15], $0x80, s30, s15, $0xb8;
	[tilespmem:$0x1E400] =	vst v63  }
0x5e: {  	s30 =	sadd.s32 $0x1C0, s29  }
0x5f: {  	[tilespmem:s21], [sflag:$0x2] =	stream.indirect.gather [hbm4b:s4+s15], $0x80, s30, s15, $0xb8;
	[tilespmem:$0x1E400] =	vst v63  }
.Ltmp0:
0x60: {  	_ = 	snop;
	(pc) =	sbr.rel @p0 .LBB2_3-.Ltmp0, $4  }
0x61: {  	s29 =	sadd.s32 $0x1480, s29  }
0x62: {  	[spmem:s1] =	stream.indirect.scatter.add.f32 [tilespmem:s19], [sflag:$0x3], $0x80, s29, s18, $0xb8;
	[tilespmem:$0x1E400] =	vst v63  }
0x63: {  	_ =	swait.ge [sflag:s13], $0x4000  }
0x64: {  	[sflag:s13] =	ssyncset.done $0x0  }
0x65: {  	[sflag:s13] =	ssyncadd.s32 $0xFFFFC000  }
0x66: {  	_ =	swait.ge [sflag:s22], $0x2000  }
0x67: {  	[sflag:s22] =	ssyncset.done $0x0  }
0x68: {  	[sflag:s22] =	ssyncadd.s32 $0xFFFFE000  }
0x69: {  	_ =	swait.ge [sflag:s22], $0x2000  }
0x6a: {  	[sflag:s22] =	ssyncset.done $0x0  }
0x6b: {  	[sflag:s22] =	ssyncadd.s32 $0xFFFFE000  }
0x6c: {  	[spmem:s1] =	stream.indirect.scatter.add.f32 [tilespmem:s16], [sflag:$0x3], $0x80, s24, s18, $0xb8;
	[tilespmem:$0x1E400] =	vst v63  }
0x6d: {  	_ =	swait.ge [sflag:s13], $0x4000  }
0x6e: {  	[sflag:s13] =	ssyncset.done $0x0  }
0x6f: {  	[sflag:s13] =	ssyncadd.s32 $0xFFFFC000  }
0x70: {  	_ =	swait.ge [sflag:s23], $0x2000  }
0x71: {  	[sflag:s23] =	ssyncset.done $0x0  }
0x72: {  	[sflag:s23] =	ssyncadd.s32 $0xFFFFE000  }
0x73: {  	s26 =	sadd.s32 $0x1, s26;
	_ =	swait.ge [sflag:s23], $0x2000  }
0x74: {  	p0 =	sne.s32 s26, $0x4;
	[sflag:s23] =	ssyncset.done $0x0  }
.Ltmp1:
0x75: {  	[sflag:s23] =	ssyncadd.s32 $0xFFFFE000;
	(pc) =	sbr.rel @p0 .LBB2_2-.Ltmp1, $4  }
0x76: {  	[spmem:s1] =	stream.indirect.scatter.add.f32 [tilespmem:s19], [sflag:$0x3], $0x80, s25, s18, $0xb8;
	[tilespmem:$0x1E400] =	vst v63  }
0x77: {  	_ =	swait.ge [sflag:s13], $0x4000  }
0x78: {  	[sflag:s13] =	ssyncset.done $0x0  }
0x79: {  	[sflag:s13] =	ssyncadd.s32 $0xFFFFC000  }
0x7a: {  	s3 =	sadd.s32 $0x1, s3  }
0x7b: {  	p0 =	sne.s32 s3, s11  }
.Ltmp2:
0x7c: {  	[bflag:$0x0] =	sbarrier.arrive $0xFFFF;
	(pc) =	sbr.rel @p0 .LBB2_1-.Ltmp2, $4  }
0x7d: {  	[hbm:s10], [sflag:s8] =	dma.local [spmem:s12], $0x2780  }
0x7e: {  	_ =	swait.ge [sflag:s13], $0x2780  }
0x7f: {  	[sflag:s13] =	ssyncset.done $0x0  }
0x80: {  	[sflag:s13] =	ssyncadd.s32 $0xFFFFD880  }
0x81: {  	_ =	sfence.sel $0x180000  }
0x82: {  	[bflag:$0x0] =	sbarrier.arrive $0xFFFF  }
0x83: {  	p0 =	sne.s32 s2, $0x0;
	_ =	strace $0x9000004D  }
0x84: {  	s0 =	sadd.s32 @!p0 $0x100000, s0;
	[bflag:$0x2] =	sbarrier.arrive $0xFFFF  }
0x85: {  	[sflag:s0] =	ssyncadd.tile.s32 @!p0 $0x1;
	_ =	shalt  }
.Lfunc_end2:
_tile_overlayer_lowered:
.L_overlay_start_2:
0x86: {  	(tag) =	ssettag $0x2  }
0x87: {  	s0 =	rddreg [dreg:$0x0];
	s2 =	stileid.u32  }
0x88: {  	s1 =	rddreg [dreg:$0x1];
	p0 =	sne.s32 s2, $0x0  }
0x89: {  	s3 =	rddreg [dreg:$0x2];
	[bflag:$0x3] =	sbarrier.arrive $0xFFFF;
	s2 =	simm.s32 @!p0 $0x1C03  }
0x8a: {  	[timem:s3], [sflag:s2] =	dma.local @!p0 [hbm:s0], s1  }
0x8b: {  	s0 =	simm.s32 @!p0 $0x3  }
0x8c: {  	_ =	swait.ge @!p0 [sflag:s0], s1  }
0x8d: {  	s1 =	ssub.s32 @!p0 $0x0, s1;
	[sflag:s0] =	ssyncset.done @!p0 $0x0  }
0x8e: {  	[sflag:s0] =	ssyncadd.s32 @!p0 s1  }
0x8f: {  	[bflag:$0x3] =	sbarrier.arrive $0xFFFF  }
0x90: {  	_ =	shalt  }

// kernel: kernel.22.cloned.1.call-start
scs
__scs_entry_jumppad:
0x0: {  	(pc) =	sbr.rel $0x88, $3  }
0x1: {  	(tag) =	ssettag $0x0;
	lr =	simm.s32 $0x1  }
0x2: {  	[smem:$0x3F91] =	sst lr;
	_ =	strace $0xD0000000  }
0x3: {  	_ = 	snop  }
0x4: {  	_ = 	snop  }
0x5: {  	_ = 	snop  }
0x6: {  	_ = 	snop  }
0x7: {  	_ = 	snop  }
__scs_overlays_trampoline_lowered:
0x8: {  	[smem:$0x3FA0] =	sst s0  }
0x9: {  	[smem:$0x3FA1] =	sst s1  }
0xa: {  	[smem:$0x3FA2] =	sst s2  }
0xb: {  	[smem:$0x3FA3] =	sst s3  }
0xc: {  	[smem:$0x3FA4] =	sst s4  }
0xd: {  	[smem:$0x3FA5] =	sst s5  }
0xe: {  	[smem:$0x3FA6] =	sst s6  }
0xf: {  	[smem:$0x3FA7] =	sst s7  }
0x10: {  	[smem:$0x3FA8] =	sst s8  }
0x11: {  	[smem:$0x3FA9] =	sst s9;
	s0 =	simm.s32 @!p0 $0x0  }
0x12: {  	s1 =	sld [smem:$0x3F8F];
	s0 =	simm.s32 @p0 $0x1  }
0x13: {  	[smem:$0x3FAA] =	sst s0;
	s0 =	simm.s32 @!p1 $0x0  }
0x14: {  	s2 =	sld [smem:$0x3F8E];
	s0 =	simm.s32 @p1 $0x1  }
0x15: {  	[smem:$0x3FAB] =	sst s0;
	s0 =	simm.s32 @!p2 $0x0  }
0x16: {  	s3 =	sld [smem:$0x3FDB];
	s0 =	simm.s32 @p2 $0x1  }
0x17: {  	s4 =	simm.s32 $0x1BF5;
	[smem:$0x3FAD] =	sst s0  }
0x18: {  	s0 =	sld [smem:$0x3F90];
	_ =	swait.ge [sflag:s4], $0x0  }
0x19: {  	s7 =	sld [smem:$0x3F91]  }
0x1a: {  	s8 =	sadd.s32 $0xFFFFE003, lr  }
0x1b: {  	s9 =	sadd.s32 $0xFFFFFEF7, lr;
	s5 =	simm.s32 $0xFFFFFFFF;
	p2 =	slt.u32 s8, $0xFFFFF086  }
0x1c: {  	p1 =	slt.u32 s9, $0xF7A;
	s5 =	simm.s32 @!p2 $0x0  }
0x1d: {  	s5 =	simm.s32 @p1 $0x1;
	p0 =	seq.s32 s7, s2  }
0x1e: {  	s7 =	smul.u32 @!p0 $0xF7A, s2;
	p2 =	seq.s32 @!p0 s5, $0x0  }
0x1f: {  	s9 =	smul.u32 $0xF7A, s1;
	s8 =	simm.s32 @!p0 $0x1BF5;
	p2 =	por !p2, p0  }
0x20: {  	[sflag:s8] =	ssyncset.s32 @!p0 $0xFFFFF086;
	s6 =	sadd.s32 @!p0 s3, s7;
	s7 =	simm.s32 @!p0 $0x108  }
0x21: {  	s3 =	sadd.s32 s3, s9;
	s6 =	sadd.s32 @!p0 $0x88, s6;
	s7 =	simm.s32 @p2 $0x1082  }
0x22: {  	[simem:s7], [sflag:s8] =	dma.local @!p0 [hbm:s6], $0xF7A  }
0x23: {  	s9 =	sor.u32 $0xD0000000, s2;
	s6 =	simm.s32 $0x108;
	_ =	swait.ge @!p0 [sflag:s8], $0x0  }
0x24: {  	s3 =	sadd.s32 $0x88, s3;
	s6 =	simm.s32 @!p1 $0x1082;
	[sflag:s4] =	ssyncset.s32 $0xFFFFF086  }
0x25: {  	[simem:s6], [sflag:s4] =	dma.local [hbm:s3], $0xF7A  }
0x26: {  	[smem:$0x3F91] =	sst s1;
	(tag) =	ssettag s2;
	_ =	strace s9  }
0x27: {  	s1 =	sld [smem:$0x3FA1]  }
0x28: {  	s2 =	sld [smem:$0x3FA2]  }
0x29: {  	s4 =	sld [smem:$0x3FA4]  }
0x2a: {  	p0 =	seq.s32 s5, $0x0;
	s5 =	sld [smem:$0x3FA5]  }
0x2b: {  	s6 =	sld [smem:$0x3FA6]  }
0x2c: {  	s7 =	sld [smem:$0x3FA7]  }
0x2d: {  	s3 =	simm.s32 $0x108;
	s8 =	sld [smem:$0x3FA8]  }
0x2e: {  	s3 =	simm.s32 @!p0 $0x1082;
	s9 =	sld [smem:$0x3FA9]  }
0x2f: {  	lr =	sadd.s32 s0, s3;
	s0 =	sld [smem:$0x3FA0]  }
0x30: {  	s3 =	sld [smem:$0x3FA3]  }
0x31: {  	[smem:$0x3FAC] =	sst s10  }
0x32: {  	s10 =	sld [smem:$0x3FAA];
	_ =	sdelay $0x3  }
0x33: {  	p0 =	seq.s32 s10, $0x1;
	s10 =	sld [smem:$0x3FAC];
	_ =	sdelay $0x3  }
0x34: {  	[smem:$0x3FAC] =	sst s10  }
0x35: {  	s10 =	sld [smem:$0x3FAB];
	_ =	sdelay $0x3  }
0x36: {  	p1 =	seq.s32 s10, $0x1;
	s10 =	sld [smem:$0x3FAC];
	_ =	sdelay $0x3  }
0x37: {  	[smem:$0x3FAC] =	sst s10  }
0x38: {  	s10 =	sld [smem:$0x3FAD]  }
0x39: {  	_ = 	snop;
	(pc) =	sbr.ind lr, $3  }
0x3a: {  	_ = 	snop  }
0x3b: {  	_ = 	snop  }
0x3c: {  	p2 =	seq.s32 s10, $0x1;
	s10 =	sld [smem:$0x3FAC]  }
0x3d: {  	_ =	shalt  }
0x3e: {  	_ =	shalt  }
0x3f: {  	_ =	shalt  }
0x40: {  	_ =	shalt  }
0x41: {  	_ =	shalt  }
0x42: {  	_ =	shalt  }
0x43: {  	_ =	shalt  }
0x44: {  	_ =	shalt  }
0x45: {  	_ =	shalt  }
0x46: {  	_ =	shalt  }
0x47: {  	_ =	shalt  }
0x48: {  	_ =	shalt  }
0x49: {  	_ =	shalt  }
0x4a: {  	_ =	shalt  }
0x4b: {  	_ =	shalt  }
0x4c: {  	_ =	shalt  }
0x4d: {  	_ =	shalt  }
0x4e: {  	_ =	shalt  }
0x4f: {  	_ =	shalt  }
0x50: {  	_ =	shalt  }
0x51: {  	_ =	shalt  }
0x52: {  	_ =	shalt  }
0x53: {  	_ =	shalt  }
0x54: {  	_ =	shalt  }
0x55: {  	_ =	shalt  }
0x56: {  	_ =	shalt  }
0x57: {  	_ =	shalt  }
0x58: {  	_ =	shalt  }
0x59: {  	_ =	shalt  }
0x5a: {  	_ =	shalt  }
0x5b: {  	_ =	shalt  }
0x5c: {  	_ =	shalt  }
0x5d: {  	_ =	shalt  }
0x5e: {  	_ =	shalt  }
0x5f: {  	_ =	shalt  }
0x60: {  	_ =	shalt  }
0x61: {  	_ =	shalt  }
0x62: {  	_ =	shalt  }
0x63: {  	_ =	shalt  }
0x64: {  	_ =	shalt  }
0x65: {  	_ =	shalt  }
0x66: {  	_ =	shalt  }
0x67: {  	_ =	shalt  }
0x68: {  	_ =	shalt  }
0x69: {  	_ =	shalt  }
0x6a: {  	_ =	shalt  }
0x6b: {  	_ =	shalt  }
0x6c: {  	_ =	shalt  }
0x6d: {  	_ =	shalt  }
0x6e: {  	_ =	shalt  }
0x6f: {  	_ =	shalt  }
0x70: {  	_ =	shalt  }
0x71: {  	_ =	shalt  }
0x72: {  	_ =	shalt  }
0x73: {  	_ =	shalt  }
0x74: {  	_ =	shalt  }
0x75: {  	_ =	shalt  }
0x76: {  	_ =	shalt  }
0x77: {  	_ =	shalt  }
0x78: {  	_ =	shalt  }
0x79: {  	_ =	shalt  }
0x7a: {  	_ =	shalt  }
0x7b: {  	_ =	shalt  }
0x7c: {  	_ =	shalt  }
0x7d: {  	_ =	shalt  }
0x7e: {  	_ =	shalt  }
0x7f: {  	_ =	shalt  }
0x80: {  	_ =	shalt  }
0x81: {  	_ =	shalt  }
0x82: {  	_ =	shalt  }
0x83: {  	_ =	shalt  }
0x84: {  	_ =	shalt  }
0x85: {  	_ =	shalt  }
0x86: {  	_ =	shalt  }
0x87: {  	_ =	shalt  }
.Lfunc_end0:
.L_simem_size_0:
called_computation.3_lowered:
.L_overlay_start_0:
0x88: {  	s2 =	sld [smem:$0x3FD9]  }
0x89: {  	s3 =	sld [smem:$0x3FFE];
	_ =	sdelay $0x1  }
0x8a: {  	s1 =	srdreg.scid  }
0x8b: {  	s0 =	sand.u32 $0x1, s1  }
0x8c: {  	s16 =	sshll.u32 s0, $0xA;
	s2 =	sadd.s32 s3, s2  }
0x8d: {  	s2 =	sadd.s32 s2, s16  }
0x8e: {  	[smem:$0x3FB8] =	sst s2  }
0x8f: {  	_ = 	snop  }
0x90: {  	(tm) =	ssettm $0x1  }
0x91: {  	s17 =	sld [smem:$0x3FFB];
	_ =	sdelay $0x3  }
0x92: {  	_ =	strace s17  }
0x93: {  	s2 =	sld [smem:$0x3FFC];
	_ =	sdelay $0x3  }
0x94: {  	_ =	strace s2  }
0x95: {  	s2 =	sld [smem:$0x3FFD];
	_ =	sdelay $0x3  }
0x96: {  	_ =	strace s2  }
0x97: {  	_ =	strace $0x8FFFFFFF  }
0x98: {  	s18 =	sld [smem:$0x3FDB];
	_ =	sdelay $0x1  }
0x99: {  	s19 =	simm.s32 $_scs_section_size  }
0x9a: {  	s4 =	simm.s32 $_size__tile_overlayer_lowered;
	s5 =	simm.s32 $_tile_overlayer_lowered  }
0x9b: {  	s22 =	simm.s32 $0x1BFF;
	s21 =	sshll.u32 s5, $0x1;
	s2 =	sadd.s32 s19, s18  }
0x9c: {  	s6 =	simm.s32 $0x0;
	s20 =	sshll.u32 s4, $0x1;
	s4 =	sadd.s32 s21, s2  }
0x9d: {  	[timem:s6], [sflag:s22] =	dma.local [hbm:s4], s20  }
0x9e: {  	_ =	swait.ge [sflag:s22], s20  }
0x9f: {  	s3 =	ssub.s32 $0x0, s20;
	[sflag:s22] =	ssyncset.done $0x0  }
0xa0: {  	[sflag:s22] =	ssyncadd.s32 s3;
	_ =	sdelay $0x1  }
0xa1: {  	s23 =	simm.s32 $0x1B8B  }
0xa2: {  	_ =	swait.ge [sflag:s23], $0x1  }
0xa3: {  	[sflag:s23] =	ssyncset.done $0x0  }
0xa4: {  	s25 =	simm.s32 $0x1B8E;
	s24 =	sld [smem:$0x3FFE];
	[sflag:s23] =	ssyncadd.s32 $0xFFFFFFFF  }
0xa5: {  	s26 =	simm.s32 $execute0_lowered;
	[smem:$0x3FD2] =	sst s25  }
0xa6: {  	s4 =	sshll.u32 s26, $0x1;
	_ =	strace $0x8000004F;
	[dreg:$0x1] =	wrdreg $0xFFFFFFFF  }
0xa7: {  	s28 =	simm.s32 $_size_execute0_lowered;
	s2 =	sadd.s32 s2, s4;
	[dreg:$0x0] =	wrdreg $0x0  }
0xa8: {  	s4 =	sshll.u32 s28, $0x1;
	[dreg:$0x2] =	wrdreg s2  }
0xa9: {  	[dreg:$0x3] =	wrdreg s4  }
0xaa: {  	[dreg:$0x4] =	wrdreg $0xC0  }
0xab: {  	_ =	task [dreg:s6], $0x5FFFF  }
0xac: {  	[dreg:$0x1] =	wrdreg $0xFFFFFFFF  }
0xad: {  	[dreg:$0x0] =	wrdreg $0x60  }
0xae: {  	[dreg:$0x2] =	wrdreg s24  }
0xaf: {  	[dreg:$0x3] =	wrdreg $0xA8000  }
0xb0: {  	[dreg:$0x4] =	wrdreg $0x9  }
0xb1: {  	_ =	task.clear_ibuf [dreg:s6], $0x5FFFF;
	_ =	strace $0x9000004F  }
0xb2: {  	s29 =	simm.s32 $0x9;
	_ =	strace $0x80000051  }
0xb3: {  	_ =	swait.ge [sflag:s29], $0x1  }
0xb4: {  	[sflag:s29] =	ssyncadd.s32 $0xFFFFFFFF  }
0xb5: {  	_ =	strace $0x90000051  }
0xb6: {  	_ =	sfence  }
0xb7: {  	s30 =	sld [smem:$0x0];
	_ =	sdelay $0x2  }
0xb8: {  	s31 =	sshll.u32 s1, $0xD;
	s1 =	sshrl.u32 s1, $0x2  }
0xb9: {  	s3 =	sand.u32 $0x4000, s31;
	s1 =	sadd.s32 s1, s30  }
0xba: {  	s0 =	sor.u32 s3, s0;
	s1 =	sshll.u32 s1, $0x11  }
0xbb: {  	s0 =	sor.u32 s1, s0  }
0xbc: {  	s0 =	sadd.s32 $0x8F2B, s0  }
0xbd: {  	[sflag:s0] =	ssyncadd.remote.s32 $0x1  }
0xbe: {  	_ =	sfence.sel $0xFFFF  }
0xbf: {  	[dreg:$0x0] =	wrdreg $0xFFFFFFFF;
	(pc) =	sbr.abs _section_cstart, $3  }
0xc0: {  	[dreg:$0x1] =	wrdreg $0xFFFFFFFF  }
0xc1: {  	_ =	task.clear_ibuf [dreg:s6], $0x2FFFF;
	_ =	strace $0x9FFFFFFF  }
0xc2: {  	(tm) =	ssettm $0x7FFFFFFF  }
0xc3: {  	_ =	shalt  }
tec
execute0_lowered:
.L_overlay_start_1:
0x0: {  	(tag) =	ssettag $0x1  }
0x1: {  	s7 =	rddreg [dreg:$0x0]  }
0x2: {  	s1 =	rddreg [dreg:$0x1]  }
0x3: {  	s0 =	rddreg [dreg:$0x2]  }
0x4: {  	s3 =	simm.s32 $0x0;
	s2 =	srdreg.scid;
	s16 =	simm.s32 $0x2800  }
0x5: {  	s17 =	simm.s32 $0x4800;
	s18 =	simm.s32 $0x80;
	s8 =	sand.u32 $0x1, s2  }
0x6: {  	s19 =	simm.s32 $0x6800;
	s2 =	stileid.u32;
	s9 =	smul.u32 $0x13C000, s8  }
0x7: {  	s20 =	simm.s32 $0xC0;
	s21 =	simm.s32 $0x8800;
	s10 =	smul.u32 $0x13C00, s2  }
0x8: {  	s22 =	simm.s32 $0x1;
	s23 =	simm.s32 $0x2;
	s11 =	smul.u32 $0x4F000, s2  }
0x9: {  	[smem:$0x7FF] =	sst s3;
	s4 =	sadd.s32 $0x55000, s7;
	s12 =	smul.u32 $0x27800, s8  }
0xa: {  	s5 =	sadd.s32 $0xA4000, s7;
	s6 =	sadd.s32 $0xB8000, s7;
	s14 =	smul.u32 $0x2780, s2  }
0xb: {  	_ =	strace $0x80000050;
	s24 =	ssub.s32 $0x2, s8;
	s25 =	smul.u32 $0x50000, s8  }
0xc: {  	s29 =	smul.u32 $0x5000, s2;
	s31 =	sshll.u32 s2, $0x6;
	s13 =	sshrl.u32 s24, $0x1  }
0xd: {  	s8 =	sor.u32 $0x1C03, s31;
	s9 =	sadd.s32 s10, s9;
	s13 =	ssub.s32 s24, s13  }
0xe: {  	s26 =	sshrl.u32 s11, $0x2;
	s28 =	sadd.s32 s14, s12;
	s14 =	simm.s32 $0x1400  }
0xf: {  	s24 =	simm.s32 $0x2700;
	s9 =	sshrl.u32 s9, $0x3;
	s30 =	sadd.s32 s26, s1  }
0x10: {  	s11 =	smax.u32 s13, $0x1;
	s13 =	simm.s32 $0x3;
	s15 =	sadd.s32 s9, s7  }
0x11: {  	s7 =	sadd.s32 s4, s28;
	s9 =	sadd.s32 s29, s25;
	s12 =	sshrl.u32 s30, $0x3  }
0x12: {  	s25 =	simm.s32 $0x2780;
	s10 =	sadd.s32 $0xCC000, s15;
	s15 =	simm.s32 $0x40  }
.LBB2_1:
0x13: {  	[spmem:s12], [sflag:s8] =	dma.local [hbm:s7], $0x2780  }
0x14: {  	_ =	swait.ge [sflag:s13], $0x2780  }
0x15: {  	[sflag:s13] =	ssyncset.done $0x0  }
0x16: {  	[sflag:s13] =	ssyncadd.s32 $0xFFFFD880  }
0x17: {  	s26 =	simm.s32 $0x0;
	[bflag:$0x0] =	sbarrier.arrive $0xFFFF  }
.LBB2_2:
0x18: {  	s28 =	smul.u32 $0x1400, s26;
	_ =	sdelay $0x1  }
0x19: {  	s28 =	sadd.s32 s28, s9  }
0x1a: {  	s28 =	sshrl.u32 s28, $0x3  }
0x1b: {  	s30 =	simm.s32 $0x0;
	s29 =	sadd.s32 s5, s28  }
0x1c: {  	[tilespmem:s30], [sflag:$0x3] =	stream.linear.gather [hbm4b:s29+s30], $0x1400, $0x38;
	[tilespmem:$0x1E400] =	vst v63  }
0x1d: {  	_ =	swait.ge [sflag:s13], $0x1400  }
0x1e: {  	[sflag:s13] =	ssyncset.done $0x0  }
0x1f: {  	s28 =	sadd.s32 s6, s28;
	[sflag:s13] =	ssyncadd.s32 $0xFFFFEC00  }
0x20: {  	[tilespmem:s14], [sflag:$0x3] =	stream.linear.gather [hbm4b:s28+s30], $0x1400, $0x38;
	[tilespmem:$0x1E400] =	vst v63  }
0x21: {  	_ =	swait.ge [sflag:s13], $0x1400  }
0x22: {  	[sflag:s13] =	ssyncset.done $0x0  }
0x23: {  	[sflag:s13] =	ssyncadd.s32 $0xFFFFEC00  }
0x24: {  	[tilespmem:s16], [sflag:$0x1] =	stream.indirect.gather [hbm4b:s4+s15], $0x80, s30, s15, $0xb8;
	[tilespmem:$0x1E400] =	vst v63  }
0x25: {  	_ = 	snop  }
0x26: {  	[tilespmem:s17], [sflag:$0x1] =	stream.indirect.gather [hbm4b:s4+s15], $0x80, s15, s15, $0xb8;
	[tilespmem:$0x1E400] =	vst v63  }
0x27: {  	_ = 	snop  }
0x28: {  	[tilespmem:s19], [sflag:$0x2] =	stream.indirect.gather [hbm4b:s4+s15], $0x80, s18, s15, $0xb8;
	[tilespmem:$0x1E400] =	vst v63  }
0x29: {  	_ = 	snop  }
0x2a: {  	[tilespmem:s21], [sflag:$0x2] =	stream.indirect.gather [hbm4b:s4+s15], $0x80, s20, s15, $0xb8;
	[tilespmem:$0x1E400] =	vst v63  }
0x2b: {  	_ =	swait.ge [sflag:s22], $0x2000  }
0x2c: {  	[sflag:s22] =	ssyncset.done $0x0  }
0x2d: {  	[sflag:s22] =	ssyncadd.s32 $0xFFFFE000  }
0x2e: {  	_ =	swait.ge [sflag:s22], $0x2000  }
0x2f: {  	[sflag:s22] =	ssyncset.done $0x0  }
0x30: {  	s28 =	simm.s32 $0x100;
	[sflag:s22] =	ssyncadd.s32 $0xFFFFE000  }
0x31: {  	[tilespmem:s16], [sflag:$0x1] =	stream.indirect.gather [hbm4b:s4+s15], $0x80, s28, s15, $0xb8;
	[tilespmem:$0x1E400] =	vst v63  }
0x32: {  	s28 =	simm.s32 $0x140  }
0x33: {  	[tilespmem:s17], [sflag:$0x1] =	stream.indirect.gather [hbm4b:s4+s15], $0x80, s28, s15, $0xb8;
	[tilespmem:$0x1E400] =	vst v63  }
0x34: {  	s28 =	simm.s32 $0x1400  }
0x35: {  	[spmem:s1] =	stream.indirect.scatter.add.f32 [tilespmem:s16], [sflag:$0x3], $0x80, s28, s18, $0xb8;
	[tilespmem:$0x1E400] =	vst v63  }
0x36: {  	_ =	swait.ge [sflag:s13], $0x4000  }
0x37: {  	[sflag:s13] =	ssyncset.done $0x0  }
0x38: {  	[sflag:s13] =	ssyncadd.s32 $0xFFFFC000  }
0x39: {  	_ =	swait.ge [sflag:s23], $0x2000  }
0x3a: {  	[sflag:s23] =	ssyncset.done $0x0  }
0x3b: {  	[sflag:s23] =	ssyncadd.s32 $0xFFFFE000  }
0x3c: {  	_ =	swait.ge [sflag:s23], $0x2000  }
0x3d: {  	[sflag:s23] =	ssyncset.done $0x0  }
0x3e: {  	s28 =	simm.s32 $0x180;
	[sflag:s23] =	ssyncadd.s32 $0xFFFFE000  }
0x3f: {  	[tilespmem:s19], [sflag:$0x2] =	stream.indirect.gather [hbm4b:s4+s15], $0x80, s28, s15, $0xb8;
	[tilespmem:$0x1E400] =	vst v63  }
0x40: {  	s28 =	simm.s32 $0x1C0  }
0x41: {  	[tilespmem:s21], [sflag:$0x2] =	stream.indirect.gather [hbm4b:s4+s15], $0x80, s28, s15, $0xb8;
	[tilespmem:$0x1E400] =	vst v63  }
0x42: {  	s28 =	simm.s32 $0x1480  }
0x43: {  	[spmem:s1] =	stream.indirect.scatter.add.f32 [tilespmem:s19], [sflag:$0x3], $0x80, s28, s18, $0xb8;
	[tilespmem:$0x1E400] =	vst v63  }
0x44: {  	_ =	swait.ge [sflag:s13], $0x4000  }
0x45: {  	s28 =	simm.s32 $0x400;
	[sflag:s13] =	ssyncset.done $0x0  }
.LBB2_3:
0x46: {  	p0 =	sne.s32 s28, $0x4800  }
0x47: {  	[sflag:s13] =	ssyncadd.s32 $0xFFFFC000;
	s29 =	smov.u32 s28;
	s28 =	sadd.s32 $0x400, s28  }
0x48: {  	_ = 	snop  }
0x49: {  	_ =	swait.ge [sflag:s22], $0x2000  }
0x4a: {  	[sflag:s22] =	ssyncset.done $0x0  }
0x4b: {  	[sflag:s22] =	ssyncadd.s32 $0xFFFFE000  }
0x4c: {  	_ =	swait.ge [sflag:s22], $0x2000  }
0x4d: {  	s29 =	sshra.s32 s29, $0x2;
	[sflag:s22] =	ssyncset.done $0x0  }
0x4e: {  	s30 =	sadd.s32 $0x100, s29;
	[sflag:s22] =	ssyncadd.s32 $0xFFFFE000  }
0x4f: {  	[tilespmem:s16], [sflag:$0x1] =	stream.indirect.gather [hbm4b:s4+s15], $0x80, s30, s15, $0xb8;
	[tilespmem:$0x1E400] =	vst v63  }
0x50: {  	s30 =	sadd.s32 $0x140, s29  }
0x51: {  	[tilespmem:s17], [sflag:$0x1] =	stream.indirect.gather [hbm4b:s4+s15], $0x80, s30, s15, $0xb8;
	[tilespmem:$0x1E400] =	vst v63  }
0x52: {  	s30 =	sadd.s32 $0x1400, s29  }
0x53: {  	[spmem:s1] =	stream.indirect.scatter.add.f32 [tilespmem:s16], [sflag:$0x3], $0x80, s30, s18, $0xb8;
	[tilespmem:$0x1E400] =	vst v63  }
0x54: {  	_ =	swait.ge [sflag:s13], $0x4000  }
0x55: {  	[sflag:s13] =	ssyncset.done $0x0  }
0x56: {  	[sflag:s13] =	ssyncadd.s32 $0xFFFFC000  }
0x57: {  	_ =	swait.ge [sflag:s23], $0x2000  }
0x58: {  	[sflag:s23] =	ssyncset.done $0x0  }
0x59: {  	[sflag:s23] =	ssyncadd.s32 $0xFFFFE000  }
0x5a: {  	_ =	swait.ge [sflag:s23], $0x2000  }
0x5b: {  	[sflag:s23] =	ssyncset.done $0x0  }
0x5c: {  	s30 =	sadd.s32 $0x180, s29;
	[sflag:s23] =	ssyncadd.s32 $0xFFFFE000  }
0x5d: {  	[tilespmem:s19], [sflag:$0x2] =	stream.indirect.gather [hbm4b:s4+s15], $0x80, s30, s15, $0xb8;
	[tilespmem:$0x1E400] =	vst v63  }
0x5e: {  	s30 =	sadd.s32 $0x1C0, s29  }
0x5f: {  	[tilespmem:s21], [sflag:$0x2] =	stream.indirect.gather [hbm4b:s4+s15], $0x80, s30, s15, $0xb8;
	[tilespmem:$0x1E400] =	vst v63  }
.Ltmp0:
0x60: {  	_ = 	snop;
	(pc) =	sbr.rel @p0 .LBB2_3-.Ltmp0, $4  }
0x61: {  	s29 =	sadd.s32 $0x1480, s29  }
0x62: {  	[spmem:s1] =	stream.indirect.scatter.add.f32 [tilespmem:s19], [sflag:$0x3], $0x80, s29, s18, $0xb8;
	[tilespmem:$0x1E400] =	vst v63  }
0x63: {  	_ =	swait.ge [sflag:s13], $0x4000  }
0x64: {  	[sflag:s13] =	ssyncset.done $0x0  }
0x65: {  	[sflag:s13] =	ssyncadd.s32 $0xFFFFC000  }
0x66: {  	_ =	swait.ge [sflag:s22], $0x2000  }
0x67: {  	[sflag:s22] =	ssyncset.done $0x0  }
0x68: {  	[sflag:s22] =	ssyncadd.s32 $0xFFFFE000  }
0x69: {  	_ =	swait.ge [sflag:s22], $0x2000  }
0x6a: {  	[sflag:s22] =	ssyncset.done $0x0  }
0x6b: {  	[sflag:s22] =	ssyncadd.s32 $0xFFFFE000  }
0x6c: {  	[spmem:s1] =	stream.indirect.scatter.add.f32 [tilespmem:s16], [sflag:$0x3], $0x80, s24, s18, $0xb8;
	[tilespmem:$0x1E400] =	vst v63  }
0x6d: {  	_ =	swait.ge [sflag:s13], $0x4000  }
0x6e: {  	[sflag:s13] =	ssyncset.done $0x0  }
0x6f: {  	[sflag:s13] =	ssyncadd.s32 $0xFFFFC000  }
0x70: {  	_ =	swait.ge [sflag:s23], $0x2000  }
0x71: {  	[sflag:s23] =	ssyncset.done $0x0  }
0x72: {  	[sflag:s23] =	ssyncadd.s32 $0xFFFFE000  }
0x73: {  	s26 =	sadd.s32 $0x1, s26;
	_ =	swait.ge [sflag:s23], $0x2000  }
0x74: {  	p0 =	sne.s32 s26, $0x4;
	[sflag:s23] =	ssyncset.done $0x0  }
.Ltmp1:
0x75: {  	[sflag:s23] =	ssyncadd.s32 $0xFFFFE000;
	(pc) =	sbr.rel @p0 .LBB2_2-.Ltmp1, $4  }
0x76: {  	[spmem:s1] =	stream.indirect.scatter.add.f32 [tilespmem:s19], [sflag:$0x3], $0x80, s25, s18, $0xb8;
	[tilespmem:$0x1E400] =	vst v63  }
0x77: {  	_ =	swait.ge [sflag:s13], $0x4000  }
0x78: {  	[sflag:s13] =	ssyncset.done $0x0  }
0x79: {  	[sflag:s13] =	ssyncadd.s32 $0xFFFFC000  }
0x7a: {  	s3 =	sadd.s32 $0x1, s3  }
0x7b: {  	p0 =	sne.s32 s3, s11  }
.Ltmp2:
0x7c: {  	[bflag:$0x0] =	sbarrier.arrive $0xFFFF;
	(pc) =	sbr.rel @p0 .LBB2_1-.Ltmp2, $4  }
0x7d: {  	[hbm:s10], [sflag:s8] =	dma.local [spmem:s12], $0x2780  }
0x7e: {  	_ =	swait.ge [sflag:s13], $0x2780  }
0x7f: {  	[sflag:s13] =	ssyncset.done $0x0  }
0x80: {  	[sflag:s13] =	ssyncadd.s32 $0xFFFFD880  }
0x81: {  	_ =	sfence.sel $0x180000  }
0x82: {  	[bflag:$0x0] =	sbarrier.arrive $0xFFFF  }
0x83: {  	p0 =	sne.s32 s2, $0x0;
	_ =	strace $0x90000050  }
0x84: {  	s0 =	sadd.s32 @!p0 $0x100000, s0;
	[bflag:$0x2] =	sbarrier.arrive $0xFFFF  }
0x85: {  	[sflag:s0] =	ssyncadd.tile.s32 @!p0 $0x1;
	_ =	shalt  }
.Lfunc_end2:
_tile_overlayer_lowered:
.L_overlay_start_2:
0x86: {  	(tag) =	ssettag $0x2  }
0x87: {  	s0 =	rddreg [dreg:$0x0];
	s2 =	stileid.u32  }
0x88: {  	s1 =	rddreg [dreg:$0x1];
	p0 =	sne.s32 s2, $0x0  }
0x89: {  	s3 =	rddreg [dreg:$0x2];
	[bflag:$0x3] =	sbarrier.arrive $0xFFFF;
	s2 =	simm.s32 @!p0 $0x1C03  }
0x8a: {  	[timem:s3], [sflag:s2] =	dma.local @!p0 [hbm:s0], s1  }
0x8b: {  	s0 =	simm.s32 @!p0 $0x3  }
0x8c: {  	_ =	swait.ge @!p0 [sflag:s0], s1  }
0x8d: {  	s1 =	ssub.s32 @!p0 $0x0, s1;
	[sflag:s0] =	ssyncset.done @!p0 $0x0  }
0x8e: {  	[sflag:s0] =	ssyncadd.s32 @!p0 s1  }
0x8f: {  	[bflag:$0x3] =	sbarrier.arrive $0xFFFF  }
0x90: {  	_ =	shalt  }

</sc_bundles>
